<compile_context>
chip_gen: v7x
topology: tpu7x:2x2x1
jax: 0.10.2.dev20260603
libtpu: 0.0.44.dev20260713+nightly
codegen_flags: <defaults>
</compile_context>

<pallas_src>
import functools

import jax
from jax import lax
import jax.numpy as jnp
from jax.experimental import pallas as pl
from jax.experimental.pallas import tpu as pltpu
from jax.experimental.pallas import tpu_sc as plsc

D_MODEL = 64
SCALE = 8.0
LANES = 16
C = 128
NBUF = 4
NW = 32


def kernel(x, table):
    S, T = x.shape
    V, D = table.shape
    n_units = T * (S // C)
    per_w = n_units // NW
    n_groups = per_w // NBUF

    xt = x.T.astype(jnp.int32).reshape(n_units, C)

    mesh = plsc.VectorSubcoreMesh(core_axis_name="core", subcore_axis_name="subcore")

    @functools.partial(
        pl.kernel,
        out_type=jax.ShapeDtypeStruct((T, D // 8, S // C, 8, C), table.dtype),
        mesh=mesh,
        scratch_types=[
            pltpu.VMEM((per_w, C), jnp.int32),
            pltpu.VMEM((NBUF, C, D_MODEL), jnp.float32),
            pltpu.VMEM((NBUF, D // 8, 8, C + 1), jnp.float32),
            pltpu.SemaphoreType.DMA,
            [pltpu.SemaphoreType.DMA] * NBUF,
            [pltpu.SemaphoreType.DMA] * NBUF,
        ],
        compiler_params=pltpu.CompilerParams(
            use_tc_tiling_on_sc=False, needs_layout_passes=False),
    )
    def gather_scale(table_hbm, idx_hbm, out_hbm, idx_v, in_v, out_v,
                     sem_i, sem_g, sem_o):
        wid = lax.axis_index("subcore") * 2 + lax.axis_index("core")
        u0 = wid * per_w
        pltpu.async_copy(idx_hbm.at[pl.ds(u0, per_w)], idx_v, sem_i).wait()

        def start_gather(step, b):
            pltpu.make_async_copy(
                table_hbm.at[idx_v.at[step]], in_v.at[b], sem_g[b]).start()

        def wait_gather(step, b):
            pltpu.make_async_copy(
                table_hbm.at[idx_v.at[step]], in_v.at[b], sem_g[b]).wait()

        def out_copies(step, b):
            u = u0 + step
            t = lax.shift_right_logical(u, 5)
            tg = lax.bitwise_and(u, (S // C) - 1)
            return [
                pltpu.make_async_copy(
                    out_v.at[b, :, :, pl.ds(0, C)], out_hbm.at[t, :, tg],
                    sem_o[b])
            ]

        lane = lax.iota(jnp.int32, LANES)

        def transpose_scale(b):
            src = in_v.at[b]
            dst = out_v.at[b]
            rows_j = [
                lax.shift_right_logical(lane + dc * LANES, 3)
                for dc in range(D_MODEL // LANES)
            ]
            rows_di = [
                lax.bitwise_and(lane + dc * LANES, 7)
                for dc in range(D_MODEL // LANES)
            ]

            @plsc.parallel_loop(0, C, step=1, unroll=8)
            def _(s):
                col = jnp.full((LANES,), 0, jnp.int32) + s
                for dc in range(D_MODEL // LANES):
                    vals = src[s, pl.ds(dc * LANES, LANES)] * SCALE
                    plsc.store_scatter(dst, [rows_j[dc], rows_di[dc], col], vals)

        for b in range(NBUF):
            start_gather(b, b)

        @pl.loop(0, n_groups)
        def _(g):
            step0 = g * NBUF
            for b in range(NBUF):
                wait_gather(step0 + b, b)

                @pl.when(g > 0)
                def _():
                    for cp in out_copies(step0 + b - NBUF, b):
                        cp.wait()

                transpose_scale(b)

                for cp in out_copies(step0 + b, b):
                    cp.start()

                @pl.when(g < n_groups - 1)
                def _():
                    start_gather(step0 + b + NBUF, b)

        for b in range(NBUF):
            for cp in out_copies(per_w - NBUF + b, b):
                cp.wait()

    out5d = gather_scale(table, xt)
    return out5d.transpose(2, 4, 0, 1, 3).reshape(S, T, D)

# --- scband reference (transcript-rebuilt; emitter-appended) ---
"""Pipeline reference for scband-embeddings-6408091205968 (READ-ONLY COPY).

The authoritative reference and input builder live on the scoring server;
editing this copy changes nothing except your own understanding.
"""

import jax, jax.numpy as jnp
import numpy as np
import math

D_MODEL = 64
VOCAB = 1000000

def setup_inputs(seed: int = 0) -> dict:
    key = jax.random.key(seed)
    k1, k2 = jax.random.split(key)
    x = jax.random.randint(k1, (4096, 200), 0, VOCAB, dtype=jnp.int64)
    table = jax.random.normal(k2, (VOCAB, D_MODEL), dtype=jnp.float32)
    return {"x": x, "table": table}

def reference(x, table):
    # Embeddings.forward: self.embed(x) * math.sqrt(self.d_model)
    emb = jnp.take(table, x, axis=0)
    return emb * math.sqrt(D_MODEL)

if __name__ == "__main__":
    import jax
    _d = setup_inputs()
    print(jax.jit(kernel)(*tuple(_d.values())))

</pallas_src>

<mosaic_0001>
#map = affine_map<(d0, d1) -> (0, 0)>
#map1 = affine_map<(d0, d1) -> (0, 0, 0, 0, 0)>
module attributes {stable_mosaic.version = 14 : i64} {
  func.func @gather_scale(%arg0: i32, %arg1: i32, %arg2: memref<1000000x64xf32, #tpu.memory_space<hbm>>, %arg3: memref<6400x128xi32, #tpu.memory_space<hbm>>, %arg4: memref<200x8x32x8x128xf32, #tpu.memory_space<hbm>>, %arg5: memref<200x128xi32, #tpu.memory_space<vmem>>, %arg6: memref<4x128x64xf32, #tpu.memory_space<vmem>>, %arg7: memref<4x8x8x129xf32, #tpu.memory_space<vmem>>, %arg8: memref<!tpu.dma_semaphore, #tpu.memory_space<semaphore_mem>>, %arg9: memref<!tpu.dma_semaphore, #tpu.memory_space<semaphore_mem>>, %arg10: memref<!tpu.dma_semaphore, #tpu.memory_space<semaphore_mem>>, %arg11: memref<!tpu.dma_semaphore, #tpu.memory_space<semaphore_mem>>, %arg12: memref<!tpu.dma_semaphore, #tpu.memory_space<semaphore_mem>>, %arg13: memref<!tpu.dma_semaphore, #tpu.memory_space<semaphore_mem>>, %arg14: memref<!tpu.dma_semaphore, #tpu.memory_space<semaphore_mem>>, %arg15: memref<!tpu.dma_semaphore, #tpu.memory_space<semaphore_mem>>, %arg16: memref<!tpu.dma_semaphore, #tpu.memory_space<semaphore_mem>>) attributes {dimension_semantics = [#tpu.dimension_semantics<core_parallel>, #tpu.dimension_semantics<subcore_parallel>], iteration_bounds = array<i64: 2, 16>, scalar_prefetch = 0 : i64, scratch_operands = 12 : i64, tpu.core_type = #tpu.core_type<sc_vector_subcore>, window_params = [{transform_indices = #map}, {transform_indices = #map}, {transform_indices = #map1}]} {
    %mul3A = arith.constant 2 : i32
    %mul3A_0 = arith.muli %arg1, %mul3A : i32
    %add3A = arith.addi %mul3A_0, %arg0 : i32
    %mul3A_1 = arith.constant 200 : i32
    %mul3A_2 = arith.muli %add3A, %mul3A_1 : i32
    %dma_start3A = arith.constant 0 : i32
    %dma_start3A_3 = tpu.memref_slice %arg3[%mul3A_2, %dma_start3A] : memref<6400x128xi32, #tpu.memory_space<hbm>> -> memref<200x128xi32, #tpu.memory_space<hbm>>
    %dma_start3A_4 = arith.constant 0 : i32
    %dma_start3A_5 = tpu.memref_slice %arg3[%mul3A_2, %dma_start3A_4] : memref<6400x128xi32, #tpu.memory_space<hbm>> -> memref<200x128xi32, #tpu.memory_space<hbm>>
    tpu.enqueue_dma source(%dma_start3A_5 : memref<200x128xi32, #tpu.memory_space<hbm>>) target(%arg5 : memref<200x128xi32, #tpu.memory_space<vmem>>) target_semaphore(%arg8 : memref<!tpu.dma_semaphore, #tpu.memory_space<semaphore_mem>>)
    %dma_wait3A = arith.constant 0 : i32
    %dma_wait3A_6 = tpu.memref_slice %arg3[%mul3A_2, %dma_wait3A] : memref<6400x128xi32, #tpu.memory_space<hbm>> -> memref<200x128xi32, #tpu.memory_space<hbm>>
    %dma_wait3A_7 = arith.constant 0 : i32
    %dma_wait3A_8 = tpu.memref_slice %arg3[%mul3A_2, %dma_wait3A_7] : memref<6400x128xi32, #tpu.memory_space<hbm>> -> memref<200x128xi32, #tpu.memory_space<hbm>>
    tpu.wait_dma2 semaphore(%arg8 : memref<!tpu.dma_semaphore, #tpu.memory_space<semaphore_mem>>) src(%dma_wait3A_8 : memref<200x128xi32, #tpu.memory_space<hbm>>) dst(%arg5 : memref<200x128xi32, #tpu.memory_space<vmem>>)
    %iota3A = tpu.iota {dimensions = array<i32: 0>} : vector<16xi32>
    %dma_start3A_9 = arith.constant 0 : i32
    %dma_start3A_10 = arith.constant 0 : i32
    %dma_start3A_11 = arith.constant 0 : i32
    %dma_start3A_12 = arith.constant 0 : i32
    %dma_start3A_13 = tpu.memref_slice %arg6[%dma_start3A_10, %dma_start3A_11, %dma_start3A_12] : memref<4x128x64xf32, #tpu.memory_space<vmem>> -> memref<1x128x64xf32, #tpu.memory_space<vmem>>
    %dma_start3A_14 = tpu.memref_squeeze %dma_start3A_13 : memref<1x128x64xf32, #tpu.memory_space<vmem>> -> memref<128x64xf32, #tpu.memory_space<vmem>>
    %dma_start3A_15 = arith.constant 0 : i32
    %dma_start3A_16 = tpu.memref_slice %arg5[%dma_start3A_9, %dma_start3A_15] : memref<200x128xi32, #tpu.memory_space<vmem>> -> memref<1x128xi32, #tpu.memory_space<vmem>>
    %dma_start3A_17 = tpu.memref_squeeze %dma_start3A_16 : memref<1x128xi32, #tpu.memory_space<vmem>> -> memref<128xi32, #tpu.memory_space<vmem>>
    %dma_start3A_18 = arith.constant 0 : i32
    %dma_start3A_19 = arith.constant 0 : i32
    %dma_start3A_20 = tpu.memref_slice %arg2[%dma_start3A_18, %dma_start3A_19] : memref<1000000x64xf32, #tpu.memory_space<hbm>> -> memref<1000000x64xf32, #tpu.memory_space<hbm>>
    tpu.enqueue_indirect_dma source(%dma_start3A_20 : memref<1000000x64xf32, #tpu.memory_space<hbm>>) target(%dma_start3A_14 : memref<128x64xf32, #tpu.memory_space<vmem>>) offsets(%dma_start3A_17 : memref<128xi32, #tpu.memory_space<vmem>>) semaphore(%arg9 : memref<!tpu.dma_semaphore, #tpu.memory_space<semaphore_mem>>)
    %dma_start3A_21 = arith.constant 1 : i32
    %dma_start3A_22 = arith.constant 1 : i32
    %dma_start3A_23 = arith.constant 0 : i32
    %dma_start3A_24 = arith.constant 0 : i32
    %dma_start3A_25 = tpu.memref_slice %arg6[%dma_start3A_22, %dma_start3A_23, %dma_start3A_24] : memref<4x128x64xf32, #tpu.memory_space<vmem>> -> memref<1x128x64xf32, #tpu.memory_space<vmem>>
    %dma_start3A_26 = tpu.memref_squeeze %dma_start3A_25 : memref<1x128x64xf32, #tpu.memory_space<vmem>> -> memref<128x64xf32, #tpu.memory_space<vmem>>
    %dma_start3A_27 = arith.constant 0 : i32
    %dma_start3A_28 = tpu.memref_slice %arg5[%dma_start3A_21, %dma_start3A_27] : memref<200x128xi32, #tpu.memory_space<vmem>> -> memref<1x128xi32, #tpu.memory_space<vmem>>
    %dma_start3A_29 = tpu.memref_squeeze %dma_start3A_28 : memref<1x128xi32, #tpu.memory_space<vmem>> -> memref<128xi32, #tpu.memory_space<vmem>>
    %dma_start3A_30 = arith.constant 0 : i32
    %dma_start3A_31 = arith.constant 0 : i32
    %dma_start3A_32 = tpu.memref_slice %arg2[%dma_start3A_30, %dma_start3A_31] : memref<1000000x64xf32, #tpu.memory_space<hbm>> -> memref<1000000x64xf32, #tpu.memory_space<hbm>>
    tpu.enqueue_indirect_dma source(%dma_start3A_32 : memref<1000000x64xf32, #tpu.memory_space<hbm>>) target(%dma_start3A_26 : memref<128x64xf32, #tpu.memory_space<vmem>>) offsets(%dma_start3A_29 : memref<128xi32, #tpu.memory_space<vmem>>) semaphore(%arg10 : memref<!tpu.dma_semaphore, #tpu.memory_space<semaphore_mem>>)
    %dma_start3A_33 = arith.constant 2 : i32
    %dma_start3A_34 = arith.constant 2 : i32
    %dma_start3A_35 = arith.constant 0 : i32
    %dma_start3A_36 = arith.constant 0 : i32
    %dma_start3A_37 = tpu.memref_slice %arg6[%dma_start3A_34, %dma_start3A_35, %dma_start3A_36] : memref<4x128x64xf32, #tpu.memory_space<vmem>> -> memref<1x128x64xf32, #tpu.memory_space<vmem>>
    %dma_start3A_38 = tpu.memref_squeeze %dma_start3A_37 : memref<1x128x64xf32, #tpu.memory_space<vmem>> -> memref<128x64xf32, #tpu.memory_space<vmem>>
    %dma_start3A_39 = arith.constant 0 : i32
    %dma_start3A_40 = tpu.memref_slice %arg5[%dma_start3A_33, %dma_start3A_39] : memref<200x128xi32, #tpu.memory_space<vmem>> -> memref<1x128xi32, #tpu.memory_space<vmem>>
    %dma_start3A_41 = tpu.memref_squeeze %dma_start3A_40 : memref<1x128xi32, #tpu.memory_space<vmem>> -> memref<128xi32, #tpu.memory_space<vmem>>
    %dma_start3A_42 = arith.constant 0 : i32
    %dma_start3A_43 = arith.constant 0 : i32
    %dma_start3A_44 = tpu.memref_slice %arg2[%dma_start3A_42, %dma_start3A_43] : memref<1000000x64xf32, #tpu.memory_space<hbm>> -> memref<1000000x64xf32, #tpu.memory_space<hbm>>
    tpu.enqueue_indirect_dma source(%dma_start3A_44 : memref<1000000x64xf32, #tpu.memory_space<hbm>>) target(%dma_start3A_38 : memref<128x64xf32, #tpu.memory_space<vmem>>) offsets(%dma_start3A_41 : memref<128xi32, #tpu.memory_space<vmem>>) semaphore(%arg11 : memref<!tpu.dma_semaphore, #tpu.memory_space<semaphore_mem>>)
    %dma_start3A_45 = arith.constant 3 : i32
    %dma_start3A_46 = arith.constant 3 : i32
    %dma_start3A_47 = arith.constant 0 : i32
    %dma_start3A_48 = arith.constant 0 : i32
    %dma_start3A_49 = tpu.memref_slice %arg6[%dma_start3A_46, %dma_start3A_47, %dma_start3A_48] : memref<4x128x64xf32, #tpu.memory_space<vmem>> -> memref<1x128x64xf32, #tpu.memory_space<vmem>>
    %dma_start3A_50 = tpu.memref_squeeze %dma_start3A_49 : memref<1x128x64xf32, #tpu.memory_space<vmem>> -> memref<128x64xf32, #tpu.memory_space<vmem>>
    %dma_start3A_51 = arith.constant 0 : i32
    %dma_start3A_52 = tpu.memref_slice %arg5[%dma_start3A_45, %dma_start3A_51] : memref<200x128xi32, #tpu.memory_space<vmem>> -> memref<1x128xi32, #tpu.memory_space<vmem>>
    %dma_start3A_53 = tpu.memref_squeeze %dma_start3A_52 : memref<1x128xi32, #tpu.memory_space<vmem>> -> memref<128xi32, #tpu.memory_space<vmem>>
    %dma_start3A_54 = arith.constant 0 : i32
    %dma_start3A_55 = arith.constant 0 : i32
    %dma_start3A_56 = tpu.memref_slice %arg2[%dma_start3A_54, %dma_start3A_55] : memref<1000000x64xf32, #tpu.memory_space<hbm>> -> memref<1000000x64xf32, #tpu.memory_space<hbm>>
    tpu.enqueue_indirect_dma source(%dma_start3A_56 : memref<1000000x64xf32, #tpu.memory_space<hbm>>) target(%dma_start3A_50 : memref<128x64xf32, #tpu.memory_space<vmem>>) offsets(%dma_start3A_53 : memref<128xi32, #tpu.memory_space<vmem>>) semaphore(%arg12 : memref<!tpu.dma_semaphore, #tpu.memory_space<semaphore_mem>>)
    %scan3A = arith.constant 0 : i32
    %scan3A_57 = arith.constant 50 : i32
    %scan3A_58 = arith.addi %scan3A, %scan3A_57 : i32
    %scan3A_59 = arith.constant 1 : i32
    scf.for %scan3A_167 = %scan3A to %scan3A_58 step %scan3A_59  : i32 {
      %mul3A_168 = arith.constant 1 : i32
      %mul3A_169 = arith.muli %scan3A_167, %mul3A_168 : i32
      %add3A_170 = arith.constant 0 : i32
      %add3A_171 = arith.addi %add3A_170, %mul3A_169 : i32
      %mul3A_172 = arith.constant 4 : i32
      %mul3A_173 = arith.muli %add3A_171, %mul3A_172 : i32
      %add3A_174 = arith.constant 0 : i32
      %add3A_175 = arith.addi %mul3A_173, %add3A_174 : i32
      %dma_wait3A_176 = arith.constant 0 : i32
      %dma_wait3A_177 = arith.constant 0 : i32
      %dma_wait3A_178 = arith.constant 0 : i32
      %dma_wait3A_179 = tpu.memref_slice %arg6[%dma_wait3A_176, %dma_wait3A_177, %dma_wait3A_178] : memref<4x128x64xf32, #tpu.memory_space<vmem>> -> memref<1x128x64xf32, #tpu.memory_space<vmem>>
      %dma_wait3A_180 = tpu.memref_squeeze %dma_wait3A_179 : memref<1x128x64xf32, #tpu.memory_space<vmem>> -> memref<128x64xf32, #tpu.memory_space<vmem>>
      %dma_wait3A_181 = arith.constant 0 : i32
      %dma_wait3A_182 = tpu.memref_slice %arg5[%add3A_175, %dma_wait3A_181] : memref<200x128xi32, #tpu.memory_space<vmem>> -> memref<1x128xi32, #tpu.memory_space<vmem>>
      %dma_wait3A_183 = tpu.memref_squeeze %dma_wait3A_182 : memref<1x128xi32, #tpu.memory_space<vmem>> -> memref<128xi32, #tpu.memory_space<vmem>>
      %dma_wait3A_184 = arith.constant 0 : i32
      %dma_wait3A_185 = arith.constant 0 : i32
      %dma_wait3A_186 = tpu.memref_slice %arg2[%dma_wait3A_184, %dma_wait3A_185] : memref<1000000x64xf32, #tpu.memory_space<hbm>> -> memref<1000000x64xf32, #tpu.memory_space<hbm>>
      tpu.wait_indirect_dma semaphore(%arg9 : memref<!tpu.dma_semaphore, #tpu.memory_space<semaphore_mem>>) src(%dma_wait3A_186 : memref<1000000x64xf32, #tpu.memory_space<hbm>>) dst(%dma_wait3A_180 : memref<128x64xf32, #tpu.memory_space<vmem>>)
      %gt3A = arith.constant 0 : i32
      %gt3A_187 = arith.cmpi sgt, %add3A_171, %gt3A : i32
      %convert_element_type3A = arith.extui %gt3A_187 : i1 to i32
      %cond3A = arith.constant 0 : i32
      %cond3A_188 = arith.cmpi ne, %convert_element_type3A, %cond3A : i32
      scf.if %cond3A_188 {
        %add3A_585 = arith.constant 0 : i32
        %add3A_586 = arith.addi %mul3A_173, %add3A_585 : i32
        %sub3A = arith.constant 4 : i32
        %sub3A_587 = arith.subi %add3A_586, %sub3A : i32
        %add3A_588 = arith.addi %mul3A_2, %sub3A_587 : i32
        %shift_right_logical3A_589 = arith.constant 5 : i32
        %shift_right_logical3A_590 = arith.shrui %add3A_588, %shift_right_logical3A_589 : i32
        %and3A_591 = arith.constant 31 : i32
        %and3A_592 = arith.andi %add3A_588, %and3A_591 : i32
        %dma_wait3A_593 = arith.constant 0 : i32
        %dma_wait3A_594 = arith.constant 0 : i32
        %dma_wait3A_595 = arith.constant 0 : i32
        %dma_wait3A_596 = arith.constant 0 : i32
        %dma_wait3A_597 = tpu.memref_slice %arg7[%dma_wait3A_593, %dma_wait3A_594, %dma_wait3A_595, %dma_wait3A_596] : memref<4x8x8x129xf32, #tpu.memory_space<vmem>> -> memref<1x8x8x128xf32, #tpu.memory_space<vmem>>
        %dma_wait3A_598 = tpu.memref_squeeze %dma_wait3A_597 : memref<1x8x8x128xf32, #tpu.memory_space<vmem>> -> memref<8x8x128xf32, #tpu.memory_space<vmem>>
        %dma_wait3A_599 = arith.constant 0 : i32
        %dma_wait3A_600 = arith.constant 0 : i32
        %dma_wait3A_601 = arith.constant 0 : i32
        %dma_wait3A_602 = tpu.memref_slice %arg4[%shift_right_logical3A_590, %dma_wait3A_599, %and3A_592, %dma_wait3A_600, %dma_wait3A_601] : memref<200x8x32x8x128xf32, #tpu.memory_space<hbm>> -> memref<1x8x1x8x128xf32, #tpu.memory_space<hbm>>
        %dma_wait3A_603 = tpu.memref_squeeze %dma_wait3A_602 : memref<1x8x1x8x128xf32, #tpu.memory_space<hbm>> -> memref<8x8x128xf32, #tpu.memory_space<hbm>>
        %dma_wait3A_604 = arith.constant 0 : i32
        %dma_wait3A_605 = arith.constant 0 : i32
        %dma_wait3A_606 = arith.constant 0 : i32
        %dma_wait3A_607 = tpu.memref_slice %arg4[%shift_right_logical3A_590, %dma_wait3A_604, %and3A_592, %dma_wait3A_605, %dma_wait3A_606] : memref<200x8x32x8x128xf32, #tpu.memory_space<hbm>> -> memref<1x8x1x8x128xf32, #tpu.memory_space<hbm>>
        %dma_wait3A_608 = tpu.memref_squeeze %dma_wait3A_607 : memref<1x8x1x8x128xf32, #tpu.memory_space<hbm>> -> memref<8x8x128xf32, #tpu.memory_space<hbm>>
        %dma_wait3A_609 = arith.constant 0 : i32
        %dma_wait3A_610 = arith.constant 0 : i32
        %dma_wait3A_611 = arith.constant 0 : i32
        %dma_wait3A_612 = tpu.memref_slice %arg7[%dma_wait3A_593, %dma_wait3A_609, %dma_wait3A_610, %dma_wait3A_611] : memref<4x8x8x129xf32, #tpu.memory_space<vmem>> -> memref<1x8x8x128xf32, #tpu.memory_space<vmem>>
        %dma_wait3A_613 = tpu.memref_squeeze %dma_wait3A_612 : memref<1x8x8x128xf32, #tpu.memory_space<vmem>> -> memref<8x8x128xf32, #tpu.memory_space<vmem>>
        tpu.wait_dma2 semaphore(%arg13 : memref<!tpu.dma_semaphore, #tpu.memory_space<semaphore_mem>>) src(%dma_wait3A_613 : memref<8x8x128xf32, #tpu.memory_space<vmem>>) dst(%dma_wait3A_608 : memref<8x8x128xf32, #tpu.memory_space<hbm>>)
      } else {
      }
      %add3A_189 = arith.constant 0 : i32
      %add3A_190 = vector.broadcast %add3A_189 : i32 to vector<16xi32>
      %add3A_191 = arith.addi %iota3A, %add3A_190 : vector<16xi32>
      %shift_right_logical3A_192 = arith.constant 3 : i32
      %shift_right_logical3A_193 = vector.broadcast %shift_right_logical3A_192 : i32 to vector<16xi32>
      %shift_right_logical3A_194 = arith.shrui %add3A_191, %shift_right_logical3A_193 : vector<16xi32>
      %add3A_195 = arith.constant 16 : i32
      %add3A_196 = vector.broadcast %add3A_195 : i32 to vector<16xi32>
      %add3A_197 = arith.addi %iota3A, %add3A_196 : vector<16xi32>
      %shift_right_logical3A_198 = arith.constant 3 : i32
      %shift_right_logical3A_199 = vector.broadcast %shift_right_logical3A_198 : i32 to vector<16xi32>
      %shift_right_logical3A_200 = arith.shrui %add3A_197, %shift_right_logical3A_199 : vector<16xi32>
      %add3A_201 = arith.constant 32 : i32
      %add3A_202 = vector.broadcast %add3A_201 : i32 to vector<16xi32>
      %add3A_203 = arith.addi %iota3A, %add3A_202 : vector<16xi32>
      %shift_right_logical3A_204 = arith.constant 3 : i32
      %shift_right_logical3A_205 = vector.broadcast %shift_right_logical3A_204 : i32 to vector<16xi32>
      %shift_right_logical3A_206 = arith.shrui %add3A_203, %shift_right_logical3A_205 : vector<16xi32>
      %add3A_207 = arith.constant 48 : i32
      %add3A_208 = vector.broadcast %add3A_207 : i32 to vector<16xi32>
      %add3A_209 = arith.addi %iota3A, %add3A_208 : vector<16xi32>
      %shift_right_logical3A_210 = arith.constant 3 : i32
      %shift_right_logical3A_211 = vector.broadcast %shift_right_logical3A_210 : i32 to vector<16xi32>
      %shift_right_logical3A_212 = arith.shrui %add3A_209, %shift_right_logical3A_211 : vector<16xi32>
      %add3A_213 = arith.constant 0 : i32
      %add3A_214 = vector.broadcast %add3A_213 : i32 to vector<16xi32>
      %add3A_215 = arith.addi %iota3A, %add3A_214 : vector<16xi32>
      %and3A_216 = arith.constant 7 : i32
      %and3A_217 = vector.broadcast %and3A_216 : i32 to vector<16xi32>
      %and3A_218 = arith.andi %add3A_215, %and3A_217 : vector<16xi32>
      %add3A_219 = arith.constant 16 : i32
      %add3A_220 = vector.broadcast %add3A_219 : i32 to vector<16xi32>
      %add3A_221 = arith.addi %iota3A, %add3A_220 : vector<16xi32>
      %and3A_222 = arith.constant 7 : i32
      %and3A_223 = vector.broadcast %and3A_222 : i32 to vector<16xi32>
      %and3A_224 = arith.andi %add3A_221, %and3A_223 : vector<16xi32>
      %add3A_225 = arith.constant 32 : i32
      %add3A_226 = vector.broadcast %add3A_225 : i32 to vector<16xi32>
      %add3A_227 = arith.addi %iota3A, %add3A_226 : vector<16xi32>
      %and3A_228 = arith.constant 7 : i32
      %and3A_229 = vector.broadcast %and3A_228 : i32 to vector<16xi32>
      %and3A_230 = arith.andi %add3A_227, %and3A_229 : vector<16xi32>
      %add3A_231 = arith.constant 48 : i32
      %add3A_232 = vector.broadcast %add3A_231 : i32 to vector<16xi32>
      %add3A_233 = arith.addi %iota3A, %add3A_232 : vector<16xi32>
      %and3A_234 = arith.constant 7 : i32
      %and3A_235 = vector.broadcast %and3A_234 : i32 to vector<16xi32>
      %and3A_236 = arith.andi %add3A_233, %and3A_235 : vector<16xi32>
      %parallel_loop3A = arith.constant 0 : i32
      %parallel_loop3A_237 = arith.constant 128 : i32
      %parallel_loop3A_238 = arith.constant 1 : i32
      %parallel_loop3A_239 = arith.constant 0 : i32
      %parallel_loop3A_240 = arith.constant 0 : i32
      scf.for %parallel_loop3A_585 = %parallel_loop3A to %parallel_loop3A_237 step %parallel_loop3A_238  : i32 {
        %parallel_loop3A_586 = arith.constant 0 : i32
        %parallel_loop3A_587 = vector.broadcast %parallel_loop3A_586 : i32 to vector<16xi32>
        %parallel_loop3A_588 = vector.broadcast %parallel_loop3A_585 : i32 to vector<16xi32>
        %parallel_loop3A_589 = arith.addi %parallel_loop3A_587, %parallel_loop3A_588 : vector<16xi32>
        %parallel_loop3A_590 = arith.constant 0 : i32
        %parallel_loop3A_591 = arith.constant 0 : i32
        %parallel_loop3A_592 = tpu.memref_slice %arg6[%parallel_loop3A_239, %parallel_loop3A_590, %parallel_loop3A_591] : memref<4x128x64xf32, #tpu.memory_space<vmem>> -> memref<1x128x64xf32, #tpu.memory_space<vmem>>
        %parallel_loop3A_593 = tpu.memref_squeeze %parallel_loop3A_592 : memref<1x128x64xf32, #tpu.memory_space<vmem>> -> memref<128x64xf32, #tpu.memory_space<vmem>>
        %parallel_loop3A_594 = arith.index_cast %parallel_loop3A_585 : i32 to index
        %parallel_loop3A_595 = arith.constant 0 : index
        %parallel_loop3A_596 = tpu.vector_load %parallel_loop3A_593[%parallel_loop3A_594, %parallel_loop3A_595] {strides = array<i32>} : memref<128x64xf32, #tpu.memory_space<vmem>>, vector<16xf32>,
        %parallel_loop3A_597 = arith.constant 8.000000e+00 : f32
        %parallel_loop3A_598 = vector.broadcast %parallel_loop3A_597 : f32 to vector<16xf32>
        %parallel_loop3A_599 = arith.mulf %parallel_loop3A_596, %parallel_loop3A_598 : vector<16xf32>
        %parallel_loop3A_600 = arith.constant 0 : i32
        %parallel_loop3A_601 = arith.constant 0 : i32
        %parallel_loop3A_602 = arith.constant 0 : i32
        %parallel_loop3A_603 = tpu.memref_slice %arg7[%parallel_loop3A_240, %parallel_loop3A_600, %parallel_loop3A_601, %parallel_loop3A_602] : memref<4x8x8x129xf32, #tpu.memory_space<vmem>> -> memref<1x8x8x129xf32, #tpu.memory_space<vmem>>
        %parallel_loop3A_604 = tpu.memref_squeeze %parallel_loop3A_603 : memref<1x8x8x129xf32, #tpu.memory_space<vmem>> -> memref<8x8x129xf32, #tpu.memory_space<vmem>>
        tpu.vector_store_idx %parallel_loop3A_604[%shift_right_logical3A_194, %and3A_218, %parallel_loop3A_589], %parallel_loop3A_599 : memref<8x8x129xf32, #tpu.memory_space<vmem>>[vector<16xi32>, vector<16xi32>, vector<16xi32>], vector<16xf32>,
        %parallel_loop3A_605 = arith.constant 0 : i32
        %parallel_loop3A_606 = arith.constant 0 : i32
        %parallel_loop3A_607 = tpu.memref_slice %arg6[%parallel_loop3A_239, %parallel_loop3A_605, %parallel_loop3A_606] : memref<4x128x64xf32, #tpu.memory_space<vmem>> -> memref<1x128x64xf32, #tpu.memory_space<vmem>>
        %parallel_loop3A_608 = tpu.memref_squeeze %parallel_loop3A_607 : memref<1x128x64xf32, #tpu.memory_space<vmem>> -> memref<128x64xf32, #tpu.memory_space<vmem>>
        %parallel_loop3A_609 = arith.index_cast %parallel_loop3A_585 : i32 to index
        %parallel_loop3A_610 = arith.constant 16 : index
        %parallel_loop3A_611 = tpu.vector_load %parallel_loop3A_608[%parallel_loop3A_609, %parallel_loop3A_610] {strides = array<i32>} : memref<128x64xf32, #tpu.memory_space<vmem>>, vector<16xf32>,
        %parallel_loop3A_612 = arith.constant 8.000000e+00 : f32
        %parallel_loop3A_613 = vector.broadcast %parallel_loop3A_612 : f32 to vector<16xf32>
        %parallel_loop3A_614 = arith.mulf %parallel_loop3A_611, %parallel_loop3A_613 : vector<16xf32>
        %parallel_loop3A_615 = arith.constant 0 : i32
        %parallel_loop3A_616 = arith.constant 0 : i32
        %parallel_loop3A_617 = arith.constant 0 : i32
        %parallel_loop3A_618 = tpu.memref_slice %arg7[%parallel_loop3A_240, %parallel_loop3A_615, %parallel_loop3A_616, %parallel_loop3A_617] : memref<4x8x8x129xf32, #tpu.memory_space<vmem>> -> memref<1x8x8x129xf32, #tpu.memory_space<vmem>>
        %parallel_loop3A_619 = tpu.memref_squeeze %parallel_loop3A_618 : memref<1x8x8x129xf32, #tpu.memory_space<vmem>> -> memref<8x8x129xf32, #tpu.memory_space<vmem>>
        tpu.vector_store_idx %parallel_loop3A_619[%shift_right_logical3A_200, %and3A_224, %parallel_loop3A_589], %parallel_loop3A_614 : memref<8x8x129xf32, #tpu.memory_space<vmem>>[vector<16xi32>, vector<16xi32>, vector<16xi32>], vector<16xf32>,
        %parallel_loop3A_620 = arith.constant 0 : i32
        %parallel_loop3A_621 = arith.constant 0 : i32
        %parallel_loop3A_622 = tpu.memref_slice %arg6[%parallel_loop3A_239, %parallel_loop3A_620, %parallel_loop3A_621] : memref<4x128x64xf32, #tpu.memory_space<vmem>> -> memref<1x128x64xf32, #tpu.memory_space<vmem>>
        %parallel_loop3A_623 = tpu.memref_squeeze %parallel_loop3A_622 : memref<1x128x64xf32, #tpu.memory_space<vmem>> -> memref<128x64xf32, #tpu.memory_space<vmem>>
        %parallel_loop3A_624 = arith.index_cast %parallel_loop3A_585 : i32 to index
        %parallel_loop3A_625 = arith.constant 32 : index
        %parallel_loop3A_626 = tpu.vector_load %parallel_loop3A_623[%parallel_loop3A_624, %parallel_loop3A_625] {strides = array<i32>} : memref<128x64xf32, #tpu.memory_space<vmem>>, vector<16xf32>,
        %parallel_loop3A_627 = arith.constant 8.000000e+00 : f32
        %parallel_loop3A_628 = vector.broadcast %parallel_loop3A_627 : f32 to vector<16xf32>
        %parallel_loop3A_629 = arith.mulf %parallel_loop3A_626, %parallel_loop3A_628 : vector<16xf32>
        %parallel_loop3A_630 = arith.constant 0 : i32
        %parallel_loop3A_631 = arith.constant 0 : i32
        %parallel_loop3A_632 = arith.constant 0 : i32
        %parallel_loop3A_633 = tpu.memref_slice %arg7[%parallel_loop3A_240, %parallel_loop3A_630, %parallel_loop3A_631, %parallel_loop3A_632] : memref<4x8x8x129xf32, #tpu.memory_space<vmem>> -> memref<1x8x8x129xf32, #tpu.memory_space<vmem>>
        %parallel_loop3A_634 = tpu.memref_squeeze %parallel_loop3A_633 : memref<1x8x8x129xf32, #tpu.memory_space<vmem>> -> memref<8x8x129xf32, #tpu.memory_space<vmem>>
        tpu.vector_store_idx %parallel_loop3A_634[%shift_right_logical3A_206, %and3A_230, %parallel_loop3A_589], %parallel_loop3A_629 : memref<8x8x129xf32, #tpu.memory_space<vmem>>[vector<16xi32>, vector<16xi32>, vector<16xi32>], vector<16xf32>,
        %parallel_loop3A_635 = arith.constant 0 : i32
        %parallel_loop3A_636 = arith.constant 0 : i32
        %parallel_loop3A_637 = tpu.memref_slice %arg6[%parallel_loop3A_239, %parallel_loop3A_635, %parallel_loop3A_636] : memref<4x128x64xf32, #tpu.memory_space<vmem>> -> memref<1x128x64xf32, #tpu.memory_space<vmem>>
        %parallel_loop3A_638 = tpu.memref_squeeze %parallel_loop3A_637 : memref<1x128x64xf32, #tpu.memory_space<vmem>> -> memref<128x64xf32, #tpu.memory_space<vmem>>
        %parallel_loop3A_639 = arith.index_cast %parallel_loop3A_585 : i32 to index
        %parallel_loop3A_640 = arith.constant 48 : index
        %parallel_loop3A_641 = tpu.vector_load %parallel_loop3A_638[%parallel_loop3A_639, %parallel_loop3A_640] {strides = array<i32>} : memref<128x64xf32, #tpu.memory_space<vmem>>, vector<16xf32>,
        %parallel_loop3A_642 = arith.constant 8.000000e+00 : f32
        %parallel_loop3A_643 = vector.broadcast %parallel_loop3A_642 : f32 to vector<16xf32>
        %parallel_loop3A_644 = arith.mulf %parallel_loop3A_641, %parallel_loop3A_643 : vector<16xf32>
        %parallel_loop3A_645 = arith.constant 0 : i32
        %parallel_loop3A_646 = arith.constant 0 : i32
        %parallel_loop3A_647 = arith.constant 0 : i32
        %parallel_loop3A_648 = tpu.memref_slice %arg7[%parallel_loop3A_240, %parallel_loop3A_645, %parallel_loop3A_646, %parallel_loop3A_647] : memref<4x8x8x129xf32, #tpu.memory_space<vmem>> -> memref<1x8x8x129xf32, #tpu.memory_space<vmem>>
        %parallel_loop3A_649 = tpu.memref_squeeze %parallel_loop3A_648 : memref<1x8x8x129xf32, #tpu.memory_space<vmem>> -> memref<8x8x129xf32, #tpu.memory_space<vmem>>
        tpu.vector_store_idx %parallel_loop3A_649[%shift_right_logical3A_212, %and3A_236, %parallel_loop3A_589], %parallel_loop3A_644 : memref<8x8x129xf32, #tpu.memory_space<vmem>>[vector<16xi32>, vector<16xi32>, vector<16xi32>], vector<16xf32>,
      } {sc.loop_unroll_factor = 8 : i64, sc.parallel_access}
      %add3A_241 = arith.constant 0 : i32
      %add3A_242 = arith.addi %mul3A_173, %add3A_241 : i32
      %add3A_243 = arith.addi %mul3A_2, %add3A_242 : i32
      %shift_right_logical3A_244 = arith.constant 5 : i32
      %shift_right_logical3A_245 = arith.shrui %add3A_243, %shift_right_logical3A_244 : i32
      %and3A_246 = arith.constant 31 : i32
      %and3A_247 = arith.andi %add3A_243, %and3A_246 : i32
      %dma_start3A_248 = arith.constant 0 : i32
      %dma_start3A_249 = arith.constant 0 : i32
      %dma_start3A_250 = arith.constant 0 : i32
      %dma_start3A_251 = arith.constant 0 : i32
      %dma_start3A_252 = tpu.memref_slice %arg7[%dma_start3A_248, %dma_start3A_249, %dma_start3A_250, %dma_start3A_251] : memref<4x8x8x129xf32, #tpu.memory_space<vmem>> -> memref<1x8x8x128xf32, #tpu.memory_space<vmem>>
      %dma_start3A_253 = tpu.memref_squeeze %dma_start3A_252 : memref<1x8x8x128xf32, #tpu.memory_space<vmem>> -> memref<8x8x128xf32, #tpu.memory_space<vmem>>
      %dma_start3A_254 = arith.constant 0 : i32
      %dma_start3A_255 = arith.constant 0 : i32
      %dma_start3A_256 = arith.constant 0 : i32
      %dma_start3A_257 = tpu.memref_slice %arg4[%shift_right_logical3A_245, %dma_start3A_254, %and3A_247, %dma_start3A_255, %dma_start3A_256] : memref<200x8x32x8x128xf32, #tpu.memory_space<hbm>> -> memref<1x8x1x8x128xf32, #tpu.memory_space<hbm>>
      %dma_start3A_258 = tpu.memref_squeeze %dma_start3A_257 : memref<1x8x1x8x128xf32, #tpu.memory_space<hbm>> -> memref<8x8x128xf32, #tpu.memory_space<hbm>>
      %dma_start3A_259 = arith.constant 0 : i32
      %dma_start3A_260 = arith.constant 0 : i32
      %dma_start3A_261 = arith.constant 0 : i32
      %dma_start3A_262 = tpu.memref_slice %arg4[%shift_right_logical3A_245, %dma_start3A_259, %and3A_247, %dma_start3A_260, %dma_start3A_261] : memref<200x8x32x8x128xf32, #tpu.memory_space<hbm>> -> memref<1x8x1x8x128xf32, #tpu.memory_space<hbm>>
      %dma_start3A_263 = tpu.memref_squeeze %dma_start3A_262 : memref<1x8x1x8x128xf32, #tpu.memory_space<hbm>> -> memref<8x8x128xf32, #tpu.memory_space<hbm>>
      %dma_start3A_264 = arith.constant 0 : i32
      %dma_start3A_265 = arith.constant 0 : i32
      %dma_start3A_266 = arith.constant 0 : i32
      %dma_start3A_267 = tpu.memref_slice %arg7[%dma_start3A_248, %dma_start3A_264, %dma_start3A_265, %dma_start3A_266] : memref<4x8x8x129xf32, #tpu.memory_space<vmem>> -> memref<1x8x8x128xf32, #tpu.memory_space<vmem>>
      %dma_start3A_268 = tpu.memref_squeeze %dma_start3A_267 : memref<1x8x8x128xf32, #tpu.memory_space<vmem>> -> memref<8x8x128xf32, #tpu.memory_space<vmem>>
      tpu.enqueue_dma source(%dma_start3A_268 : memref<8x8x128xf32, #tpu.memory_space<vmem>>) target(%dma_start3A_263 : memref<8x8x128xf32, #tpu.memory_space<hbm>>) target_semaphore(%arg13 : memref<!tpu.dma_semaphore, #tpu.memory_space<semaphore_mem>>)
      %lt3A = arith.constant 49 : i32
      %lt3A_269 = arith.cmpi slt, %add3A_171, %lt3A : i32
      %convert_element_type3A_270 = arith.extui %lt3A_269 : i1 to i32
      %cond3A_271 = arith.constant 0 : i32
      %cond3A_272 = arith.cmpi ne, %convert_element_type3A_270, %cond3A_271 : i32
      scf.if %cond3A_272 {
        %add3A_585 = arith.constant 0 : i32
        %add3A_586 = arith.addi %mul3A_173, %add3A_585 : i32
        %add3A_587 = arith.constant 4 : i32
        %add3A_588 = arith.addi %add3A_586, %add3A_587 : i32
        %dma_start3A_589 = arith.constant 0 : i32
        %dma_start3A_590 = arith.constant 0 : i32
        %dma_start3A_591 = arith.constant 0 : i32
        %dma_start3A_592 = tpu.memref_slice %arg6[%dma_start3A_589, %dma_start3A_590, %dma_start3A_591] : memref<4x128x64xf32, #tpu.memory_space<vmem>> -> memref<1x128x64xf32, #tpu.memory_space<vmem>>
        %dma_start3A_593 = tpu.memref_squeeze %dma_start3A_592 : memref<1x128x64xf32, #tpu.memory_space<vmem>> -> memref<128x64xf32, #tpu.memory_space<vmem>>
        %dma_start3A_594 = arith.constant 0 : i32
        %dma_start3A_595 = tpu.memref_slice %arg5[%add3A_588, %dma_start3A_594] : memref<200x128xi32, #tpu.memory_space<vmem>> -> memref<1x128xi32, #tpu.memory_space<vmem>>
        %dma_start3A_596 = tpu.memref_squeeze %dma_start3A_595 : memref<1x128xi32, #tpu.memory_space<vmem>> -> memref<128xi32, #tpu.memory_space<vmem>>
        %dma_start3A_597 = arith.constant 0 : i32
        %dma_start3A_598 = arith.constant 0 : i32
        %dma_start3A_599 = tpu.memref_slice %arg2[%dma_start3A_597, %dma_start3A_598] : memref<1000000x64xf32, #tpu.memory_space<hbm>> -> memref<1000000x64xf32, #tpu.memory_space<hbm>>
        tpu.enqueue_indirect_dma source(%dma_start3A_599 : memref<1000000x64xf32, #tpu.memory_space<hbm>>) target(%dma_start3A_593 : memref<128x64xf32, #tpu.memory_space<vmem>>) offsets(%dma_start3A_596 : memref<128xi32, #tpu.memory_space<vmem>>) semaphore(%arg9 : memref<!tpu.dma_semaphore, #tpu.memory_space<semaphore_mem>>)
      } else {
      }
      %add3A_273 = arith.constant 1 : i32
      %add3A_274 = arith.addi %mul3A_173, %add3A_273 : i32
      %dma_wait3A_275 = arith.constant 1 : i32
      %dma_wait3A_276 = arith.constant 0 : i32
      %dma_wait3A_277 = arith.constant 0 : i32
      %dma_wait3A_278 = tpu.memref_slice %arg6[%dma_wait3A_275, %dma_wait3A_276, %dma_wait3A_277] : memref<4x128x64xf32, #tpu.memory_space<vmem>> -> memref<1x128x64xf32, #tpu.memory_space<vmem>>
      %dma_wait3A_279 = tpu.memref_squeeze %dma_wait3A_278 : memref<1x128x64xf32, #tpu.memory_space<vmem>> -> memref<128x64xf32, #tpu.memory_space<vmem>>
      %dma_wait3A_280 = arith.constant 0 : i32
      %dma_wait3A_281 = tpu.memref_slice %arg5[%add3A_274, %dma_wait3A_280] : memref<200x128xi32, #tpu.memory_space<vmem>> -> memref<1x128xi32, #tpu.memory_space<vmem>>
      %dma_wait3A_282 = tpu.memref_squeeze %dma_wait3A_281 : memref<1x128xi32, #tpu.memory_space<vmem>> -> memref<128xi32, #tpu.memory_space<vmem>>
      %dma_wait3A_283 = arith.constant 0 : i32
      %dma_wait3A_284 = arith.constant 0 : i32
      %dma_wait3A_285 = tpu.memref_slice %arg2[%dma_wait3A_283, %dma_wait3A_284] : memref<1000000x64xf32, #tpu.memory_space<hbm>> -> memref<1000000x64xf32, #tpu.memory_space<hbm>>
      tpu.wait_indirect_dma semaphore(%arg10 : memref<!tpu.dma_semaphore, #tpu.memory_space<semaphore_mem>>) src(%dma_wait3A_285 : memref<1000000x64xf32, #tpu.memory_space<hbm>>) dst(%dma_wait3A_279 : memref<128x64xf32, #tpu.memory_space<vmem>>)
      %gt3A_286 = arith.constant 0 : i32
      %gt3A_287 = arith.cmpi sgt, %add3A_171, %gt3A_286 : i32
      %convert_element_type3A_288 = arith.extui %gt3A_287 : i1 to i32
      %cond3A_289 = arith.constant 0 : i32
      %cond3A_290 = arith.cmpi ne, %convert_element_type3A_288, %cond3A_289 : i32
      scf.if %cond3A_290 {
        %add3A_585 = arith.constant 1 : i32
        %add3A_586 = arith.addi %mul3A_173, %add3A_585 : i32
        %sub3A = arith.constant 4 : i32
        %sub3A_587 = arith.subi %add3A_586, %sub3A : i32
        %add3A_588 = arith.addi %mul3A_2, %sub3A_587 : i32
        %shift_right_logical3A_589 = arith.constant 5 : i32
        %shift_right_logical3A_590 = arith.shrui %add3A_588, %shift_right_logical3A_589 : i32
        %and3A_591 = arith.constant 31 : i32
        %and3A_592 = arith.andi %add3A_588, %and3A_591 : i32
        %dma_wait3A_593 = arith.constant 1 : i32
        %dma_wait3A_594 = arith.constant 0 : i32
        %dma_wait3A_595 = arith.constant 0 : i32
        %dma_wait3A_596 = arith.constant 0 : i32
        %dma_wait3A_597 = tpu.memref_slice %arg7[%dma_wait3A_593, %dma_wait3A_594, %dma_wait3A_595, %dma_wait3A_596] : memref<4x8x8x129xf32, #tpu.memory_space<vmem>> -> memref<1x8x8x128xf32, #tpu.memory_space<vmem>>
        %dma_wait3A_598 = tpu.memref_squeeze %dma_wait3A_597 : memref<1x8x8x128xf32, #tpu.memory_space<vmem>> -> memref<8x8x128xf32, #tpu.memory_space<vmem>>
        %dma_wait3A_599 = arith.constant 0 : i32
        %dma_wait3A_600 = arith.constant 0 : i32
        %dma_wait3A_601 = arith.constant 0 : i32
        %dma_wait3A_602 = tpu.memref_slice %arg4[%shift_right_logical3A_590, %dma_wait3A_599, %and3A_592, %dma_wait3A_600, %dma_wait3A_601] : memref<200x8x32x8x128xf32, #tpu.memory_space<hbm>> -> memref<1x8x1x8x128xf32, #tpu.memory_space<hbm>>
        %dma_wait3A_603 = tpu.memref_squeeze %dma_wait3A_602 : memref<1x8x1x8x128xf32, #tpu.memory_space<hbm>> -> memref<8x8x128xf32, #tpu.memory_space<hbm>>
        %dma_wait3A_604 = arith.constant 0 : i32
        %dma_wait3A_605 = arith.constant 0 : i32
        %dma_wait3A_606 = arith.constant 0 : i32
        %dma_wait3A_607 = tpu.memref_slice %arg4[%shift_right_logical3A_590, %dma_wait3A_604, %and3A_592, %dma_wait3A_605, %dma_wait3A_606] : memref<200x8x32x8x128xf32, #tpu.memory_space<hbm>> -> memref<1x8x1x8x128xf32, #tpu.memory_space<hbm>>
        %dma_wait3A_608 = tpu.memref_squeeze %dma_wait3A_607 : memref<1x8x1x8x128xf32, #tpu.memory_space<hbm>> -> memref<8x8x128xf32, #tpu.memory_space<hbm>>
        %dma_wait3A_609 = arith.constant 0 : i32
        %dma_wait3A_610 = arith.constant 0 : i32
        %dma_wait3A_611 = arith.constant 0 : i32
        %dma_wait3A_612 = tpu.memref_slice %arg7[%dma_wait3A_593, %dma_wait3A_609, %dma_wait3A_610, %dma_wait3A_611] : memref<4x8x8x129xf32, #tpu.memory_space<vmem>> -> memref<1x8x8x128xf32, #tpu.memory_space<vmem>>
        %dma_wait3A_613 = tpu.memref_squeeze %dma_wait3A_612 : memref<1x8x8x128xf32, #tpu.memory_space<vmem>> -> memref<8x8x128xf32, #tpu.memory_space<vmem>>
        tpu.wait_dma2 semaphore(%arg14 : memref<!tpu.dma_semaphore, #tpu.memory_space<semaphore_mem>>) src(%dma_wait3A_613 : memref<8x8x128xf32, #tpu.memory_space<vmem>>) dst(%dma_wait3A_608 : memref<8x8x128xf32, #tpu.memory_space<hbm>>)
      } else {
      }
      %add3A_291 = arith.constant 0 : i32
      %add3A_292 = vector.broadcast %add3A_291 : i32 to vector<16xi32>
      %add3A_293 = arith.addi %iota3A, %add3A_292 : vector<16xi32>
      %shift_right_logical3A_294 = arith.constant 3 : i32
      %shift_right_logical3A_295 = vector.broadcast %shift_right_logical3A_294 : i32 to vector<16xi32>
      %shift_right_logical3A_296 = arith.shrui %add3A_293, %shift_right_logical3A_295 : vector<16xi32>
      %add3A_297 = arith.constant 16 : i32
      %add3A_298 = vector.broadcast %add3A_297 : i32 to vector<16xi32>
      %add3A_299 = arith.addi %iota3A, %add3A_298 : vector<16xi32>
      %shift_right_logical3A_300 = arith.constant 3 : i32
      %shift_right_logical3A_301 = vector.broadcast %shift_right_logical3A_300 : i32 to vector<16xi32>
      %shift_right_logical3A_302 = arith.shrui %add3A_299, %shift_right_logical3A_301 : vector<16xi32>
      %add3A_303 = arith.constant 32 : i32
      %add3A_304 = vector.broadcast %add3A_303 : i32 to vector<16xi32>
      %add3A_305 = arith.addi %iota3A, %add3A_304 : vector<16xi32>
      %shift_right_logical3A_306 = arith.constant 3 : i32
      %shift_right_logical3A_307 = vector.broadcast %shift_right_logical3A_306 : i32 to vector<16xi32>
      %shift_right_logical3A_308 = arith.shrui %add3A_305, %shift_right_logical3A_307 : vector<16xi32>
      %add3A_309 = arith.constant 48 : i32
      %add3A_310 = vector.broadcast %add3A_309 : i32 to vector<16xi32>
      %add3A_311 = arith.addi %iota3A, %add3A_310 : vector<16xi32>
      %shift_right_logical3A_312 = arith.constant 3 : i32
      %shift_right_logical3A_313 = vector.broadcast %shift_right_logical3A_312 : i32 to vector<16xi32>
      %shift_right_logical3A_314 = arith.shrui %add3A_311, %shift_right_logical3A_313 : vector<16xi32>
      %add3A_315 = arith.constant 0 : i32
      %add3A_316 = vector.broadcast %add3A_315 : i32 to vector<16xi32>
      %add3A_317 = arith.addi %iota3A, %add3A_316 : vector<16xi32>
      %and3A_318 = arith.constant 7 : i32
      %and3A_319 = vector.broadcast %and3A_318 : i32 to vector<16xi32>
      %and3A_320 = arith.andi %add3A_317, %and3A_319 : vector<16xi32>
      %add3A_321 = arith.constant 16 : i32
      %add3A_322 = vector.broadcast %add3A_321 : i32 to vector<16xi32>
      %add3A_323 = arith.addi %iota3A, %add3A_322 : vector<16xi32>
      %and3A_324 = arith.constant 7 : i32
      %and3A_325 = vector.broadcast %and3A_324 : i32 to vector<16xi32>
      %and3A_326 = arith.andi %add3A_323, %and3A_325 : vector<16xi32>
      %add3A_327 = arith.constant 32 : i32
      %add3A_328 = vector.broadcast %add3A_327 : i32 to vector<16xi32>
      %add3A_329 = arith.addi %iota3A, %add3A_328 : vector<16xi32>
      %and3A_330 = arith.constant 7 : i32
      %and3A_331 = vector.broadcast %and3A_330 : i32 to vector<16xi32>
      %and3A_332 = arith.andi %add3A_329, %and3A_331 : vector<16xi32>
      %add3A_333 = arith.constant 48 : i32
      %add3A_334 = vector.broadcast %add3A_333 : i32 to vector<16xi32>
      %add3A_335 = arith.addi %iota3A, %add3A_334 : vector<16xi32>
      %and3A_336 = arith.constant 7 : i32
      %and3A_337 = vector.broadcast %and3A_336 : i32 to vector<16xi32>
      %and3A_338 = arith.andi %add3A_335, %and3A_337 : vector<16xi32>
      %parallel_loop3A_339 = arith.constant 0 : i32
      %parallel_loop3A_340 = arith.constant 128 : i32
      %parallel_loop3A_341 = arith.constant 1 : i32
      %parallel_loop3A_342 = arith.constant 1 : i32
      %parallel_loop3A_343 = arith.constant 1 : i32
      scf.for %parallel_loop3A_585 = %parallel_loop3A_339 to %parallel_loop3A_340 step %parallel_loop3A_341  : i32 {
        %parallel_loop3A_586 = arith.constant 0 : i32
        %parallel_loop3A_587 = vector.broadcast %parallel_loop3A_586 : i32 to vector<16xi32>
        %parallel_loop3A_588 = vector.broadcast %parallel_loop3A_585 : i32 to vector<16xi32>
        %parallel_loop3A_589 = arith.addi %parallel_loop3A_587, %parallel_loop3A_588 : vector<16xi32>
        %parallel_loop3A_590 = arith.constant 0 : i32
        %parallel_loop3A_591 = arith.constant 0 : i32
        %parallel_loop3A_592 = tpu.memref_slice %arg6[%parallel_loop3A_342, %parallel_loop3A_590, %parallel_loop3A_591] : memref<4x128x64xf32, #tpu.memory_space<vmem>> -> memref<1x128x64xf32, #tpu.memory_space<vmem>>
        %parallel_loop3A_593 = tpu.memref_squeeze %parallel_loop3A_592 : memref<1x128x64xf32, #tpu.memory_space<vmem>> -> memref<128x64xf32, #tpu.memory_space<vmem>>
        %parallel_loop3A_594 = arith.index_cast %parallel_loop3A_585 : i32 to index
        %parallel_loop3A_595 = arith.constant 0 : index
        %parallel_loop3A_596 = tpu.vector_load %parallel_loop3A_593[%parallel_loop3A_594, %parallel_loop3A_595] {strides = array<i32>} : memref<128x64xf32, #tpu.memory_space<vmem>>, vector<16xf32>,
        %parallel_loop3A_597 = arith.constant 8.000000e+00 : f32
        %parallel_loop3A_598 = vector.broadcast %parallel_loop3A_597 : f32 to vector<16xf32>
        %parallel_loop3A_599 = arith.mulf %parallel_loop3A_596, %parallel_loop3A_598 : vector<16xf32>
        %parallel_loop3A_600 = arith.constant 0 : i32
        %parallel_loop3A_601 = arith.constant 0 : i32
        %parallel_loop3A_602 = arith.constant 0 : i32
        %parallel_loop3A_603 = tpu.memref_slice %arg7[%parallel_loop3A_343, %parallel_loop3A_600, %parallel_loop3A_601, %parallel_loop3A_602] : memref<4x8x8x129xf32, #tpu.memory_space<vmem>> -> memref<1x8x8x129xf32, #tpu.memory_space<vmem>>
        %parallel_loop3A_604 = tpu.memref_squeeze %parallel_loop3A_603 : memref<1x8x8x129xf32, #tpu.memory_space<vmem>> -> memref<8x8x129xf32, #tpu.memory_space<vmem>>
        tpu.vector_store_idx %parallel_loop3A_604[%shift_right_logical3A_296, %and3A_320, %parallel_loop3A_589], %parallel_loop3A_599 : memref<8x8x129xf32, #tpu.memory_space<vmem>>[vector<16xi32>, vector<16xi32>, vector<16xi32>], vector<16xf32>,
        %parallel_loop3A_605 = arith.constant 0 : i32
        %parallel_loop3A_606 = arith.constant 0 : i32
        %parallel_loop3A_607 = tpu.memref_slice %arg6[%parallel_loop3A_342, %parallel_loop3A_605, %parallel_loop3A_606] : memref<4x128x64xf32, #tpu.memory_space<vmem>> -> memref<1x128x64xf32, #tpu.memory_space<vmem>>
        %parallel_loop3A_608 = tpu.memref_squeeze %parallel_loop3A_607 : memref<1x128x64xf32, #tpu.memory_space<vmem>> -> memref<128x64xf32, #tpu.memory_space<vmem>>
        %parallel_loop3A_609 = arith.index_cast %parallel_loop3A_585 : i32 to index
        %parallel_loop3A_610 = arith.constant 16 : index
        %parallel_loop3A_611 = tpu.vector_load %parallel_loop3A_608[%parallel_loop3A_609, %parallel_loop3A_610] {strides = array<i32>} : memref<128x64xf32, #tpu.memory_space<vmem>>, vector<16xf32>,
        %parallel_loop3A_612 = arith.constant 8.000000e+00 : f32
        %parallel_loop3A_613 = vector.broadcast %parallel_loop3A_612 : f32 to vector<16xf32>
        %parallel_loop3A_614 = arith.mulf %parallel_loop3A_611, %parallel_loop3A_613 : vector<16xf32>
        %parallel_loop3A_615 = arith.constant 0 : i32
        %parallel_loop3A_616 = arith.constant 0 : i32
        %parallel_loop3A_617 = arith.constant 0 : i32
        %parallel_loop3A_618 = tpu.memref_slice %arg7[%parallel_loop3A_343, %parallel_loop3A_615, %parallel_loop3A_616, %parallel_loop3A_617] : memref<4x8x8x129xf32, #tpu.memory_space<vmem>> -> memref<1x8x8x129xf32, #tpu.memory_space<vmem>>
        %parallel_loop3A_619 = tpu.memref_squeeze %parallel_loop3A_618 : memref<1x8x8x129xf32, #tpu.memory_space<vmem>> -> memref<8x8x129xf32, #tpu.memory_space<vmem>>
        tpu.vector_store_idx %parallel_loop3A_619[%shift_right_logical3A_302, %and3A_326, %parallel_loop3A_589], %parallel_loop3A_614 : memref<8x8x129xf32, #tpu.memory_space<vmem>>[vector<16xi32>, vector<16xi32>, vector<16xi32>], vector<16xf32>,
        %parallel_loop3A_620 = arith.constant 0 : i32
        %parallel_loop3A_621 = arith.constant 0 : i32
        %parallel_loop3A_622 = tpu.memref_slice %arg6[%parallel_loop3A_342, %parallel_loop3A_620, %parallel_loop3A_621] : memref<4x128x64xf32, #tpu.memory_space<vmem>> -> memref<1x128x64xf32, #tpu.memory_space<vmem>>
        %parallel_loop3A_623 = tpu.memref_squeeze %parallel_loop3A_622 : memref<1x128x64xf32, #tpu.memory_space<vmem>> -> memref<128x64xf32, #tpu.memory_space<vmem>>
        %parallel_loop3A_624 = arith.index_cast %parallel_loop3A_585 : i32 to index
        %parallel_loop3A_625 = arith.constant 32 : index
        %parallel_loop3A_626 = tpu.vector_load %parallel_loop3A_623[%parallel_loop3A_624, %parallel_loop3A_625] {strides = array<i32>} : memref<128x64xf32, #tpu.memory_space<vmem>>, vector<16xf32>,
        %parallel_loop3A_627 = arith.constant 8.000000e+00 : f32
        %parallel_loop3A_628 = vector.broadcast %parallel_loop3A_627 : f32 to vector<16xf32>
        %parallel_loop3A_629 = arith.mulf %parallel_loop3A_626, %parallel_loop3A_628 : vector<16xf32>
        %parallel_loop3A_630 = arith.constant 0 : i32
        %parallel_loop3A_631 = arith.constant 0 : i32
        %parallel_loop3A_632 = arith.constant 0 : i32
        %parallel_loop3A_633 = tpu.memref_slice %arg7[%parallel_loop3A_343, %parallel_loop3A_630, %parallel_loop3A_631, %parallel_loop3A_632] : memref<4x8x8x129xf32, #tpu.memory_space<vmem>> -> memref<1x8x8x129xf32, #tpu.memory_space<vmem>>
        %parallel_loop3A_634 = tpu.memref_squeeze %parallel_loop3A_633 : memref<1x8x8x129xf32, #tpu.memory_space<vmem>> -> memref<8x8x129xf32, #tpu.memory_space<vmem>>
        tpu.vector_store_idx %parallel_loop3A_634[%shift_right_logical3A_308, %and3A_332, %parallel_loop3A_589], %parallel_loop3A_629 : memref<8x8x129xf32, #tpu.memory_space<vmem>>[vector<16xi32>, vector<16xi32>, vector<16xi32>], vector<16xf32>,
        %parallel_loop3A_635 = arith.constant 0 : i32
        %parallel_loop3A_636 = arith.constant 0 : i32
        %parallel_loop3A_637 = tpu.memref_slice %arg6[%parallel_loop3A_342, %parallel_loop3A_635, %parallel_loop3A_636] : memref<4x128x64xf32, #tpu.memory_space<vmem>> -> memref<1x128x64xf32, #tpu.memory_space<vmem>>
        %parallel_loop3A_638 = tpu.memref_squeeze %parallel_loop3A_637 : memref<1x128x64xf32, #tpu.memory_space<vmem>> -> memref<128x64xf32, #tpu.memory_space<vmem>>
        %parallel_loop3A_639 = arith.index_cast %parallel_loop3A_585 : i32 to index
        %parallel_loop3A_640 = arith.constant 48 : index
        %parallel_loop3A_641 = tpu.vector_load %parallel_loop3A_638[%parallel_loop3A_639, %parallel_loop3A_640] {strides = array<i32>} : memref<128x64xf32, #tpu.memory_space<vmem>>, vector<16xf32>,
        %parallel_loop3A_642 = arith.constant 8.000000e+00 : f32
        %parallel_loop3A_643 = vector.broadcast %parallel_loop3A_642 : f32 to vector<16xf32>
        %parallel_loop3A_644 = arith.mulf %parallel_loop3A_641, %parallel_loop3A_643 : vector<16xf32>
        %parallel_loop3A_645 = arith.constant 0 : i32
        %parallel_loop3A_646 = arith.constant 0 : i32
        %parallel_loop3A_647 = arith.constant 0 : i32
        %parallel_loop3A_648 = tpu.memref_slice %arg7[%parallel_loop3A_343, %parallel_loop3A_645, %parallel_loop3A_646, %parallel_loop3A_647] : memref<4x8x8x129xf32, #tpu.memory_space<vmem>> -> memref<1x8x8x129xf32, #tpu.memory_space<vmem>>
        %parallel_loop3A_649 = tpu.memref_squeeze %parallel_loop3A_648 : memref<1x8x8x129xf32, #tpu.memory_space<vmem>> -> memref<8x8x129xf32, #tpu.memory_space<vmem>>
        tpu.vector_store_idx %parallel_loop3A_649[%shift_right_logical3A_314, %and3A_338, %parallel_loop3A_589], %parallel_loop3A_644 : memref<8x8x129xf32, #tpu.memory_space<vmem>>[vector<16xi32>, vector<16xi32>, vector<16xi32>], vector<16xf32>,
      } {sc.loop_unroll_factor = 8 : i64, sc.parallel_access}
      %add3A_344 = arith.constant 1 : i32
      %add3A_345 = arith.addi %mul3A_173, %add3A_344 : i32
      %add3A_346 = arith.addi %mul3A_2, %add3A_345 : i32
      %shift_right_logical3A_347 = arith.constant 5 : i32
      %shift_right_logical3A_348 = arith.shrui %add3A_346, %shift_right_logical3A_347 : i32
      %and3A_349 = arith.constant 31 : i32
      %and3A_350 = arith.andi %add3A_346, %and3A_349 : i32
      %dma_start3A_351 = arith.constant 1 : i32
      %dma_start3A_352 = arith.constant 0 : i32
      %dma_start3A_353 = arith.constant 0 : i32
      %dma_start3A_354 = arith.constant 0 : i32
      %dma_start3A_355 = tpu.memref_slice %arg7[%dma_start3A_351, %dma_start3A_352, %dma_start3A_353, %dma_start3A_354] : memref<4x8x8x129xf32, #tpu.memory_space<vmem>> -> memref<1x8x8x128xf32, #tpu.memory_space<vmem>>
      %dma_start3A_356 = tpu.memref_squeeze %dma_start3A_355 : memref<1x8x8x128xf32, #tpu.memory_space<vmem>> -> memref<8x8x128xf32, #tpu.memory_space<vmem>>
      %dma_start3A_357 = arith.constant 0 : i32
      %dma_start3A_358 = arith.constant 0 : i32
      %dma_start3A_359 = arith.constant 0 : i32
      %dma_start3A_360 = tpu.memref_slice %arg4[%shift_right_logical3A_348, %dma_start3A_357, %and3A_350, %dma_start3A_358, %dma_start3A_359] : memref<200x8x32x8x128xf32, #tpu.memory_space<hbm>> -> memref<1x8x1x8x128xf32, #tpu.memory_space<hbm>>
      %dma_start3A_361 = tpu.memref_squeeze %dma_start3A_360 : memref<1x8x1x8x128xf32, #tpu.memory_space<hbm>> -> memref<8x8x128xf32, #tpu.memory_space<hbm>>
      %dma_start3A_362 = arith.constant 0 : i32
      %dma_start3A_363 = arith.constant 0 : i32
      %dma_start3A_364 = arith.constant 0 : i32
      %dma_start3A_365 = tpu.memref_slice %arg4[%shift_right_logical3A_348, %dma_start3A_362, %and3A_350, %dma_start3A_363, %dma_start3A_364] : memref<200x8x32x8x128xf32, #tpu.memory_space<hbm>> -> memref<1x8x1x8x128xf32, #tpu.memory_space<hbm>>
      %dma_start3A_366 = tpu.memref_squeeze %dma_start3A_365 : memref<1x8x1x8x128xf32, #tpu.memory_space<hbm>> -> memref<8x8x128xf32, #tpu.memory_space<hbm>>
      %dma_start3A_367 = arith.constant 0 : i32
      %dma_start3A_368 = arith.constant 0 : i32
      %dma_start3A_369 = arith.constant 0 : i32
      %dma_start3A_370 = tpu.memref_slice %arg7[%dma_start3A_351, %dma_start3A_367, %dma_start3A_368, %dma_start3A_369] : memref<4x8x8x129xf32, #tpu.memory_space<vmem>> -> memref<1x8x8x128xf32, #tpu.memory_space<vmem>>
      %dma_start3A_371 = tpu.memref_squeeze %dma_start3A_370 : memref<1x8x8x128xf32, #tpu.memory_space<vmem>> -> memref<8x8x128xf32, #tpu.memory_space<vmem>>
      tpu.enqueue_dma source(%dma_start3A_371 : memref<8x8x128xf32, #tpu.memory_space<vmem>>) target(%dma_start3A_366 : memref<8x8x128xf32, #tpu.memory_space<hbm>>) target_semaphore(%arg14 : memref<!tpu.dma_semaphore, #tpu.memory_space<semaphore_mem>>)
      %lt3A_372 = arith.constant 49 : i32
      %lt3A_373 = arith.cmpi slt, %add3A_171, %lt3A_372 : i32
      %convert_element_type3A_374 = arith.extui %lt3A_373 : i1 to i32
      %cond3A_375 = arith.constant 0 : i32
      %cond3A_376 = arith.cmpi ne, %convert_element_type3A_374, %cond3A_375 : i32
      scf.if %cond3A_376 {
        %add3A_585 = arith.constant 1 : i32
        %add3A_586 = arith.addi %mul3A_173, %add3A_585 : i32
        %add3A_587 = arith.constant 4 : i32
        %add3A_588 = arith.addi %add3A_586, %add3A_587 : i32
        %dma_start3A_589 = arith.constant 1 : i32
        %dma_start3A_590 = arith.constant 0 : i32
        %dma_start3A_591 = arith.constant 0 : i32
        %dma_start3A_592 = tpu.memref_slice %arg6[%dma_start3A_589, %dma_start3A_590, %dma_start3A_591] : memref<4x128x64xf32, #tpu.memory_space<vmem>> -> memref<1x128x64xf32, #tpu.memory_space<vmem>>
        %dma_start3A_593 = tpu.memref_squeeze %dma_start3A_592 : memref<1x128x64xf32, #tpu.memory_space<vmem>> -> memref<128x64xf32, #tpu.memory_space<vmem>>
        %dma_start3A_594 = arith.constant 0 : i32
        %dma_start3A_595 = tpu.memref_slice %arg5[%add3A_588, %dma_start3A_594] : memref<200x128xi32, #tpu.memory_space<vmem>> -> memref<1x128xi32, #tpu.memory_space<vmem>>
        %dma_start3A_596 = tpu.memref_squeeze %dma_start3A_595 : memref<1x128xi32, #tpu.memory_space<vmem>> -> memref<128xi32, #tpu.memory_space<vmem>>
        %dma_start3A_597 = arith.constant 0 : i32
        %dma_start3A_598 = arith.constant 0 : i32
        %dma_start3A_599 = tpu.memref_slice %arg2[%dma_start3A_597, %dma_start3A_598] : memref<1000000x64xf32, #tpu.memory_space<hbm>> -> memref<1000000x64xf32, #tpu.memory_space<hbm>>
        tpu.enqueue_indirect_dma source(%dma_start3A_599 : memref<1000000x64xf32, #tpu.memory_space<hbm>>) target(%dma_start3A_593 : memref<128x64xf32, #tpu.memory_space<vmem>>) offsets(%dma_start3A_596 : memref<128xi32, #tpu.memory_space<vmem>>) semaphore(%arg10 : memref<!tpu.dma_semaphore, #tpu.memory_space<semaphore_mem>>)
      } else {
      }
      %add3A_377 = arith.constant 2 : i32
      %add3A_378 = arith.addi %mul3A_173, %add3A_377 : i32
      %dma_wait3A_379 = arith.constant 2 : i32
      %dma_wait3A_380 = arith.constant 0 : i32
      %dma_wait3A_381 = arith.constant 0 : i32
      %dma_wait3A_382 = tpu.memref_slice %arg6[%dma_wait3A_379, %dma_wait3A_380, %dma_wait3A_381] : memref<4x128x64xf32, #tpu.memory_space<vmem>> -> memref<1x128x64xf32, #tpu.memory_space<vmem>>
      %dma_wait3A_383 = tpu.memref_squeeze %dma_wait3A_382 : memref<1x128x64xf32, #tpu.memory_space<vmem>> -> memref<128x64xf32, #tpu.memory_space<vmem>>
      %dma_wait3A_384 = arith.constant 0 : i32
      %dma_wait3A_385 = tpu.memref_slice %arg5[%add3A_378, %dma_wait3A_384] : memref<200x128xi32, #tpu.memory_space<vmem>> -> memref<1x128xi32, #tpu.memory_space<vmem>>
      %dma_wait3A_386 = tpu.memref_squeeze %dma_wait3A_385 : memref<1x128xi32, #tpu.memory_space<vmem>> -> memref<128xi32, #tpu.memory_space<vmem>>
      %dma_wait3A_387 = arith.constant 0 : i32
      %dma_wait3A_388 = arith.constant 0 : i32
      %dma_wait3A_389 = tpu.memref_slice %arg2[%dma_wait3A_387, %dma_wait3A_388] : memref<1000000x64xf32, #tpu.memory_space<hbm>> -> memref<1000000x64xf32, #tpu.memory_space<hbm>>
      tpu.wait_indirect_dma semaphore(%arg11 : memref<!tpu.dma_semaphore, #tpu.memory_space<semaphore_mem>>) src(%dma_wait3A_389 : memref<1000000x64xf32, #tpu.memory_space<hbm>>) dst(%dma_wait3A_383 : memref<128x64xf32, #tpu.memory_space<vmem>>)
      %gt3A_390 = arith.constant 0 : i32
      %gt3A_391 = arith.cmpi sgt, %add3A_171, %gt3A_390 : i32
      %convert_element_type3A_392 = arith.extui %gt3A_391 : i1 to i32
      %cond3A_393 = arith.constant 0 : i32
      %cond3A_394 = arith.cmpi ne, %convert_element_type3A_392, %cond3A_393 : i32
      scf.if %cond3A_394 {
        %add3A_585 = arith.constant 2 : i32
        %add3A_586 = arith.addi %mul3A_173, %add3A_585 : i32
        %sub3A = arith.constant 4 : i32
        %sub3A_587 = arith.subi %add3A_586, %sub3A : i32
        %add3A_588 = arith.addi %mul3A_2, %sub3A_587 : i32
        %shift_right_logical3A_589 = arith.constant 5 : i32
        %shift_right_logical3A_590 = arith.shrui %add3A_588, %shift_right_logical3A_589 : i32
        %and3A_591 = arith.constant 31 : i32
        %and3A_592 = arith.andi %add3A_588, %and3A_591 : i32
        %dma_wait3A_593 = arith.constant 2 : i32
        %dma_wait3A_594 = arith.constant 0 : i32
        %dma_wait3A_595 = arith.constant 0 : i32
        %dma_wait3A_596 = arith.constant 0 : i32
        %dma_wait3A_597 = tpu.memref_slice %arg7[%dma_wait3A_593, %dma_wait3A_594, %dma_wait3A_595, %dma_wait3A_596] : memref<4x8x8x129xf32, #tpu.memory_space<vmem>> -> memref<1x8x8x128xf32, #tpu.memory_space<vmem>>
        %dma_wait3A_598 = tpu.memref_squeeze %dma_wait3A_597 : memref<1x8x8x128xf32, #tpu.memory_space<vmem>> -> memref<8x8x128xf32, #tpu.memory_space<vmem>>
        %dma_wait3A_599 = arith.constant 0 : i32
        %dma_wait3A_600 = arith.constant 0 : i32
        %dma_wait3A_601 = arith.constant 0 : i32
        %dma_wait3A_602 = tpu.memref_slice %arg4[%shift_right_logical3A_590, %dma_wait3A_599, %and3A_592, %dma_wait3A_600, %dma_wait3A_601] : memref<200x8x32x8x128xf32, #tpu.memory_space<hbm>> -> memref<1x8x1x8x128xf32, #tpu.memory_space<hbm>>
        %dma_wait3A_603 = tpu.memref_squeeze %dma_wait3A_602 : memref<1x8x1x8x128xf32, #tpu.memory_space<hbm>> -> memref<8x8x128xf32, #tpu.memory_space<hbm>>
        %dma_wait3A_604 = arith.constant 0 : i32
        %dma_wait3A_605 = arith.constant 0 : i32
        %dma_wait3A_606 = arith.constant 0 : i32
        %dma_wait3A_607 = tpu.memref_slice %arg4[%shift_right_logical3A_590, %dma_wait3A_604, %and3A_592, %dma_wait3A_605, %dma_wait3A_606] : memref<200x8x32x8x128xf32, #tpu.memory_space<hbm>> -> memref<1x8x1x8x128xf32, #tpu.memory_space<hbm>>
        %dma_wait3A_608 = tpu.memref_squeeze %dma_wait3A_607 : memref<1x8x1x8x128xf32, #tpu.memory_space<hbm>> -> memref<8x8x128xf32, #tpu.memory_space<hbm>>
        %dma_wait3A_609 = arith.constant 0 : i32
        %dma_wait3A_610 = arith.constant 0 : i32
        %dma_wait3A_611 = arith.constant 0 : i32
        %dma_wait3A_612 = tpu.memref_slice %arg7[%dma_wait3A_593, %dma_wait3A_609, %dma_wait3A_610, %dma_wait3A_611] : memref<4x8x8x129xf32, #tpu.memory_space<vmem>> -> memref<1x8x8x128xf32, #tpu.memory_space<vmem>>
        %dma_wait3A_613 = tpu.memref_squeeze %dma_wait3A_612 : memref<1x8x8x128xf32, #tpu.memory_space<vmem>> -> memref<8x8x128xf32, #tpu.memory_space<vmem>>
        tpu.wait_dma2 semaphore(%arg15 : memref<!tpu.dma_semaphore, #tpu.memory_space<semaphore_mem>>) src(%dma_wait3A_613 : memref<8x8x128xf32, #tpu.memory_space<vmem>>) dst(%dma_wait3A_608 : memref<8x8x128xf32, #tpu.memory_space<hbm>>)
      } else {
      }
      %add3A_395 = arith.constant 0 : i32
      %add3A_396 = vector.broadcast %add3A_395 : i32 to vector<16xi32>
      %add3A_397 = arith.addi %iota3A, %add3A_396 : vector<16xi32>
      %shift_right_logical3A_398 = arith.constant 3 : i32
      %shift_right_logical3A_399 = vector.broadcast %shift_right_logical3A_398 : i32 to vector<16xi32>
      %shift_right_logical3A_400 = arith.shrui %add3A_397, %shift_right_logical3A_399 : vector<16xi32>
      %add3A_401 = arith.constant 16 : i32
      %add3A_402 = vector.broadcast %add3A_401 : i32 to vector<16xi32>
      %add3A_403 = arith.addi %iota3A, %add3A_402 : vector<16xi32>
      %shift_right_logical3A_404 = arith.constant 3 : i32
      %shift_right_logical3A_405 = vector.broadcast %shift_right_logical3A_404 : i32 to vector<16xi32>
      %shift_right_logical3A_406 = arith.shrui %add3A_403, %shift_right_logical3A_405 : vector<16xi32>
      %add3A_407 = arith.constant 32 : i32
      %add3A_408 = vector.broadcast %add3A_407 : i32 to vector<16xi32>
      %add3A_409 = arith.addi %iota3A, %add3A_408 : vector<16xi32>
      %shift_right_logical3A_410 = arith.constant 3 : i32
      %shift_right_logical3A_411 = vector.broadcast %shift_right_logical3A_410 : i32 to vector<16xi32>
      %shift_right_logical3A_412 = arith.shrui %add3A_409, %shift_right_logical3A_411 : vector<16xi32>
      %add3A_413 = arith.constant 48 : i32
      %add3A_414 = vector.broadcast %add3A_413 : i32 to vector<16xi32>
      %add3A_415 = arith.addi %iota3A, %add3A_414 : vector<16xi32>
      %shift_right_logical3A_416 = arith.constant 3 : i32
      %shift_right_logical3A_417 = vector.broadcast %shift_right_logical3A_416 : i32 to vector<16xi32>
      %shift_right_logical3A_418 = arith.shrui %add3A_415, %shift_right_logical3A_417 : vector<16xi32>
      %add3A_419 = arith.constant 0 : i32
      %add3A_420 = vector.broadcast %add3A_419 : i32 to vector<16xi32>
      %add3A_421 = arith.addi %iota3A, %add3A_420 : vector<16xi32>
      %and3A_422 = arith.constant 7 : i32
      %and3A_423 = vector.broadcast %and3A_422 : i32 to vector<16xi32>
      %and3A_424 = arith.andi %add3A_421, %and3A_423 : vector<16xi32>
      %add3A_425 = arith.constant 16 : i32
      %add3A_426 = vector.broadcast %add3A_425 : i32 to vector<16xi32>
      %add3A_427 = arith.addi %iota3A, %add3A_426 : vector<16xi32>
      %and3A_428 = arith.constant 7 : i32
      %and3A_429 = vector.broadcast %and3A_428 : i32 to vector<16xi32>
      %and3A_430 = arith.andi %add3A_427, %and3A_429 : vector<16xi32>
      %add3A_431 = arith.constant 32 : i32
      %add3A_432 = vector.broadcast %add3A_431 : i32 to vector<16xi32>
      %add3A_433 = arith.addi %iota3A, %add3A_432 : vector<16xi32>
      %and3A_434 = arith.constant 7 : i32
      %and3A_435 = vector.broadcast %and3A_434 : i32 to vector<16xi32>
      %and3A_436 = arith.andi %add3A_433, %and3A_435 : vector<16xi32>
      %add3A_437 = arith.constant 48 : i32
      %add3A_438 = vector.broadcast %add3A_437 : i32 to vector<16xi32>
      %add3A_439 = arith.addi %iota3A, %add3A_438 : vector<16xi32>
      %and3A_440 = arith.constant 7 : i32
      %and3A_441 = vector.broadcast %and3A_440 : i32 to vector<16xi32>
      %and3A_442 = arith.andi %add3A_439, %and3A_441 : vector<16xi32>
      %parallel_loop3A_443 = arith.constant 0 : i32
      %parallel_loop3A_444 = arith.constant 128 : i32
      %parallel_loop3A_445 = arith.constant 1 : i32
      %parallel_loop3A_446 = arith.constant 2 : i32
      %parallel_loop3A_447 = arith.constant 2 : i32
      scf.for %parallel_loop3A_585 = %parallel_loop3A_443 to %parallel_loop3A_444 step %parallel_loop3A_445  : i32 {
        %parallel_loop3A_586 = arith.constant 0 : i32
        %parallel_loop3A_587 = vector.broadcast %parallel_loop3A_586 : i32 to vector<16xi32>
        %parallel_loop3A_588 = vector.broadcast %parallel_loop3A_585 : i32 to vector<16xi32>
        %parallel_loop3A_589 = arith.addi %parallel_loop3A_587, %parallel_loop3A_588 : vector<16xi32>
        %parallel_loop3A_590 = arith.constant 0 : i32
        %parallel_loop3A_591 = arith.constant 0 : i32
        %parallel_loop3A_592 = tpu.memref_slice %arg6[%parallel_loop3A_446, %parallel_loop3A_590, %parallel_loop3A_591] : memref<4x128x64xf32, #tpu.memory_space<vmem>> -> memref<1x128x64xf32, #tpu.memory_space<vmem>>
        %parallel_loop3A_593 = tpu.memref_squeeze %parallel_loop3A_592 : memref<1x128x64xf32, #tpu.memory_space<vmem>> -> memref<128x64xf32, #tpu.memory_space<vmem>>
        %parallel_loop3A_594 = arith.index_cast %parallel_loop3A_585 : i32 to index
        %parallel_loop3A_595 = arith.constant 0 : index
        %parallel_loop3A_596 = tpu.vector_load %parallel_loop3A_593[%parallel_loop3A_594, %parallel_loop3A_595] {strides = array<i32>} : memref<128x64xf32, #tpu.memory_space<vmem>>, vector<16xf32>,
        %parallel_loop3A_597 = arith.constant 8.000000e+00 : f32
        %parallel_loop3A_598 = vector.broadcast %parallel_loop3A_597 : f32 to vector<16xf32>
        %parallel_loop3A_599 = arith.mulf %parallel_loop3A_596, %parallel_loop3A_598 : vector<16xf32>
        %parallel_loop3A_600 = arith.constant 0 : i32
        %parallel_loop3A_601 = arith.constant 0 : i32
        %parallel_loop3A_602 = arith.constant 0 : i32
        %parallel_loop3A_603 = tpu.memref_slice %arg7[%parallel_loop3A_447, %parallel_loop3A_600, %parallel_loop3A_601, %parallel_loop3A_602] : memref<4x8x8x129xf32, #tpu.memory_space<vmem>> -> memref<1x8x8x129xf32, #tpu.memory_space<vmem>>
        %parallel_loop3A_604 = tpu.memref_squeeze %parallel_loop3A_603 : memref<1x8x8x129xf32, #tpu.memory_space<vmem>> -> memref<8x8x129xf32, #tpu.memory_space<vmem>>
        tpu.vector_store_idx %parallel_loop3A_604[%shift_right_logical3A_400, %and3A_424, %parallel_loop3A_589], %parallel_loop3A_599 : memref<8x8x129xf32, #tpu.memory_space<vmem>>[vector<16xi32>, vector<16xi32>, vector<16xi32>], vector<16xf32>,
        %parallel_loop3A_605 = arith.constant 0 : i32
        %parallel_loop3A_606 = arith.constant 0 : i32
        %parallel_loop3A_607 = tpu.memref_slice %arg6[%parallel_loop3A_446, %parallel_loop3A_605, %parallel_loop3A_606] : memref<4x128x64xf32, #tpu.memory_space<vmem>> -> memref<1x128x64xf32, #tpu.memory_space<vmem>>
        %parallel_loop3A_608 = tpu.memref_squeeze %parallel_loop3A_607 : memref<1x128x64xf32, #tpu.memory_space<vmem>> -> memref<128x64xf32, #tpu.memory_space<vmem>>
        %parallel_loop3A_609 = arith.index_cast %parallel_loop3A_585 : i32 to index
        %parallel_loop3A_610 = arith.constant 16 : index
        %parallel_loop3A_611 = tpu.vector_load %parallel_loop3A_608[%parallel_loop3A_609, %parallel_loop3A_610] {strides = array<i32>} : memref<128x64xf32, #tpu.memory_space<vmem>>, vector<16xf32>,
        %parallel_loop3A_612 = arith.constant 8.000000e+00 : f32
        %parallel_loop3A_613 = vector.broadcast %parallel_loop3A_612 : f32 to vector<16xf32>
        %parallel_loop3A_614 = arith.mulf %parallel_loop3A_611, %parallel_loop3A_613 : vector<16xf32>
        %parallel_loop3A_615 = arith.constant 0 : i32
        %parallel_loop3A_616 = arith.constant 0 : i32
        %parallel_loop3A_617 = arith.constant 0 : i32
        %parallel_loop3A_618 = tpu.memref_slice %arg7[%parallel_loop3A_447, %parallel_loop3A_615, %parallel_loop3A_616, %parallel_loop3A_617] : memref<4x8x8x129xf32, #tpu.memory_space<vmem>> -> memref<1x8x8x129xf32, #tpu.memory_space<vmem>>
        %parallel_loop3A_619 = tpu.memref_squeeze %parallel_loop3A_618 : memref<1x8x8x129xf32, #tpu.memory_space<vmem>> -> memref<8x8x129xf32, #tpu.memory_space<vmem>>
        tpu.vector_store_idx %parallel_loop3A_619[%shift_right_logical3A_406, %and3A_430, %parallel_loop3A_589], %parallel_loop3A_614 : memref<8x8x129xf32, #tpu.memory_space<vmem>>[vector<16xi32>, vector<16xi32>, vector<16xi32>], vector<16xf32>,
        %parallel_loop3A_620 = arith.constant 0 : i32
        %parallel_loop3A_621 = arith.constant 0 : i32
        %parallel_loop3A_622 = tpu.memref_slice %arg6[%parallel_loop3A_446, %parallel_loop3A_620, %parallel_loop3A_621] : memref<4x128x64xf32, #tpu.memory_space<vmem>> -> memref<1x128x64xf32, #tpu.memory_space<vmem>>
        %parallel_loop3A_623 = tpu.memref_squeeze %parallel_loop3A_622 : memref<1x128x64xf32, #tpu.memory_space<vmem>> -> memref<128x64xf32, #tpu.memory_space<vmem>>
        %parallel_loop3A_624 = arith.index_cast %parallel_loop3A_585 : i32 to index
        %parallel_loop3A_625 = arith.constant 32 : index
        %parallel_loop3A_626 = tpu.vector_load %parallel_loop3A_623[%parallel_loop3A_624, %parallel_loop3A_625] {strides = array<i32>} : memref<128x64xf32, #tpu.memory_space<vmem>>, vector<16xf32>,
        %parallel_loop3A_627 = arith.constant 8.000000e+00 : f32
        %parallel_loop3A_628 = vector.broadcast %parallel_loop3A_627 : f32 to vector<16xf32>
        %parallel_loop3A_629 = arith.mulf %parallel_loop3A_626, %parallel_loop3A_628 : vector<16xf32>
        %parallel_loop3A_630 = arith.constant 0 : i32
        %parallel_loop3A_631 = arith.constant 0 : i32
        %parallel_loop3A_632 = arith.constant 0 : i32
        %parallel_loop3A_633 = tpu.memref_slice %arg7[%parallel_loop3A_447, %parallel_loop3A_630, %parallel_loop3A_631, %parallel_loop3A_632] : memref<4x8x8x129xf32, #tpu.memory_space<vmem>> -> memref<1x8x8x129xf32, #tpu.memory_space<vmem>>
        %parallel_loop3A_634 = tpu.memref_squeeze %parallel_loop3A_633 : memref<1x8x8x129xf32, #tpu.memory_space<vmem>> -> memref<8x8x129xf32, #tpu.memory_space<vmem>>
        tpu.vector_store_idx %parallel_loop3A_634[%shift_right_logical3A_412, %and3A_436, %parallel_loop3A_589], %parallel_loop3A_629 : memref<8x8x129xf32, #tpu.memory_space<vmem>>[vector<16xi32>, vector<16xi32>, vector<16xi32>], vector<16xf32>,
        %parallel_loop3A_635 = arith.constant 0 : i32
        %parallel_loop3A_636 = arith.constant 0 : i32
        %parallel_loop3A_637 = tpu.memref_slice %arg6[%parallel_loop3A_446, %parallel_loop3A_635, %parallel_loop3A_636] : memref<4x128x64xf32, #tpu.memory_space<vmem>> -> memref<1x128x64xf32, #tpu.memory_space<vmem>>
        %parallel_loop3A_638 = tpu.memref_squeeze %parallel_loop3A_637 : memref<1x128x64xf32, #tpu.memory_space<vmem>> -> memref<128x64xf32, #tpu.memory_space<vmem>>
        %parallel_loop3A_639 = arith.index_cast %parallel_loop3A_585 : i32 to index
        %parallel_loop3A_640 = arith.constant 48 : index
        %parallel_loop3A_641 = tpu.vector_load %parallel_loop3A_638[%parallel_loop3A_639, %parallel_loop3A_640] {strides = array<i32>} : memref<128x64xf32, #tpu.memory_space<vmem>>, vector<16xf32>,
        %parallel_loop3A_642 = arith.constant 8.000000e+00 : f32
        %parallel_loop3A_643 = vector.broadcast %parallel_loop3A_642 : f32 to vector<16xf32>
        %parallel_loop3A_644 = arith.mulf %parallel_loop3A_641, %parallel_loop3A_643 : vector<16xf32>
        %parallel_loop3A_645 = arith.constant 0 : i32
        %parallel_loop3A_646 = arith.constant 0 : i32
        %parallel_loop3A_647 = arith.constant 0 : i32
        %parallel_loop3A_648 = tpu.memref_slice %arg7[%parallel_loop3A_447, %parallel_loop3A_645, %parallel_loop3A_646, %parallel_loop3A_647] : memref<4x8x8x129xf32, #tpu.memory_space<vmem>> -> memref<1x8x8x129xf32, #tpu.memory_space<vmem>>
        %parallel_loop3A_649 = tpu.memref_squeeze %parallel_loop3A_648 : memref<1x8x8x129xf32, #tpu.memory_space<vmem>> -> memref<8x8x129xf32, #tpu.memory_space<vmem>>
        tpu.vector_store_idx %parallel_loop3A_649[%shift_right_logical3A_418, %and3A_442, %parallel_loop3A_589], %parallel_loop3A_644 : memref<8x8x129xf32, #tpu.memory_space<vmem>>[vector<16xi32>, vector<16xi32>, vector<16xi32>], vector<16xf32>,
      } {sc.loop_unroll_factor = 8 : i64, sc.parallel_access}
      %add3A_448 = arith.constant 2 : i32
      %add3A_449 = arith.addi %mul3A_173, %add3A_448 : i32
      %add3A_450 = arith.addi %mul3A_2, %add3A_449 : i32
      %shift_right_logical3A_451 = arith.constant 5 : i32
      %shift_right_logical3A_452 = arith.shrui %add3A_450, %shift_right_logical3A_451 : i32
      %and3A_453 = arith.constant 31 : i32
      %and3A_454 = arith.andi %add3A_450, %and3A_453 : i32
      %dma_start3A_455 = arith.constant 2 : i32
      %dma_start3A_456 = arith.constant 0 : i32
      %dma_start3A_457 = arith.constant 0 : i32
      %dma_start3A_458 = arith.constant 0 : i32
      %dma_start3A_459 = tpu.memref_slice %arg7[%dma_start3A_455, %dma_start3A_456, %dma_start3A_457, %dma_start3A_458] : memref<4x8x8x129xf32, #tpu.memory_space<vmem>> -> memref<1x8x8x128xf32, #tpu.memory_space<vmem>>
      %dma_start3A_460 = tpu.memref_squeeze %dma_start3A_459 : memref<1x8x8x128xf32, #tpu.memory_space<vmem>> -> memref<8x8x128xf32, #tpu.memory_space<vmem>>
      %dma_start3A_461 = arith.constant 0 : i32
      %dma_start3A_462 = arith.constant 0 : i32
      %dma_start3A_463 = arith.constant 0 : i32
      %dma_start3A_464 = tpu.memref_slice %arg4[%shift_right_logical3A_452, %dma_start3A_461, %and3A_454, %dma_start3A_462, %dma_start3A_463] : memref<200x8x32x8x128xf32, #tpu.memory_space<hbm>> -> memref<1x8x1x8x128xf32, #tpu.memory_space<hbm>>
      %dma_start3A_465 = tpu.memref_squeeze %dma_start3A_464 : memref<1x8x1x8x128xf32, #tpu.memory_space<hbm>> -> memref<8x8x128xf32, #tpu.memory_space<hbm>>
      %dma_start3A_466 = arith.constant 0 : i32
      %dma_start3A_467 = arith.constant 0 : i32
      %dma_start3A_468 = arith.constant 0 : i32
      %dma_start3A_469 = tpu.memref_slice %arg4[%shift_right_logical3A_452, %dma_start3A_466, %and3A_454, %dma_start3A_467, %dma_start3A_468] : memref<200x8x32x8x128xf32, #tpu.memory_space<hbm>> -> memref<1x8x1x8x128xf32, #tpu.memory_space<hbm>>
      %dma_start3A_470 = tpu.memref_squeeze %dma_start3A_469 : memref<1x8x1x8x128xf32, #tpu.memory_space<hbm>> -> memref<8x8x128xf32, #tpu.memory_space<hbm>>
      %dma_start3A_471 = arith.constant 0 : i32
      %dma_start3A_472 = arith.constant 0 : i32
      %dma_start3A_473 = arith.constant 0 : i32
      %dma_start3A_474 = tpu.memref_slice %arg7[%dma_start3A_455, %dma_start3A_471, %dma_start3A_472, %dma_start3A_473] : memref<4x8x8x129xf32, #tpu.memory_space<vmem>> -> memref<1x8x8x128xf32, #tpu.memory_space<vmem>>
      %dma_start3A_475 = tpu.memref_squeeze %dma_start3A_474 : memref<1x8x8x128xf32, #tpu.memory_space<vmem>> -> memref<8x8x128xf32, #tpu.memory_space<vmem>>
      tpu.enqueue_dma source(%dma_start3A_475 : memref<8x8x128xf32, #tpu.memory_space<vmem>>) target(%dma_start3A_470 : memref<8x8x128xf32, #tpu.memory_space<hbm>>) target_semaphore(%arg15 : memref<!tpu.dma_semaphore, #tpu.memory_space<semaphore_mem>>)
      %lt3A_476 = arith.constant 49 : i32
      %lt3A_477 = arith.cmpi slt, %add3A_171, %lt3A_476 : i32
      %convert_element_type3A_478 = arith.extui %lt3A_477 : i1 to i32
      %cond3A_479 = arith.constant 0 : i32
      %cond3A_480 = arith.cmpi ne, %convert_element_type3A_478, %cond3A_479 : i32
      scf.if %cond3A_480 {
        %add3A_585 = arith.constant 2 : i32
        %add3A_586 = arith.addi %mul3A_173, %add3A_585 : i32
        %add3A_587 = arith.constant 4 : i32
        %add3A_588 = arith.addi %add3A_586, %add3A_587 : i32
        %dma_start3A_589 = arith.constant 2 : i32
        %dma_start3A_590 = arith.constant 0 : i32
        %dma_start3A_591 = arith.constant 0 : i32
        %dma_start3A_592 = tpu.memref_slice %arg6[%dma_start3A_589, %dma_start3A_590, %dma_start3A_591] : memref<4x128x64xf32, #tpu.memory_space<vmem>> -> memref<1x128x64xf32, #tpu.memory_space<vmem>>
        %dma_start3A_593 = tpu.memref_squeeze %dma_start3A_592 : memref<1x128x64xf32, #tpu.memory_space<vmem>> -> memref<128x64xf32, #tpu.memory_space<vmem>>
        %dma_start3A_594 = arith.constant 0 : i32
        %dma_start3A_595 = tpu.memref_slice %arg5[%add3A_588, %dma_start3A_594] : memref<200x128xi32, #tpu.memory_space<vmem>> -> memref<1x128xi32, #tpu.memory_space<vmem>>
        %dma_start3A_596 = tpu.memref_squeeze %dma_start3A_595 : memref<1x128xi32, #tpu.memory_space<vmem>> -> memref<128xi32, #tpu.memory_space<vmem>>
        %dma_start3A_597 = arith.constant 0 : i32
        %dma_start3A_598 = arith.constant 0 : i32
        %dma_start3A_599 = tpu.memref_slice %arg2[%dma_start3A_597, %dma_start3A_598] : memref<1000000x64xf32, #tpu.memory_space<hbm>> -> memref<1000000x64xf32, #tpu.memory_space<hbm>>
        tpu.enqueue_indirect_dma source(%dma_start3A_599 : memref<1000000x64xf32, #tpu.memory_space<hbm>>) target(%dma_start3A_593 : memref<128x64xf32, #tpu.memory_space<vmem>>) offsets(%dma_start3A_596 : memref<128xi32, #tpu.memory_space<vmem>>) semaphore(%arg11 : memref<!tpu.dma_semaphore, #tpu.memory_space<semaphore_mem>>)
      } else {
      }
      %add3A_481 = arith.constant 3 : i32
      %add3A_482 = arith.addi %mul3A_173, %add3A_481 : i32
      %dma_wait3A_483 = arith.constant 3 : i32
      %dma_wait3A_484 = arith.constant 0 : i32
      %dma_wait3A_485 = arith.constant 0 : i32
      %dma_wait3A_486 = tpu.memref_slice %arg6[%dma_wait3A_483, %dma_wait3A_484, %dma_wait3A_485] : memref<4x128x64xf32, #tpu.memory_space<vmem>> -> memref<1x128x64xf32, #tpu.memory_space<vmem>>
      %dma_wait3A_487 = tpu.memref_squeeze %dma_wait3A_486 : memref<1x128x64xf32, #tpu.memory_space<vmem>> -> memref<128x64xf32, #tpu.memory_space<vmem>>
      %dma_wait3A_488 = arith.constant 0 : i32
      %dma_wait3A_489 = tpu.memref_slice %arg5[%add3A_482, %dma_wait3A_488] : memref<200x128xi32, #tpu.memory_space<vmem>> -> memref<1x128xi32, #tpu.memory_space<vmem>>
      %dma_wait3A_490 = tpu.memref_squeeze %dma_wait3A_489 : memref<1x128xi32, #tpu.memory_space<vmem>> -> memref<128xi32, #tpu.memory_space<vmem>>
      %dma_wait3A_491 = arith.constant 0 : i32
      %dma_wait3A_492 = arith.constant 0 : i32
      %dma_wait3A_493 = tpu.memref_slice %arg2[%dma_wait3A_491, %dma_wait3A_492] : memref<1000000x64xf32, #tpu.memory_space<hbm>> -> memref<1000000x64xf32, #tpu.memory_space<hbm>>
      tpu.wait_indirect_dma semaphore(%arg12 : memref<!tpu.dma_semaphore, #tpu.memory_space<semaphore_mem>>) src(%dma_wait3A_493 : memref<1000000x64xf32, #tpu.memory_space<hbm>>) dst(%dma_wait3A_487 : memref<128x64xf32, #tpu.memory_space<vmem>>)
      %gt3A_494 = arith.constant 0 : i32
      %gt3A_495 = arith.cmpi sgt, %add3A_171, %gt3A_494 : i32
      %convert_element_type3A_496 = arith.extui %gt3A_495 : i1 to i32
      %cond3A_497 = arith.constant 0 : i32
      %cond3A_498 = arith.cmpi ne, %convert_element_type3A_496, %cond3A_497 : i32
      scf.if %cond3A_498 {
        %add3A_585 = arith.constant 3 : i32
        %add3A_586 = arith.addi %mul3A_173, %add3A_585 : i32
        %sub3A = arith.constant 4 : i32
        %sub3A_587 = arith.subi %add3A_586, %sub3A : i32
        %add3A_588 = arith.addi %mul3A_2, %sub3A_587 : i32
        %shift_right_logical3A_589 = arith.constant 5 : i32
        %shift_right_logical3A_590 = arith.shrui %add3A_588, %shift_right_logical3A_589 : i32
        %and3A_591 = arith.constant 31 : i32
        %and3A_592 = arith.andi %add3A_588, %and3A_591 : i32
        %dma_wait3A_593 = arith.constant 3 : i32
        %dma_wait3A_594 = arith.constant 0 : i32
        %dma_wait3A_595 = arith.constant 0 : i32
        %dma_wait3A_596 = arith.constant 0 : i32
        %dma_wait3A_597 = tpu.memref_slice %arg7[%dma_wait3A_593, %dma_wait3A_594, %dma_wait3A_595, %dma_wait3A_596] : memref<4x8x8x129xf32, #tpu.memory_space<vmem>> -> memref<1x8x8x128xf32, #tpu.memory_space<vmem>>
        %dma_wait3A_598 = tpu.memref_squeeze %dma_wait3A_597 : memref<1x8x8x128xf32, #tpu.memory_space<vmem>> -> memref<8x8x128xf32, #tpu.memory_space<vmem>>
        %dma_wait3A_599 = arith.constant 0 : i32
        %dma_wait3A_600 = arith.constant 0 : i32
        %dma_wait3A_601 = arith.constant 0 : i32
        %dma_wait3A_602 = tpu.memref_slice %arg4[%shift_right_logical3A_590, %dma_wait3A_599, %and3A_592, %dma_wait3A_600, %dma_wait3A_601] : memref<200x8x32x8x128xf32, #tpu.memory_space<hbm>> -> memref<1x8x1x8x128xf32, #tpu.memory_space<hbm>>
        %dma_wait3A_603 = tpu.memref_squeeze %dma_wait3A_602 : memref<1x8x1x8x128xf32, #tpu.memory_space<hbm>> -> memref<8x8x128xf32, #tpu.memory_space<hbm>>
        %dma_wait3A_604 = arith.constant 0 : i32
        %dma_wait3A_605 = arith.constant 0 : i32
        %dma_wait3A_606 = arith.constant 0 : i32
        %dma_wait3A_607 = tpu.memref_slice %arg4[%shift_right_logical3A_590, %dma_wait3A_604, %and3A_592, %dma_wait3A_605, %dma_wait3A_606] : memref<200x8x32x8x128xf32, #tpu.memory_space<hbm>> -> memref<1x8x1x8x128xf32, #tpu.memory_space<hbm>>
        %dma_wait3A_608 = tpu.memref_squeeze %dma_wait3A_607 : memref<1x8x1x8x128xf32, #tpu.memory_space<hbm>> -> memref<8x8x128xf32, #tpu.memory_space<hbm>>
        %dma_wait3A_609 = arith.constant 0 : i32
        %dma_wait3A_610 = arith.constant 0 : i32
        %dma_wait3A_611 = arith.constant 0 : i32
        %dma_wait3A_612 = tpu.memref_slice %arg7[%dma_wait3A_593, %dma_wait3A_609, %dma_wait3A_610, %dma_wait3A_611] : memref<4x8x8x129xf32, #tpu.memory_space<vmem>> -> memref<1x8x8x128xf32, #tpu.memory_space<vmem>>
        %dma_wait3A_613 = tpu.memref_squeeze %dma_wait3A_612 : memref<1x8x8x128xf32, #tpu.memory_space<vmem>> -> memref<8x8x128xf32, #tpu.memory_space<vmem>>
        tpu.wait_dma2 semaphore(%arg16 : memref<!tpu.dma_semaphore, #tpu.memory_space<semaphore_mem>>) src(%dma_wait3A_613 : memref<8x8x128xf32, #tpu.memory_space<vmem>>) dst(%dma_wait3A_608 : memref<8x8x128xf32, #tpu.memory_space<hbm>>)
      } else {
      }
      %add3A_499 = arith.constant 0 : i32
      %add3A_500 = vector.broadcast %add3A_499 : i32 to vector<16xi32>
      %add3A_501 = arith.addi %iota3A, %add3A_500 : vector<16xi32>
      %shift_right_logical3A_502 = arith.constant 3 : i32
      %shift_right_logical3A_503 = vector.broadcast %shift_right_logical3A_502 : i32 to vector<16xi32>
      %shift_right_logical3A_504 = arith.shrui %add3A_501, %shift_right_logical3A_503 : vector<16xi32>
      %add3A_505 = arith.constant 16 : i32
      %add3A_506 = vector.broadcast %add3A_505 : i32 to vector<16xi32>
      %add3A_507 = arith.addi %iota3A, %add3A_506 : vector<16xi32>
      %shift_right_logical3A_508 = arith.constant 3 : i32
      %shift_right_logical3A_509 = vector.broadcast %shift_right_logical3A_508 : i32 to vector<16xi32>
      %shift_right_logical3A_510 = arith.shrui %add3A_507, %shift_right_logical3A_509 : vector<16xi32>
      %add3A_511 = arith.constant 32 : i32
      %add3A_512 = vector.broadcast %add3A_511 : i32 to vector<16xi32>
      %add3A_513 = arith.addi %iota3A, %add3A_512 : vector<16xi32>
      %shift_right_logical3A_514 = arith.constant 3 : i32
      %shift_right_logical3A_515 = vector.broadcast %shift_right_logical3A_514 : i32 to vector<16xi32>
      %shift_right_logical3A_516 = arith.shrui %add3A_513, %shift_right_logical3A_515 : vector<16xi32>
      %add3A_517 = arith.constant 48 : i32
      %add3A_518 = vector.broadcast %add3A_517 : i32 to vector<16xi32>
      %add3A_519 = arith.addi %iota3A, %add3A_518 : vector<16xi32>
      %shift_right_logical3A_520 = arith.constant 3 : i32
      %shift_right_logical3A_521 = vector.broadcast %shift_right_logical3A_520 : i32 to vector<16xi32>
      %shift_right_logical3A_522 = arith.shrui %add3A_519, %shift_right_logical3A_521 : vector<16xi32>
      %add3A_523 = arith.constant 0 : i32
      %add3A_524 = vector.broadcast %add3A_523 : i32 to vector<16xi32>
      %add3A_525 = arith.addi %iota3A, %add3A_524 : vector<16xi32>
      %and3A_526 = arith.constant 7 : i32
      %and3A_527 = vector.broadcast %and3A_526 : i32 to vector<16xi32>
      %and3A_528 = arith.andi %add3A_525, %and3A_527 : vector<16xi32>
      %add3A_529 = arith.constant 16 : i32
      %add3A_530 = vector.broadcast %add3A_529 : i32 to vector<16xi32>
      %add3A_531 = arith.addi %iota3A, %add3A_530 : vector<16xi32>
      %and3A_532 = arith.constant 7 : i32
      %and3A_533 = vector.broadcast %and3A_532 : i32 to vector<16xi32>
      %and3A_534 = arith.andi %add3A_531, %and3A_533 : vector<16xi32>
      %add3A_535 = arith.constant 32 : i32
      %add3A_536 = vector.broadcast %add3A_535 : i32 to vector<16xi32>
      %add3A_537 = arith.addi %iota3A, %add3A_536 : vector<16xi32>
      %and3A_538 = arith.constant 7 : i32
      %and3A_539 = vector.broadcast %and3A_538 : i32 to vector<16xi32>
      %and3A_540 = arith.andi %add3A_537, %and3A_539 : vector<16xi32>
      %add3A_541 = arith.constant 48 : i32
      %add3A_542 = vector.broadcast %add3A_541 : i32 to vector<16xi32>
      %add3A_543 = arith.addi %iota3A, %add3A_542 : vector<16xi32>
      %and3A_544 = arith.constant 7 : i32
      %and3A_545 = vector.broadcast %and3A_544 : i32 to vector<16xi32>
      %and3A_546 = arith.andi %add3A_543, %and3A_545 : vector<16xi32>
      %parallel_loop3A_547 = arith.constant 0 : i32
      %parallel_loop3A_548 = arith.constant 128 : i32
      %parallel_loop3A_549 = arith.constant 1 : i32
      %parallel_loop3A_550 = arith.constant 3 : i32
      %parallel_loop3A_551 = arith.constant 3 : i32
      scf.for %parallel_loop3A_585 = %parallel_loop3A_547 to %parallel_loop3A_548 step %parallel_loop3A_549  : i32 {
        %parallel_loop3A_586 = arith.constant 0 : i32
        %parallel_loop3A_587 = vector.broadcast %parallel_loop3A_586 : i32 to vector<16xi32>
        %parallel_loop3A_588 = vector.broadcast %parallel_loop3A_585 : i32 to vector<16xi32>
        %parallel_loop3A_589 = arith.addi %parallel_loop3A_587, %parallel_loop3A_588 : vector<16xi32>
        %parallel_loop3A_590 = arith.constant 0 : i32
        %parallel_loop3A_591 = arith.constant 0 : i32
        %parallel_loop3A_592 = tpu.memref_slice %arg6[%parallel_loop3A_550, %parallel_loop3A_590, %parallel_loop3A_591] : memref<4x128x64xf32, #tpu.memory_space<vmem>> -> memref<1x128x64xf32, #tpu.memory_space<vmem>>
        %parallel_loop3A_593 = tpu.memref_squeeze %parallel_loop3A_592 : memref<1x128x64xf32, #tpu.memory_space<vmem>> -> memref<128x64xf32, #tpu.memory_space<vmem>>
        %parallel_loop3A_594 = arith.index_cast %parallel_loop3A_585 : i32 to index
        %parallel_loop3A_595 = arith.constant 0 : index
        %parallel_loop3A_596 = tpu.vector_load %parallel_loop3A_593[%parallel_loop3A_594, %parallel_loop3A_595] {strides = array<i32>} : memref<128x64xf32, #tpu.memory_space<vmem>>, vector<16xf32>,
        %parallel_loop3A_597 = arith.constant 8.000000e+00 : f32
        %parallel_loop3A_598 = vector.broadcast %parallel_loop3A_597 : f32 to vector<16xf32>
        %parallel_loop3A_599 = arith.mulf %parallel_loop3A_596, %parallel_loop3A_598 : vector<16xf32>
        %parallel_loop3A_600 = arith.constant 0 : i32
        %parallel_loop3A_601 = arith.constant 0 : i32
        %parallel_loop3A_602 = arith.constant 0 : i32
        %parallel_loop3A_603 = tpu.memref_slice %arg7[%parallel_loop3A_551, %parallel_loop3A_600, %parallel_loop3A_601, %parallel_loop3A_602] : memref<4x8x8x129xf32, #tpu.memory_space<vmem>> -> memref<1x8x8x129xf32, #tpu.memory_space<vmem>>
        %parallel_loop3A_604 = tpu.memref_squeeze %parallel_loop3A_603 : memref<1x8x8x129xf32, #tpu.memory_space<vmem>> -> memref<8x8x129xf32, #tpu.memory_space<vmem>>
        tpu.vector_store_idx %parallel_loop3A_604[%shift_right_logical3A_504, %and3A_528, %parallel_loop3A_589], %parallel_loop3A_599 : memref<8x8x129xf32, #tpu.memory_space<vmem>>[vector<16xi32>, vector<16xi32>, vector<16xi32>], vector<16xf32>,
        %parallel_loop3A_605 = arith.constant 0 : i32
        %parallel_loop3A_606 = arith.constant 0 : i32
        %parallel_loop3A_607 = tpu.memref_slice %arg6[%parallel_loop3A_550, %parallel_loop3A_605, %parallel_loop3A_606] : memref<4x128x64xf32, #tpu.memory_space<vmem>> -> memref<1x128x64xf32, #tpu.memory_space<vmem>>
        %parallel_loop3A_608 = tpu.memref_squeeze %parallel_loop3A_607 : memref<1x128x64xf32, #tpu.memory_space<vmem>> -> memref<128x64xf32, #tpu.memory_space<vmem>>
        %parallel_loop3A_609 = arith.index_cast %parallel_loop3A_585 : i32 to index
        %parallel_loop3A_610 = arith.constant 16 : index
        %parallel_loop3A_611 = tpu.vector_load %parallel_loop3A_608[%parallel_loop3A_609, %parallel_loop3A_610] {strides = array<i32>} : memref<128x64xf32, #tpu.memory_space<vmem>>, vector<16xf32>,
        %parallel_loop3A_612 = arith.constant 8.000000e+00 : f32
        %parallel_loop3A_613 = vector.broadcast %parallel_loop3A_612 : f32 to vector<16xf32>
        %parallel_loop3A_614 = arith.mulf %parallel_loop3A_611, %parallel_loop3A_613 : vector<16xf32>
        %parallel_loop3A_615 = arith.constant 0 : i32
        %parallel_loop3A_616 = arith.constant 0 : i32
        %parallel_loop3A_617 = arith.constant 0 : i32
        %parallel_loop3A_618 = tpu.memref_slice %arg7[%parallel_loop3A_551, %parallel_loop3A_615, %parallel_loop3A_616, %parallel_loop3A_617] : memref<4x8x8x129xf32, #tpu.memory_space<vmem>> -> memref<1x8x8x129xf32, #tpu.memory_space<vmem>>
        %parallel_loop3A_619 = tpu.memref_squeeze %parallel_loop3A_618 : memref<1x8x8x129xf32, #tpu.memory_space<vmem>> -> memref<8x8x129xf32, #tpu.memory_space<vmem>>
        tpu.vector_store_idx %parallel_loop3A_619[%shift_right_logical3A_510, %and3A_534, %parallel_loop3A_589], %parallel_loop3A_614 : memref<8x8x129xf32, #tpu.memory_space<vmem>>[vector<16xi32>, vector<16xi32>, vector<16xi32>], vector<16xf32>,
        %parallel_loop3A_620 = arith.constant 0 : i32
        %parallel_loop3A_621 = arith.constant 0 : i32
        %parallel_loop3A_622 = tpu.memref_slice %arg6[%parallel_loop3A_550, %parallel_loop3A_620, %parallel_loop3A_621] : memref<4x128x64xf32, #tpu.memory_space<vmem>> -> memref<1x128x64xf32, #tpu.memory_space<vmem>>
        %parallel_loop3A_623 = tpu.memref_squeeze %parallel_loop3A_622 : memref<1x128x64xf32, #tpu.memory_space<vmem>> -> memref<128x64xf32, #tpu.memory_space<vmem>>
        %parallel_loop3A_624 = arith.index_cast %parallel_loop3A_585 : i32 to index
        %parallel_loop3A_625 = arith.constant 32 : index
        %parallel_loop3A_626 = tpu.vector_load %parallel_loop3A_623[%parallel_loop3A_624, %parallel_loop3A_625] {strides = array<i32>} : memref<128x64xf32, #tpu.memory_space<vmem>>, vector<16xf32>,
        %parallel_loop3A_627 = arith.constant 8.000000e+00 : f32
        %parallel_loop3A_628 = vector.broadcast %parallel_loop3A_627 : f32 to vector<16xf32>
        %parallel_loop3A_629 = arith.mulf %parallel_loop3A_626, %parallel_loop3A_628 : vector<16xf32>
        %parallel_loop3A_630 = arith.constant 0 : i32
        %parallel_loop3A_631 = arith.constant 0 : i32
        %parallel_loop3A_632 = arith.constant 0 : i32
        %parallel_loop3A_633 = tpu.memref_slice %arg7[%parallel_loop3A_551, %parallel_loop3A_630, %parallel_loop3A_631, %parallel_loop3A_632] : memref<4x8x8x129xf32, #tpu.memory_space<vmem>> -> memref<1x8x8x129xf32, #tpu.memory_space<vmem>>
        %parallel_loop3A_634 = tpu.memref_squeeze %parallel_loop3A_633 : memref<1x8x8x129xf32, #tpu.memory_space<vmem>> -> memref<8x8x129xf32, #tpu.memory_space<vmem>>
        tpu.vector_store_idx %parallel_loop3A_634[%shift_right_logical3A_516, %and3A_540, %parallel_loop3A_589], %parallel_loop3A_629 : memref<8x8x129xf32, #tpu.memory_space<vmem>>[vector<16xi32>, vector<16xi32>, vector<16xi32>], vector<16xf32>,
        %parallel_loop3A_635 = arith.constant 0 : i32
        %parallel_loop3A_636 = arith.constant 0 : i32
        %parallel_loop3A_637 = tpu.memref_slice %arg6[%parallel_loop3A_550, %parallel_loop3A_635, %parallel_loop3A_636] : memref<4x128x64xf32, #tpu.memory_space<vmem>> -> memref<1x128x64xf32, #tpu.memory_space<vmem>>
        %parallel_loop3A_638 = tpu.memref_squeeze %parallel_loop3A_637 : memref<1x128x64xf32, #tpu.memory_space<vmem>> -> memref<128x64xf32, #tpu.memory_space<vmem>>
        %parallel_loop3A_639 = arith.index_cast %parallel_loop3A_585 : i32 to index
        %parallel_loop3A_640 = arith.constant 48 : index
        %parallel_loop3A_641 = tpu.vector_load %parallel_loop3A_638[%parallel_loop3A_639, %parallel_loop3A_640] {strides = array<i32>} : memref<128x64xf32, #tpu.memory_space<vmem>>, vector<16xf32>,
        %parallel_loop3A_642 = arith.constant 8.000000e+00 : f32
        %parallel_loop3A_643 = vector.broadcast %parallel_loop3A_642 : f32 to vector<16xf32>
        %parallel_loop3A_644 = arith.mulf %parallel_loop3A_641, %parallel_loop3A_643 : vector<16xf32>
        %parallel_loop3A_645 = arith.constant 0 : i32
        %parallel_loop3A_646 = arith.constant 0 : i32
        %parallel_loop3A_647 = arith.constant 0 : i32
        %parallel_loop3A_648 = tpu.memref_slice %arg7[%parallel_loop3A_551, %parallel_loop3A_645, %parallel_loop3A_646, %parallel_loop3A_647] : memref<4x8x8x129xf32, #tpu.memory_space<vmem>> -> memref<1x8x8x129xf32, #tpu.memory_space<vmem>>
        %parallel_loop3A_649 = tpu.memref_squeeze %parallel_loop3A_648 : memref<1x8x8x129xf32, #tpu.memory_space<vmem>> -> memref<8x8x129xf32, #tpu.memory_space<vmem>>
        tpu.vector_store_idx %parallel_loop3A_649[%shift_right_logical3A_522, %and3A_546, %parallel_loop3A_589], %parallel_loop3A_644 : memref<8x8x129xf32, #tpu.memory_space<vmem>>[vector<16xi32>, vector<16xi32>, vector<16xi32>], vector<16xf32>,
      } {sc.loop_unroll_factor = 8 : i64, sc.parallel_access}
      %add3A_552 = arith.constant 3 : i32
      %add3A_553 = arith.addi %mul3A_173, %add3A_552 : i32
      %add3A_554 = arith.addi %mul3A_2, %add3A_553 : i32
      %shift_right_logical3A_555 = arith.constant 5 : i32
      %shift_right_logical3A_556 = arith.shrui %add3A_554, %shift_right_logical3A_555 : i32
      %and3A_557 = arith.constant 31 : i32
      %and3A_558 = arith.andi %add3A_554, %and3A_557 : i32
      %dma_start3A_559 = arith.constant 3 : i32
      %dma_start3A_560 = arith.constant 0 : i32
      %dma_start3A_561 = arith.constant 0 : i32
      %dma_start3A_562 = arith.constant 0 : i32
      %dma_start3A_563 = tpu.memref_slice %arg7[%dma_start3A_559, %dma_start3A_560, %dma_start3A_561, %dma_start3A_562] : memref<4x8x8x129xf32, #tpu.memory_space<vmem>> -> memref<1x8x8x128xf32, #tpu.memory_space<vmem>>
      %dma_start3A_564 = tpu.memref_squeeze %dma_start3A_563 : memref<1x8x8x128xf32, #tpu.memory_space<vmem>> -> memref<8x8x128xf32, #tpu.memory_space<vmem>>
      %dma_start3A_565 = arith.constant 0 : i32
      %dma_start3A_566 = arith.constant 0 : i32
      %dma_start3A_567 = arith.constant 0 : i32
      %dma_start3A_568 = tpu.memref_slice %arg4[%shift_right_logical3A_556, %dma_start3A_565, %and3A_558, %dma_start3A_566, %dma_start3A_567] : memref<200x8x32x8x128xf32, #tpu.memory_space<hbm>> -> memref<1x8x1x8x128xf32, #tpu.memory_space<hbm>>
      %dma_start3A_569 = tpu.memref_squeeze %dma_start3A_568 : memref<1x8x1x8x128xf32, #tpu.memory_space<hbm>> -> memref<8x8x128xf32, #tpu.memory_space<hbm>>
      %dma_start3A_570 = arith.constant 0 : i32
      %dma_start3A_571 = arith.constant 0 : i32
      %dma_start3A_572 = arith.constant 0 : i32
      %dma_start3A_573 = tpu.memref_slice %arg4[%shift_right_logical3A_556, %dma_start3A_570, %and3A_558, %dma_start3A_571, %dma_start3A_572] : memref<200x8x32x8x128xf32, #tpu.memory_space<hbm>> -> memref<1x8x1x8x128xf32, #tpu.memory_space<hbm>>
      %dma_start3A_574 = tpu.memref_squeeze %dma_start3A_573 : memref<1x8x1x8x128xf32, #tpu.memory_space<hbm>> -> memref<8x8x128xf32, #tpu.memory_space<hbm>>
      %dma_start3A_575 = arith.constant 0 : i32
      %dma_start3A_576 = arith.constant 0 : i32
      %dma_start3A_577 = arith.constant 0 : i32
      %dma_start3A_578 = tpu.memref_slice %arg7[%dma_start3A_559, %dma_start3A_575, %dma_start3A_576, %dma_start3A_577] : memref<4x8x8x129xf32, #tpu.memory_space<vmem>> -> memref<1x8x8x128xf32, #tpu.memory_space<vmem>>
      %dma_start3A_579 = tpu.memref_squeeze %dma_start3A_578 : memref<1x8x8x128xf32, #tpu.memory_space<vmem>> -> memref<8x8x128xf32, #tpu.memory_space<vmem>>
      tpu.enqueue_dma source(%dma_start3A_579 : memref<8x8x128xf32, #tpu.memory_space<vmem>>) target(%dma_start3A_574 : memref<8x8x128xf32, #tpu.memory_space<hbm>>) target_semaphore(%arg16 : memref<!tpu.dma_semaphore, #tpu.memory_space<semaphore_mem>>)
      %lt3A_580 = arith.constant 49 : i32
      %lt3A_581 = arith.cmpi slt, %add3A_171, %lt3A_580 : i32
      %convert_element_type3A_582 = arith.extui %lt3A_581 : i1 to i32
      %cond3A_583 = arith.constant 0 : i32
      %cond3A_584 = arith.cmpi ne, %convert_element_type3A_582, %cond3A_583 : i32
      scf.if %cond3A_584 {
        %add3A_585 = arith.constant 3 : i32
        %add3A_586 = arith.addi %mul3A_173, %add3A_585 : i32
        %add3A_587 = arith.constant 4 : i32
        %add3A_588 = arith.addi %add3A_586, %add3A_587 : i32
        %dma_start3A_589 = arith.constant 3 : i32
        %dma_start3A_590 = arith.constant 0 : i32
        %dma_start3A_591 = arith.constant 0 : i32
        %dma_start3A_592 = tpu.memref_slice %arg6[%dma_start3A_589, %dma_start3A_590, %dma_start3A_591] : memref<4x128x64xf32, #tpu.memory_space<vmem>> -> memref<1x128x64xf32, #tpu.memory_space<vmem>>
        %dma_start3A_593 = tpu.memref_squeeze %dma_start3A_592 : memref<1x128x64xf32, #tpu.memory_space<vmem>> -> memref<128x64xf32, #tpu.memory_space<vmem>>
        %dma_start3A_594 = arith.constant 0 : i32
        %dma_start3A_595 = tpu.memref_slice %arg5[%add3A_588, %dma_start3A_594] : memref<200x128xi32, #tpu.memory_space<vmem>> -> memref<1x128xi32, #tpu.memory_space<vmem>>
        %dma_start3A_596 = tpu.memref_squeeze %dma_start3A_595 : memref<1x128xi32, #tpu.memory_space<vmem>> -> memref<128xi32, #tpu.memory_space<vmem>>
        %dma_start3A_597 = arith.constant 0 : i32
        %dma_start3A_598 = arith.constant 0 : i32
        %dma_start3A_599 = tpu.memref_slice %arg2[%dma_start3A_597, %dma_start3A_598] : memref<1000000x64xf32, #tpu.memory_space<hbm>> -> memref<1000000x64xf32, #tpu.memory_space<hbm>>
        tpu.enqueue_indirect_dma source(%dma_start3A_599 : memref<1000000x64xf32, #tpu.memory_space<hbm>>) target(%dma_start3A_593 : memref<128x64xf32, #tpu.memory_space<vmem>>) offsets(%dma_start3A_596 : memref<128xi32, #tpu.memory_space<vmem>>) semaphore(%arg12 : memref<!tpu.dma_semaphore, #tpu.memory_space<semaphore_mem>>)
      } else {
      }
    }
    %scan3A_60 = arith.constant 50 : i32
    %add3A_61 = arith.constant 196 : i32
    %add3A_62 = arith.addi %mul3A_2, %add3A_61 : i32
    %shift_right_logical3A = arith.constant 5 : i32
    %shift_right_logical3A_63 = arith.shrui %add3A_62, %shift_right_logical3A : i32
    %and3A = arith.constant 31 : i32
    %and3A_64 = arith.andi %add3A_62, %and3A : i32
    %dma_wait3A_65 = arith.constant 0 : i32
    %dma_wait3A_66 = arith.constant 0 : i32
    %dma_wait3A_67 = arith.constant 0 : i32
    %dma_wait3A_68 = arith.constant 0 : i32
    %dma_wait3A_69 = tpu.memref_slice %arg7[%dma_wait3A_65, %dma_wait3A_66, %dma_wait3A_67, %dma_wait3A_68] : memref<4x8x8x129xf32, #tpu.memory_space<vmem>> -> memref<1x8x8x128xf32, #tpu.memory_space<vmem>>
    %dma_wait3A_70 = tpu.memref_squeeze %dma_wait3A_69 : memref<1x8x8x128xf32, #tpu.memory_space<vmem>> -> memref<8x8x128xf32, #tpu.memory_space<vmem>>
    %dma_wait3A_71 = arith.constant 0 : i32
    %dma_wait3A_72 = arith.constant 0 : i32
    %dma_wait3A_73 = arith.constant 0 : i32
    %dma_wait3A_74 = tpu.memref_slice %arg4[%shift_right_logical3A_63, %dma_wait3A_71, %and3A_64, %dma_wait3A_72, %dma_wait3A_73] : memref<200x8x32x8x128xf32, #tpu.memory_space<hbm>> -> memref<1x8x1x8x128xf32, #tpu.memory_space<hbm>>
    %dma_wait3A_75 = tpu.memref_squeeze %dma_wait3A_74 : memref<1x8x1x8x128xf32, #tpu.memory_space<hbm>> -> memref<8x8x128xf32, #tpu.memory_space<hbm>>
    %dma_wait3A_76 = arith.constant 0 : i32
    %dma_wait3A_77 = arith.constant 0 : i32
    %dma_wait3A_78 = arith.constant 0 : i32
    %dma_wait3A_79 = tpu.memref_slice %arg4[%shift_right_logical3A_63, %dma_wait3A_76, %and3A_64, %dma_wait3A_77, %dma_wait3A_78] : memref<200x8x32x8x128xf32, #tpu.memory_space<hbm>> -> memref<1x8x1x8x128xf32, #tpu.memory_space<hbm>>
    %dma_wait3A_80 = tpu.memref_squeeze %dma_wait3A_79 : memref<1x8x1x8x128xf32, #tpu.memory_space<hbm>> -> memref<8x8x128xf32, #tpu.memory_space<hbm>>
    %dma_wait3A_81 = arith.constant 0 : i32
    %dma_wait3A_82 = arith.constant 0 : i32
    %dma_wait3A_83 = arith.constant 0 : i32
    %dma_wait3A_84 = tpu.memref_slice %arg7[%dma_wait3A_65, %dma_wait3A_81, %dma_wait3A_82, %dma_wait3A_83] : memref<4x8x8x129xf32, #tpu.memory_space<vmem>> -> memref<1x8x8x128xf32, #tpu.memory_space<vmem>>
    %dma_wait3A_85 = tpu.memref_squeeze %dma_wait3A_84 : memref<1x8x8x128xf32, #tpu.memory_space<vmem>> -> memref<8x8x128xf32, #tpu.memory_space<vmem>>
    tpu.wait_dma2 semaphore(%arg13 : memref<!tpu.dma_semaphore, #tpu.memory_space<semaphore_mem>>) src(%dma_wait3A_85 : memref<8x8x128xf32, #tpu.memory_space<vmem>>) dst(%dma_wait3A_80 : memref<8x8x128xf32, #tpu.memory_space<hbm>>)
    %add3A_86 = arith.constant 197 : i32
    %add3A_87 = arith.addi %mul3A_2, %add3A_86 : i32
    %shift_right_logical3A_88 = arith.constant 5 : i32
    %shift_right_logical3A_89 = arith.shrui %add3A_87, %shift_right_logical3A_88 : i32
    %and3A_90 = arith.constant 31 : i32
    %and3A_91 = arith.andi %add3A_87, %and3A_90 : i32
    %dma_wait3A_92 = arith.constant 1 : i32
    %dma_wait3A_93 = arith.constant 0 : i32
    %dma_wait3A_94 = arith.constant 0 : i32
    %dma_wait3A_95 = arith.constant 0 : i32
    %dma_wait3A_96 = tpu.memref_slice %arg7[%dma_wait3A_92, %dma_wait3A_93, %dma_wait3A_94, %dma_wait3A_95] : memref<4x8x8x129xf32, #tpu.memory_space<vmem>> -> memref<1x8x8x128xf32, #tpu.memory_space<vmem>>
    %dma_wait3A_97 = tpu.memref_squeeze %dma_wait3A_96 : memref<1x8x8x128xf32, #tpu.memory_space<vmem>> -> memref<8x8x128xf32, #tpu.memory_space<vmem>>
    %dma_wait3A_98 = arith.constant 0 : i32
    %dma_wait3A_99 = arith.constant 0 : i32
    %dma_wait3A_100 = arith.constant 0 : i32
    %dma_wait3A_101 = tpu.memref_slice %arg4[%shift_right_logical3A_89, %dma_wait3A_98, %and3A_91, %dma_wait3A_99, %dma_wait3A_100] : memref<200x8x32x8x128xf32, #tpu.memory_space<hbm>> -> memref<1x8x1x8x128xf32, #tpu.memory_space<hbm>>
    %dma_wait3A_102 = tpu.memref_squeeze %dma_wait3A_101 : memref<1x8x1x8x128xf32, #tpu.memory_space<hbm>> -> memref<8x8x128xf32, #tpu.memory_space<hbm>>
    %dma_wait3A_103 = arith.constant 0 : i32
    %dma_wait3A_104 = arith.constant 0 : i32
    %dma_wait3A_105 = arith.constant 0 : i32
    %dma_wait3A_106 = tpu.memref_slice %arg4[%shift_right_logical3A_89, %dma_wait3A_103, %and3A_91, %dma_wait3A_104, %dma_wait3A_105] : memref<200x8x32x8x128xf32, #tpu.memory_space<hbm>> -> memref<1x8x1x8x128xf32, #tpu.memory_space<hbm>>
    %dma_wait3A_107 = tpu.memref_squeeze %dma_wait3A_106 : memref<1x8x1x8x128xf32, #tpu.memory_space<hbm>> -> memref<8x8x128xf32, #tpu.memory_space<hbm>>
    %dma_wait3A_108 = arith.constant 0 : i32
    %dma_wait3A_109 = arith.constant 0 : i32
    %dma_wait3A_110 = arith.constant 0 : i32
    %dma_wait3A_111 = tpu.memref_slice %arg7[%dma_wait3A_92, %dma_wait3A_108, %dma_wait3A_109, %dma_wait3A_110] : memref<4x8x8x129xf32, #tpu.memory_space<vmem>> -> memref<1x8x8x128xf32, #tpu.memory_space<vmem>>
    %dma_wait3A_112 = tpu.memref_squeeze %dma_wait3A_111 : memref<1x8x8x128xf32, #tpu.memory_space<vmem>> -> memref<8x8x128xf32, #tpu.memory_space<vmem>>
    tpu.wait_dma2 semaphore(%arg14 : memref<!tpu.dma_semaphore, #tpu.memory_space<semaphore_mem>>) src(%dma_wait3A_112 : memref<8x8x128xf32, #tpu.memory_space<vmem>>) dst(%dma_wait3A_107 : memref<8x8x128xf32, #tpu.memory_space<hbm>>)
    %add3A_113 = arith.constant 198 : i32
    %add3A_114 = arith.addi %mul3A_2, %add3A_113 : i32
    %shift_right_logical3A_115 = arith.constant 5 : i32
    %shift_right_logical3A_116 = arith.shrui %add3A_114, %shift_right_logical3A_115 : i32
    %and3A_117 = arith.constant 31 : i32
    %and3A_118 = arith.andi %add3A_114, %and3A_117 : i32
    %dma_wait3A_119 = arith.constant 2 : i32
    %dma_wait3A_120 = arith.constant 0 : i32
    %dma_wait3A_121 = arith.constant 0 : i32
    %dma_wait3A_122 = arith.constant 0 : i32
    %dma_wait3A_123 = tpu.memref_slice %arg7[%dma_wait3A_119, %dma_wait3A_120, %dma_wait3A_121, %dma_wait3A_122] : memref<4x8x8x129xf32, #tpu.memory_space<vmem>> -> memref<1x8x8x128xf32, #tpu.memory_space<vmem>>
    %dma_wait3A_124 = tpu.memref_squeeze %dma_wait3A_123 : memref<1x8x8x128xf32, #tpu.memory_space<vmem>> -> memref<8x8x128xf32, #tpu.memory_space<vmem>>
    %dma_wait3A_125 = arith.constant 0 : i32
    %dma_wait3A_126 = arith.constant 0 : i32
    %dma_wait3A_127 = arith.constant 0 : i32
    %dma_wait3A_128 = tpu.memref_slice %arg4[%shift_right_logical3A_116, %dma_wait3A_125, %and3A_118, %dma_wait3A_126, %dma_wait3A_127] : memref<200x8x32x8x128xf32, #tpu.memory_space<hbm>> -> memref<1x8x1x8x128xf32, #tpu.memory_space<hbm>>
    %dma_wait3A_129 = tpu.memref_squeeze %dma_wait3A_128 : memref<1x8x1x8x128xf32, #tpu.memory_space<hbm>> -> memref<8x8x128xf32, #tpu.memory_space<hbm>>
    %dma_wait3A_130 = arith.constant 0 : i32
    %dma_wait3A_131 = arith.constant 0 : i32
    %dma_wait3A_132 = arith.constant 0 : i32
    %dma_wait3A_133 = tpu.memref_slice %arg4[%shift_right_logical3A_116, %dma_wait3A_130, %and3A_118, %dma_wait3A_131, %dma_wait3A_132] : memref<200x8x32x8x128xf32, #tpu.memory_space<hbm>> -> memref<1x8x1x8x128xf32, #tpu.memory_space<hbm>>
    %dma_wait3A_134 = tpu.memref_squeeze %dma_wait3A_133 : memref<1x8x1x8x128xf32, #tpu.memory_space<hbm>> -> memref<8x8x128xf32, #tpu.memory_space<hbm>>
    %dma_wait3A_135 = arith.constant 0 : i32
    %dma_wait3A_136 = arith.constant 0 : i32
    %dma_wait3A_137 = arith.constant 0 : i32
    %dma_wait3A_138 = tpu.memref_slice %arg7[%dma_wait3A_119, %dma_wait3A_135, %dma_wait3A_136, %dma_wait3A_137] : memref<4x8x8x129xf32, #tpu.memory_space<vmem>> -> memref<1x8x8x128xf32, #tpu.memory_space<vmem>>
    %dma_wait3A_139 = tpu.memref_squeeze %dma_wait3A_138 : memref<1x8x8x128xf32, #tpu.memory_space<vmem>> -> memref<8x8x128xf32, #tpu.memory_space<vmem>>
    tpu.wait_dma2 semaphore(%arg15 : memref<!tpu.dma_semaphore, #tpu.memory_space<semaphore_mem>>) src(%dma_wait3A_139 : memref<8x8x128xf32, #tpu.memory_space<vmem>>) dst(%dma_wait3A_134 : memref<8x8x128xf32, #tpu.memory_space<hbm>>)
    %add3A_140 = arith.constant 199 : i32
    %add3A_141 = arith.addi %mul3A_2, %add3A_140 : i32
    %shift_right_logical3A_142 = arith.constant 5 : i32
    %shift_right_logical3A_143 = arith.shrui %add3A_141, %shift_right_logical3A_142 : i32
    %and3A_144 = arith.constant 31 : i32
    %and3A_145 = arith.andi %add3A_141, %and3A_144 : i32
    %dma_wait3A_146 = arith.constant 3 : i32
    %dma_wait3A_147 = arith.constant 0 : i32
    %dma_wait3A_148 = arith.constant 0 : i32
    %dma_wait3A_149 = arith.constant 0 : i32
    %dma_wait3A_150 = tpu.memref_slice %arg7[%dma_wait3A_146, %dma_wait3A_147, %dma_wait3A_148, %dma_wait3A_149] : memref<4x8x8x129xf32, #tpu.memory_space<vmem>> -> memref<1x8x8x128xf32, #tpu.memory_space<vmem>>
    %dma_wait3A_151 = tpu.memref_squeeze %dma_wait3A_150 : memref<1x8x8x128xf32, #tpu.memory_space<vmem>> -> memref<8x8x128xf32, #tpu.memory_space<vmem>>
    %dma_wait3A_152 = arith.constant 0 : i32
    %dma_wait3A_153 = arith.constant 0 : i32
    %dma_wait3A_154 = arith.constant 0 : i32
    %dma_wait3A_155 = tpu.memref_slice %arg4[%shift_right_logical3A_143, %dma_wait3A_152, %and3A_145, %dma_wait3A_153, %dma_wait3A_154] : memref<200x8x32x8x128xf32, #tpu.memory_space<hbm>> -> memref<1x8x1x8x128xf32, #tpu.memory_space<hbm>>
    %dma_wait3A_156 = tpu.memref_squeeze %dma_wait3A_155 : memref<1x8x1x8x128xf32, #tpu.memory_space<hbm>> -> memref<8x8x128xf32, #tpu.memory_space<hbm>>
    %dma_wait3A_157 = arith.constant 0 : i32
    %dma_wait3A_158 = arith.constant 0 : i32
    %dma_wait3A_159 = arith.constant 0 : i32
    %dma_wait3A_160 = tpu.memref_slice %arg4[%shift_right_logical3A_143, %dma_wait3A_157, %and3A_145, %dma_wait3A_158, %dma_wait3A_159] : memref<200x8x32x8x128xf32, #tpu.memory_space<hbm>> -> memref<1x8x1x8x128xf32, #tpu.memory_space<hbm>>
    %dma_wait3A_161 = tpu.memref_squeeze %dma_wait3A_160 : memref<1x8x1x8x128xf32, #tpu.memory_space<hbm>> -> memref<8x8x128xf32, #tpu.memory_space<hbm>>
    %dma_wait3A_162 = arith.constant 0 : i32
    %dma_wait3A_163 = arith.constant 0 : i32
    %dma_wait3A_164 = arith.constant 0 : i32
    %dma_wait3A_165 = tpu.memref_slice %arg7[%dma_wait3A_146, %dma_wait3A_162, %dma_wait3A_163, %dma_wait3A_164] : memref<4x8x8x129xf32, #tpu.memory_space<vmem>> -> memref<1x8x8x128xf32, #tpu.memory_space<vmem>>
    %dma_wait3A_166 = tpu.memref_squeeze %dma_wait3A_165 : memref<1x8x8x128xf32, #tpu.memory_space<vmem>> -> memref<8x8x128xf32, #tpu.memory_space<vmem>>
    tpu.wait_dma2 semaphore(%arg16 : memref<!tpu.dma_semaphore, #tpu.memory_space<semaphore_mem>>) src(%dma_wait3A_166 : memref<8x8x128xf32, #tpu.memory_space<vmem>>) dst(%dma_wait3A_161 : memref<8x8x128xf32, #tpu.memory_space<hbm>>)
    return
  }
}

</mosaic_0001>

<sc_bundles>
// kernel: kernel.3.cloned.1.call-start
scs
__scs_entry_jumppad:
0x0: {  	(pc) =	sbr.rel $0x88, $3  }
0x1: {  	(tag) =	ssettag $0x0;
	lr =	simm.s32 $0x1  }
0x2: {  	[smem:$0x3F9F] =	sst lr;
	_ =	strace $0xD0000000  }
0x3: {  	_ = 	snop  }
0x4: {  	_ = 	snop  }
0x5: {  	_ = 	snop  }
0x6: {  	_ = 	snop  }
0x7: {  	_ = 	snop  }
__scs_overlays_trampoline_lowered:
0x8: {  	[smem:$0x3FAE] =	sst s0  }
0x9: {  	[smem:$0x3FAF] =	sst s1  }
0xa: {  	[smem:$0x3FB0] =	sst s2  }
0xb: {  	[smem:$0x3FB1] =	sst s3  }
0xc: {  	[smem:$0x3FB2] =	sst s4  }
0xd: {  	[smem:$0x3FB3] =	sst s5  }
0xe: {  	[smem:$0x3FB4] =	sst s6  }
0xf: {  	[smem:$0x3FB5] =	sst s7  }
0x10: {  	[smem:$0x3FB6] =	sst s8  }
0x11: {  	[smem:$0x3FB7] =	sst s9;
	s0 =	simm.s32 @!p0 $0x0  }
0x12: {  	s1 =	sld [smem:$0x3F9D];
	s0 =	simm.s32 @p0 $0x1  }
0x13: {  	[smem:$0x3FB8] =	sst s0;
	s0 =	simm.s32 @!p1 $0x0  }
0x14: {  	s2 =	sld [smem:$0x3F9C];
	s0 =	simm.s32 @p1 $0x1  }
0x15: {  	[smem:$0x3FB9] =	sst s0;
	s0 =	simm.s32 @!p2 $0x0  }
0x16: {  	s3 =	sld [smem:$0x3FDB];
	s0 =	simm.s32 @p2 $0x1  }
0x17: {  	s4 =	simm.s32 $0x1BF5;
	[smem:$0x3FBB] =	sst s0  }
0x18: {  	s0 =	sld [smem:$0x3F9E];
	_ =	swait.ge [sflag:s4], $0x0  }
0x19: {  	s7 =	sld [smem:$0x3F9F]  }
0x1a: {  	s8 =	sadd.s32 $0xFFFFE003, lr  }
0x1b: {  	s9 =	sadd.s32 $0xFFFFFEF7, lr;
	s5 =	simm.s32 $0xFFFFFFFF;
	p2 =	slt.u32 s8, $0xFFFFF086  }
0x1c: {  	p1 =	slt.u32 s9, $0xF7A;
	s5 =	simm.s32 @!p2 $0x0  }
0x1d: {  	s5 =	simm.s32 @p1 $0x1;
	p0 =	seq.s32 s7, s2  }
0x1e: {  	s7 =	smul.u32 @!p0 $0xF7A, s2;
	p2 =	seq.s32 @!p0 s5, $0x0  }
0x1f: {  	s9 =	smul.u32 $0xF7A, s1;
	s8 =	simm.s32 @!p0 $0x1BF5;
	p2 =	por !p2, p0  }
0x20: {  	[sflag:s8] =	ssyncset.s32 @!p0 $0xFFFFF086;
	s6 =	sadd.s32 @!p0 s3, s7;
	s7 =	simm.s32 @!p0 $0x108  }
0x21: {  	s3 =	sadd.s32 s3, s9;
	s6 =	sadd.s32 @!p0 $0x88, s6;
	s7 =	simm.s32 @p2 $0x1082  }
0x22: {  	[simem:s7], [sflag:s8] =	dma.local @!p0 [hbm:s6], $0xF7A  }
0x23: {  	s9 =	sor.u32 $0xD0000000, s2;
	s6 =	simm.s32 $0x108;
	_ =	swait.ge @!p0 [sflag:s8], $0x0  }
0x24: {  	s3 =	sadd.s32 $0x88, s3;
	s6 =	simm.s32 @!p1 $0x1082;
	[sflag:s4] =	ssyncset.s32 $0xFFFFF086  }
0x25: {  	[simem:s6], [sflag:s4] =	dma.local [hbm:s3], $0xF7A  }
0x26: {  	[smem:$0x3F9F] =	sst s1;
	(tag) =	ssettag s2;
	_ =	strace s9  }
0x27: {  	s1 =	sld [smem:$0x3FAF]  }
0x28: {  	s2 =	sld [smem:$0x3FB0]  }
0x29: {  	s4 =	sld [smem:$0x3FB2]  }
0x2a: {  	p0 =	seq.s32 s5, $0x0;
	s5 =	sld [smem:$0x3FB3]  }
0x2b: {  	s6 =	sld [smem:$0x3FB4]  }
0x2c: {  	s7 =	sld [smem:$0x3FB5]  }
0x2d: {  	s3 =	simm.s32 $0x108;
	s8 =	sld [smem:$0x3FB6]  }
0x2e: {  	s3 =	simm.s32 @!p0 $0x1082;
	s9 =	sld [smem:$0x3FB7]  }
0x2f: {  	lr =	sadd.s32 s0, s3;
	s0 =	sld [smem:$0x3FAE]  }
0x30: {  	s3 =	sld [smem:$0x3FB1]  }
0x31: {  	[smem:$0x3FBA] =	sst s10  }
0x32: {  	s10 =	sld [smem:$0x3FB8];
	_ =	sdelay $0x3  }
0x33: {  	p0 =	seq.s32 s10, $0x1;
	s10 =	sld [smem:$0x3FBA];
	_ =	sdelay $0x3  }
0x34: {  	[smem:$0x3FBA] =	sst s10  }
0x35: {  	s10 =	sld [smem:$0x3FB9];
	_ =	sdelay $0x3  }
0x36: {  	p1 =	seq.s32 s10, $0x1;
	s10 =	sld [smem:$0x3FBA];
	_ =	sdelay $0x3  }
0x37: {  	[smem:$0x3FBA] =	sst s10  }
0x38: {  	s10 =	sld [smem:$0x3FBB]  }
0x39: {  	_ = 	snop;
	(pc) =	sbr.ind lr, $3  }
0x3a: {  	_ = 	snop  }
0x3b: {  	_ = 	snop  }
0x3c: {  	p2 =	seq.s32 s10, $0x1;
	s10 =	sld [smem:$0x3FBA]  }
0x3d: {  	_ =	shalt  }
0x3e: {  	_ =	shalt  }
0x3f: {  	_ =	shalt  }
0x40: {  	_ =	shalt  }
0x41: {  	_ =	shalt  }
0x42: {  	_ =	shalt  }
0x43: {  	_ =	shalt  }
0x44: {  	_ =	shalt  }
0x45: {  	_ =	shalt  }
0x46: {  	_ =	shalt  }
0x47: {  	_ =	shalt  }
0x48: {  	_ =	shalt  }
0x49: {  	_ =	shalt  }
0x4a: {  	_ =	shalt  }
0x4b: {  	_ =	shalt  }
0x4c: {  	_ =	shalt  }
0x4d: {  	_ =	shalt  }
0x4e: {  	_ =	shalt  }
0x4f: {  	_ =	shalt  }
0x50: {  	_ =	shalt  }
0x51: {  	_ =	shalt  }
0x52: {  	_ =	shalt  }
0x53: {  	_ =	shalt  }
0x54: {  	_ =	shalt  }
0x55: {  	_ =	shalt  }
0x56: {  	_ =	shalt  }
0x57: {  	_ =	shalt  }
0x58: {  	_ =	shalt  }
0x59: {  	_ =	shalt  }
0x5a: {  	_ =	shalt  }
0x5b: {  	_ =	shalt  }
0x5c: {  	_ =	shalt  }
0x5d: {  	_ =	shalt  }
0x5e: {  	_ =	shalt  }
0x5f: {  	_ =	shalt  }
0x60: {  	_ =	shalt  }
0x61: {  	_ =	shalt  }
0x62: {  	_ =	shalt  }
0x63: {  	_ =	shalt  }
0x64: {  	_ =	shalt  }
0x65: {  	_ =	shalt  }
0x66: {  	_ =	shalt  }
0x67: {  	_ =	shalt  }
0x68: {  	_ =	shalt  }
0x69: {  	_ =	shalt  }
0x6a: {  	_ =	shalt  }
0x6b: {  	_ =	shalt  }
0x6c: {  	_ =	shalt  }
0x6d: {  	_ =	shalt  }
0x6e: {  	_ =	shalt  }
0x6f: {  	_ =	shalt  }
0x70: {  	_ =	shalt  }
0x71: {  	_ =	shalt  }
0x72: {  	_ =	shalt  }
0x73: {  	_ =	shalt  }
0x74: {  	_ =	shalt  }
0x75: {  	_ =	shalt  }
0x76: {  	_ =	shalt  }
0x77: {  	_ =	shalt  }
0x78: {  	_ =	shalt  }
0x79: {  	_ =	shalt  }
0x7a: {  	_ =	shalt  }
0x7b: {  	_ =	shalt  }
0x7c: {  	_ =	shalt  }
0x7d: {  	_ =	shalt  }
0x7e: {  	_ =	shalt  }
0x7f: {  	_ =	shalt  }
0x80: {  	_ =	shalt  }
0x81: {  	_ =	shalt  }
0x82: {  	_ =	shalt  }
0x83: {  	_ =	shalt  }
0x84: {  	_ =	shalt  }
0x85: {  	_ =	shalt  }
0x86: {  	_ =	shalt  }
0x87: {  	_ =	shalt  }
.Lfunc_end0:
.L_simem_size_0:
called_computation_lowered:
.L_overlay_start_0:
0x88: {  	s2 =	sld [smem:$0x3FD9]  }
0x89: {  	s3 =	sld [smem:$0x3FFE];
	_ =	sdelay $0x1  }
0x8a: {  	s1 =	srdreg.scid  }
0x8b: {  	s0 =	sand.u32 $0x1, s1  }
0x8c: {  	s17 =	sshll.u32 s0, $0xA;
	s2 =	sadd.s32 s3, s2  }
0x8d: {  	s2 =	sadd.s32 s2, s17  }
0x8e: {  	[smem:$0x3FC6] =	sst s2  }
0x8f: {  	_ = 	snop  }
0x90: {  	s2 =	sld [smem:$0x3FD0];
	(tm) =	ssettm $0x1  }
0x91: {  	s18 =	sld [smem:$0x3FFB];
	_ =	sdelay $0x3  }
0x92: {  	_ =	strace s18  }
0x93: {  	s3 =	sld [smem:$0x3FFC];
	_ =	sdelay $0x3  }
0x94: {  	_ =	strace s3  }
0x95: {  	s3 =	sld [smem:$0x3FFD];
	_ =	sdelay $0x3  }
0x96: {  	_ =	strace s3  }
0x97: {  	_ =	strace $0x8FFFFFFF  }
0x98: {  	s19 =	sld [smem:$0x3FDB];
	_ =	sdelay $0x1  }
0x99: {  	s4 =	simm.s32 $_scs_section_size  }
0x9a: {  	s5 =	simm.s32 $_size__tile_overlayer_lowered;
	s6 =	simm.s32 $_tile_overlayer_lowered  }
0x9b: {  	s22 =	simm.s32 $0x1BFF;
	s21 =	sshll.u32 s6, $0x1;
	s3 =	sadd.s32 s4, s19  }
0x9c: {  	s7 =	simm.s32 $0x0;
	s20 =	sshll.u32 s5, $0x1;
	s5 =	sadd.s32 s21, s3  }
0x9d: {  	[timem:s7], [sflag:s22] =	dma.local [hbm:s5], s20  }
0x9e: {  	_ =	swait.ge [sflag:s22], s20  }
0x9f: {  	s4 =	ssub.s32 $0x0, s20;
	[sflag:s22] =	ssyncset.done $0x0  }
0xa0: {  	[sflag:s22] =	ssyncadd.s32 s4;
	_ =	sdelay $0x1  }
0xa1: {  	s23 =	simm.s32 $0x1B8B  }
0xa2: {  	_ =	swait.ge [sflag:s23], $0x1  }
0xa3: {  	[sflag:s23] =	ssyncset.done $0x0  }
0xa4: {  	s25 =	simm.s32 $0x1B8E;
	s24 =	sld [smem:$0x3FFE];
	[sflag:s23] =	ssyncadd.s32 $0xFFFFFFFF  }
0xa5: {  	s26 =	simm.s32 $execute0_lowered;
	[smem:$0x3FD2] =	sst s25  }
0xa6: {  	s5 =	sshll.u32 s26, $0x1;
	_ =	strace $0x80000046;
	[dreg:$0x1] =	wrdreg $0xFFFFFFFF  }
0xa7: {  	s28 =	simm.s32 $_size_execute0_lowered;
	s3 =	sadd.s32 s3, s5;
	[dreg:$0x0] =	wrdreg $0x0  }
0xa8: {  	s5 =	sshll.u32 s28, $0x1;
	[dreg:$0x2] =	wrdreg s3  }
0xa9: {  	[dreg:$0x3] =	wrdreg s5  }
0xaa: {  	[dreg:$0x4] =	wrdreg $0xC0  }
0xab: {  	_ =	task [dreg:s7], $0x5FFFF  }
0xac: {  	[dreg:$0x1] =	wrdreg $0xFFFFFFFF  }
0xad: {  	[dreg:$0x0] =	wrdreg $0x60  }
0xae: {  	[dreg:$0x2] =	wrdreg s24  }
0xaf: {  	[dreg:$0x3] =	wrdreg s2  }
0xb0: {  	[dreg:$0x4] =	wrdreg $0x9  }
0xb1: {  	_ =	task.clear_ibuf [dreg:s7], $0x5FFFF;
	_ =	strace $0x90000046  }
0xb2: {  	s29 =	simm.s32 $0x9;
	_ =	strace $0x80000048  }
0xb3: {  	_ =	swait.ge [sflag:s29], $0x1  }
0xb4: {  	[sflag:s29] =	ssyncadd.s32 $0xFFFFFFFF  }
0xb5: {  	_ =	strace $0x90000048  }
0xb6: {  	_ =	sfence  }
0xb7: {  	s30 =	sld [smem:$0x0];
	_ =	sdelay $0x2  }
0xb8: {  	s31 =	sshll.u32 s1, $0xD;
	s1 =	sshrl.u32 s1, $0x2  }
0xb9: {  	s3 =	sand.u32 $0x4000, s31;
	s1 =	sadd.s32 s1, s30  }
0xba: {  	s0 =	sor.u32 s3, s0;
	s1 =	sshll.u32 s1, $0x11  }
0xbb: {  	s0 =	sor.u32 s1, s0  }
0xbc: {  	s0 =	sadd.s32 $0x8F2B, s0  }
0xbd: {  	[sflag:s0] =	ssyncadd.remote.s32 $0x1  }
0xbe: {  	_ =	sfence.sel $0xFFFF  }
0xbf: {  	[dreg:$0x0] =	wrdreg $0xFFFFFFFF;
	(pc) =	sbr.abs _section_cstart, $3  }
0xc0: {  	[dreg:$0x1] =	wrdreg $0xFFFFFFFF  }
0xc1: {  	_ =	task.clear_ibuf [dreg:s7], $0x2FFFF;
	_ =	strace $0x9FFFFFFF  }
0xc2: {  	(tm) =	ssettm $0x7FFFFFFF  }
0xc3: {  	_ =	shalt  }
tec
execute0_lowered:
.L_overlay_start_1:
0x0: {  	(tag) =	ssettag $0x1  }
0x1: {  	s3 =	stileid.u32;
	v0 =	vlaneseq.u32  }
0x2: {  	s0 =	rddreg [dreg:$0x0];
	s4 =	sshll.u32 s3, $0x1;
	v20 =	vmul.u32 $0x88, v0;
	s3 =	simm.s32 $0x0  }
0x3: {  	[smem:$0x7FF] =	sst s3  }
0x4: {  	s2 =	rddreg [dreg:$0x1];
	v10 =	vadd.s32 $0x880, v20;
	_ =	strace $0x80000047;
	[tilespmem:$0x1FF10] =	vst v20  }
0x5: {  	v0 =	vadd.s32 $0x1100, v20;
	[tilespmem:$0x1FE40] =	vst v10  }
0x6: {  	v8 =	vadd.s32 $0x1980, v20;
	[tilespmem:$0x1FE50] =	vst v0  }
0x7: {  	v26 =	vadd.s32 $0x882, v20;
	[tilespmem:$0x1FE60] =	vst v8  }
0x8: {  	v5 =	vadd.s32 $0x1982, v20;
	[tilespmem:$0x1FE70] =	vst v26  }
0x9: {  	v4 =	vadd.s32 $0x1983, v20;
	[tilespmem:$0x1FE80] =	vst v5  }
0xa: {  	v61 =	vadd.s32 $0x884, v20;
	[tilespmem:$0x1FE90] =	vst v4  }
0xb: {  	v25 =	vadd.s32 $0x1104, v20;
	[tilespmem:$0x1FEA0] =	vst v61  }
0xc: {  	v12 =	vadd.s32 $0x1984, v20;
	[tilespmem:$0x1FEB0] =	vst v25  }
0xd: {  	v2 =	vadd.s32 $0x1985, v20;
	[tilespmem:$0x1FEC0] =	vst v12  }
0xe: {  	v11 =	vadd.s32 $0x886, v20;
	[tilespmem:$0x1FED0] =	vst v2  }
0xf: {  	v32 =	vadd.s32 $0x1106, v20;
	[tilespmem:$0x1FEE0] =	vst v11  }
0x10: {  	v6 =	vadd.s32 $0x1986, v20;
	[tilespmem:$0x1FEF0] =	vst v32  }
0x11: {  	v24 =	vor.u32 $0x1, v20;
	[tilespmem:$0x1FF00] =	vst v6  }
0x12: {  	v16 =	vadd.s32 $0x1101, v20;
	[tilespmem:$0x1FF20] =	vst v24  }
0x13: {  	v13 =	vor.u32 $0x2, v20;
	[tilespmem:$0x1FF30] =	vst v16  }
0x14: {  	s1 =	srdreg.scid;
	v3 =	vadd.s32 $0x1102, v20;
	[tilespmem:$0x1FF40] =	vst v13  }
0x15: {  	s8 =	simm.s32 $0x1;
	s9 =	simm.s32 $0x80;
	s10 =	simm.s32 $0x6400;
	v17 =	vor.u32 $0x3, v20;
	[tilespmem:$0x1FF50] =	vst v3  }
0x16: {  	s11 =	simm.s32 $0x8400;
	s13 =	simm.s32 $0xA400;
	s15 =	simm.s32 $0xC400;
	v54 =	vor.u32 $0x4, v20;
	[tilespmem:$0x1FF60] =	vst v17  }
0x17: {  	s16 =	simm.s32 $0x2;
	s17 =	simm.s32 $0xE400;
	s18 =	simm.s32 $0x3;
	v28 =	vor.u32 $0x5, v20;
	[tilespmem:$0x1FF70] =	vst v54  }
0x18: {  	s19 =	simm.s32 $0x7;
	s20 =	simm.s32 $0x10600;
	s1 =	sand.u32 $0x1, s1;
	v57 =	vor.u32 $0x6, v20;
	[tilespmem:$0x1FF80] =	vst v28  }
0x19: {  	s21 =	simm.s32 $0x4;
	s22 =	simm.s32 $0x8;
	s5 =	sor.u32 s1, s4;
	v27 =	vor.u32 $0x7, v20;
	[tilespmem:$0x1FF90] =	vst v57  }
0x1a: {  	s23 =	simm.s32 $0x12800;
	s1 =	ssub.s32 $0x2, s1;
	s6 =	smul.u32 $0xC80, s5;
	v23 =	vadd.s32 $0x887, v20;
	[tilespmem:$0x1FFA0] =	vst v27  }
.Ltmp0:
0x1b: {  	s24 =	simm.s32 $0x5;
	s7 =	sshrl.u32 s1, $0x1;
	v19 =	vadd.s32 $0x1107, v20;
	[tilespmem:$0x1FFB0] =	vst v23;
	(pc) =	sbr.rel .LBB2_1-.Ltmp0, $4  }
0x1c: {  	s25 =	simm.s32 $0x9;
	s26 =	simm.s32 $0x14A00;
	v15 =	vadd.s32 $0x1987, v20;
	s1 =	ssub.s32 s1, s7;
	[tilespmem:$0x1FFC0] =	vst v19  }
0x1d: {  	v1 =	vimm.s32 $0x0;
	vm0 =	vcmask $0x300;
	s4 =	sadd.s32 $0xF42A00, s0;
	v14 =	vadd.s32 $0x1981, v20;
	[tilespmem:$0x1FFD0] =	vst v15;
	s0 =	sadd.s32 s6, s0;
	s31 =	smax.u32 s1, $0x1  }
0x1e: {  	s28 =	simm.s32 $0x6;
	v1 =	vsel vm0, $0x3, v1;
	v21 =	vadd.s32 $0x881, v20;
	v7 =	vadd.s32 $0x1105, v20;
	[tilespmem:$0x1FFE0] =	vst v14;
	s0 =	sadd.s32 $0x600, s0;
	[dreg:$0x4] =	wrdreg s31  }
0x1f: {  	s29 =	simm.s32 $0x0;
	s5 =	smul.u32 $0xC8, s5;
	v60 =	vadd.s32 $0x883, v20;
	v22 =	vadd.s32 $0x1103, v20;
	v29 =	vadd.s32 $0x885, v20;
	[tilespmem:$0x1FFF0] =	vst v7;
	[dreg:$0x3] =	wrdreg s0  }
.LBB2_32:
0x20: {  	_ =	swait.ge [sflag:s28], $0x2000  }
0x21: {  	[sflag:s28] =	ssyncset.done $0x0  }
0x22: {  	[sflag:s28] =	ssyncadd.s32 $0xFFFFE000  }
0x23: {  	_ =	swait.ge [sflag:s19], $0x2000  }
0x24: {  	[sflag:s19] =	ssyncset.done $0x0  }
0x25: {  	[sflag:s19] =	ssyncadd.s32 $0xFFFFE000  }
0x26: {  	_ =	swait.ge [sflag:s22], $0x2000  }
0x27: {  	[sflag:s22] =	ssyncset.done $0x0  }
0x28: {  	[sflag:s22] =	ssyncadd.s32 $0xFFFFE000  }
0x29: {  	_ =	swait.ge [sflag:s25], $0x2000  }
0x2a: {  	v20 =	vld [tilespmem:$0x1FF10]  }
0x2b: {  	v8 =	vld [tilespmem:$0x1FE60]  }
0x2c: {  	v24 =	vld [tilespmem:$0x1FF20]  }
0x2d: {  	v16 =	vld [tilespmem:$0x1FF30]  }
0x2e: {  	v13 =	vld [tilespmem:$0x1FF40]  }
0x2f: {  	v3 =	vld [tilespmem:$0x1FF50]  }
0x30: {  	v17 =	vld [tilespmem:$0x1FF60]  }
0x31: {  	v54 =	vld [tilespmem:$0x1FF70]  }
0x32: {  	s29 =	sadd.s32 $0x1, s29;
	s0 =	rddreg [dreg:$0x4];
	v12 =	vld [tilespmem:$0x1FEC0]  }
0x33: {  	v28 =	vld [tilespmem:$0x1FF80];
	p0 =	sne.s32 s29, s0  }
.Ltmp1:
0x34: {  	v57 =	vld [tilespmem:$0x1FF90];
	(pc) =	sbr.rel @!p0 .LBB2_33-.Ltmp1, $4  }
0x35: {  	v27 =	vld [tilespmem:$0x1FFA0]  }
0x36: {  	v23 =	vld [tilespmem:$0x1FFB0]  }
0x37: {  	[sflag:s25] =	ssyncset.done $0x0;
	v19 =	vld [tilespmem:$0x1FFC0]  }
0x38: {  	v7 =	vmov v6;
	v15 =	vld [tilespmem:$0x1FFD0];
	[sflag:s25] =	ssyncadd.s32 $0xFFFFE000  }
.LBB2_1:
0x39: {  	s0 =	rddreg [dreg:$0x3]  }
0x3a: {  	[tilespmem:s3], [sflag:$0x1] =	stream.linear.gather [hbm4b:s0+s3], $0x6400, $0x38;
	[tilespmem:$0x16C00] =	vst v63  }
0x3b: {  	_ =	swait.ge [sflag:s8], $0x6400  }
0x3c: {  	[sflag:s8] =	ssyncset.done $0x0  }
0x3d: {  	[sflag:s8] =	ssyncadd.s32 $0xFFFF9C00  }
0x3e: {  	[tilespmem:s10], [sflag:$0x2] =	stream.indirect.gather [hbm4b:s4+s9], $0x40, s3, s9, $0xb8;
	[tilespmem:$0x16C00] =	vst v63  }
0x3f: {  	_ = 	snop  }
0x40: {  	[tilespmem:s11], [sflag:$0x3] =	stream.indirect.gather [hbm4b:s4+s9], $0x40, s9, s9, $0xb8;
	[tilespmem:$0x16C00] =	vst v63  }
0x41: {  	s14 =	simm.s32 $0x100  }
0x42: {  	[tilespmem:s13], [sflag:$0x4] =	stream.indirect.gather [hbm4b:s4+s9], $0x40, s14, s9, $0xb8;
	[tilespmem:$0x16C00] =	vst v63  }
0x43: {  	s31 =	simm.s32 $0x180;
	s30 =	simm.s32 $0x0  }
0x44: {  	v6 =	vmov v7;
	v5 =	vmov v8;
	[tilespmem:s15], [sflag:$0x5] =	stream.indirect.gather [hbm4b:s4+s9], $0x40, s31, s9, $0xb8;
	[tilespmem:$0x16C00] =	vst v63  }
.LBB2_2:
0x45: {  	_ =	swait.ge [sflag:s16], $0x2000  }
0x46: {  	s0 =	simm.s32 $0x0;
	p0 =	seq.s32 s30, $0x0;
	s14 =	simm.s32 $0x1  }
0x47: {  	s1 =	simm.s32 $0x2;
	s6 =	simm.s32 $0x3;
	s7 =	simm.s32 $0x5;
	v33 =	vmov s0;
	v34 =	vmov s14  }
0x48: {  	[sflag:s16] =	ssyncset.done $0x0;
	v35 =	vmov s1;
	v36 =	vmov s6;
	s6 =	simm.s32 $0x4;
	s14 =	simm.s32 $0x6;
	v38 =	vmov s7  }
0x49: {  	s12 =	simm.s32 @!p0 $0x6;
	v33 =	vshrl.u32 v33, $0x3;
	[sflag:s16] =	ssyncadd.s32 $0xFFFFE000;
	v37 =	vmov s6;
	v39 =	vmov s14;
	s6 =	simm.s32 $0x7  }
0x4a: {  	v34 =	vshrl.u32 v34, $0x3;
	v35 =	vshrl.u32 v35, $0x3;
	_ =	swait.ge @!p0 [sflag:s12], $0x2000;
	v40 =	vmov s6  }
0x4b: {  	v36 =	vshrl.u32 v36, $0x3;
	v38 =	vshrl.u32 v38, $0x3;
	[sflag:s12] =	ssyncset.done @!p0 $0x0;
	v40 =	vshrl.u32 v40, $0x3  }
0x4c: {  	s1 =	simm.s32 $0x6500;
	v33 =	vshll.u32 v33, v1;
	v37 =	vshrl.u32 v37, $0x3;
	[sflag:s12] =	ssyncadd.s32 @!p0 $0xFFFFE000;
	v40 =	vshll.u32 v40, v1  }
0x4d: {  	v42 =	vshrl.u32 v39, $0x3;
	v34 =	vshll.u32 v34, v1;
	v55 =	vld [tilespmem:s1+$0xC0];
	v32 =	vbroadcast v40, $0x0  }
0x4e: {  	v35 =	vshll.u32 v35, v1;
	v36 =	vshll.u32 v36, v1;
	v30 =	vbroadcast v33, $0x0;
	v43 =	vld [tilespmem:s1+$0xFFFFFF00]  }
0x4f: {  	v56 =	vshll.u32 v38, v1;
	v31 =	vbroadcast v34, $0x0;
	v45 =	vld [tilespmem:s1+$0xFFFFFF40];
	v46 =	vadd.s32 v27, v32  }
0x50: {  	v44 =	vshll.u32 v37, v1;
	v37 =	vbroadcast v35, $0x0;
	v58 =	vadd.s32 v20, v30;
	v47 =	vld [tilespmem:s1+$0xFFFFFF80]  }
0x51: {  	v42 =	vshll.u32 v42, v1;
	v36 =	vbroadcast v36, $0x0;
	v48 =	vadd.s32 v24, v31;
	v49 =	vld [tilespmem:s1+$0xFFFFFFC0]  }
0x52: {  	v35 =	vbroadcast v44, $0x0;
	v50 =	vadd.s32 v13, v37;
	v51 =	vld [tilespmem:s1+$0x0];
	v59 =	vmul.f32 $8.000000000e+00, v55  }
0x53: {  	v33 =	vbroadcast v56, $0x0;
	v52 =	vadd.s32 v17, v36;
	v53 =	vld [tilespmem:s1+$0x40];
	v43 =	vmul.f32 $8.000000000e+00, v43  }
0x54: {  	v34 =	vbroadcast v42, $0x0;
	v54 =	vadd.s32 v54, v35;
	v45 =	vmul.f32 $8.000000000e+00, v45;
	v55 =	vld [tilespmem:s1+$0x80];
	[tilespmem:v46+s17+$0x0] =	vst.idx.msk $0xffff, v59  }
0x55: {  	s7 =	simm.s32 $0x8;
	v63 =	vmul.f32 $8.000000000e+00, v47;
	[tilespmem:v58+s17+$0x0] =	vst.idx.msk $0xffff, v43;
	v43 =	vadd.s32 v28, v33;
	v44 =	vld [tilespmem:s1+$0xD0]  }
0x56: {  	v62 =	vmov s7;
	v41 =	vmul.f32 $8.000000000e+00, v49;
	v47 =	vadd.s32 v57, v34;
	[tilespmem:v48+s17+$0x0] =	vst.idx.msk $0xffff, v45;
	v46 =	vld [tilespmem:s1+$0xFFFFFF10]  }
0x57: {  	v42 =	vshrl.u32 v62, $0x3;
	v62 =	vmul.f32 $8.000000000e+00, v51;
	[tilespmem:v50+s17+$0x0] =	vst.idx.msk $0xffff, v63;
	v50 =	vadd.s32 v23, v32;
	v49 =	vld [tilespmem:s1+$0xFFFFFF50]  }
0x58: {  	v17 =	vmovc v23;
	v56 =	vadd.s32 v10, v30;
	v23 =	vmov v57;
	[tilespmem:v52+s17+$0x0] =	vst.idx.msk $0xffff, v41;
	v63 =	vmul.f32 $8.000000000e+00, v53;
	v57 =	vld [tilespmem:s1+$0xFFFFFF90]  }
0x59: {  	v53 =	vadd.s32 v21, v31;
	[tilespmem:v54+s17+$0x0] =	vst.idx.msk $0xffff, v62;
	v58 =	vld [tilespmem:s1+$0xFFFFFFD0];
	v38 =	vmul.f32 $8.000000000e+00, v55  }
0x5a: {  	v59 =	vld [tilespmem:s1+$0x10];
	v55 =	vadd.s32 v26, v37;
	[tilespmem:v43+s17+$0x0] =	vst.idx.msk $0xffff, v63;
	v43 =	vmul.f32 $8.000000000e+00, v44  }
0x5b: {  	v4 =	vmov v60;
	[tilespmem:v47+s17+$0x0] =	vst.idx.msk $0xffff, v38;
	v45 =	vmul.f32 $8.000000000e+00, v46;
	v46 =	vadd.s32 v60, v36;
	v60 =	vld [tilespmem:s1+$0x50]  }
0x5c: {  	v7 =	vmov v61;
	v39 =	vmul.f32 $8.000000000e+00, v49;
	v49 =	vadd.s32 v61, v35;
	v61 =	vld [tilespmem:s1+$0x90];
	[tilespmem:v50+s17+$0x0] =	vst.idx.msk $0xffff, v43  }
0x5d: {  	s14 =	simm.s32 $0xA;
	v63 =	vmul.f32 $8.000000000e+00, v57;
	[tilespmem:v56+s17+$0x0] =	vst.idx.msk $0xffff, v45;
	v45 =	vadd.s32 v29, v33;
	v50 =	vld [tilespmem:s1+$0xE0]  }
0x5e: {  	v51 =	vmov s14;
	[tilespmem:v53+s17+$0x0] =	vst.idx.msk $0xffff, v39;
	v39 =	vmul.f32 $8.000000000e+00, v58;
	v53 =	vadd.s32 v11, v34;
	v56 =	vld [tilespmem:s1+$0xFFFFFF20]  }
0x5f: {  	s12 =	simm.s32 $0x9;
	v43 =	vshll.u32 v42, v1;
	[tilespmem:v55+s17+$0x0] =	vst.idx.msk $0xffff, v63;
	v42 =	vmul.f32 $8.000000000e+00, v59;
	v55 =	vadd.s32 v19, v32;
	v57 =	vld [tilespmem:s1+$0xFFFFFF60]  }
0x60: {  	v48 =	vmov s12;
	s12 =	simm.s32 $0xD;
	v58 =	vadd.s32 v0, v30;
	v59 =	vld [tilespmem:s1+$0xFFFFFFA0];
	[tilespmem:v46+s17+$0x0] =	vst.idx.msk $0xffff, v39;
	v46 =	vmul.f32 $8.000000000e+00, v60  }
0x61: {  	s14 =	simm.s32 $0xE;
	v62 =	vadd.s32 v16, v31;
	v44 =	vmov s12;
	[tilespmem:v49+s17+$0x0] =	vst.idx.msk $0xffff, v42;
	v47 =	vmul.f32 $8.000000000e+00, v61;
	v63 =	vld [tilespmem:s1+$0xFFFFFFE0]  }
0x62: {  	v38 =	vmov s14;
	v61 =	vshrl.u32 v44, $0x3;
	v39 =	vld [tilespmem:s1+$0x20];
	[tilespmem:v45+s17+$0x0] =	vst.idx.msk $0xffff, v46;
	v44 =	vmul.f32 $8.000000000e+00, v50  }
0x63: {  	v49 =	vadd.s32 v3, v37;
	v42 =	vshrl.u32 v38, $0x3;
	[tilespmem:v53+s17+$0x0] =	vst.idx.msk $0xffff, v47;
	v50 =	vmul.f32 $8.000000000e+00, v56;
	v40 =	vld [tilespmem:s1+$0x60]  }
0x64: {  	v38 =	vbroadcast v43, $0x0;
	v56 =	vadd.s32 v22, v36;
	v43 =	vmul.f32 $8.000000000e+00, v57;
	v60 =	vld [tilespmem:s1+$0xA0];
	[tilespmem:v55+s17+$0x0] =	vst.idx.msk $0xffff, v44  }
0x65: {  	s6 =	simm.s32 $0xB;
	v57 =	vadd.s32 v25, v35;
	[tilespmem:v58+s17+$0x0] =	vst.idx.msk $0xffff, v50;
	v55 =	vld [tilespmem:s1+$0xF0]  }
0x66: {  	v52 =	vmov s6;
	v59 =	vmul.f32 $8.000000000e+00, v59;
	[tilespmem:v62+s17+$0x0] =	vst.idx.msk $0xffff, v43;
	v50 =	vld [tilespmem:s1+$0xFFFFFF30]  }
0x67: {  	v52 =	vshrl.u32 v52, $0x3;
	v62 =	vmul.f32 $8.000000000e+00, v63;
	v8 =	vld [tilespmem:$0x1FEF0]  }
0x68: {  	v45 =	vshll.u32 v52, v1;
	v52 =	vld [tilespmem:s1+$0xFFFFFF70];
	[tilespmem:v49+s17+$0x0] =	vst.idx.msk $0xffff, v59;
	v63 =	vmul.f32 $8.000000000e+00, v39  }
0x69: {  	s7 =	simm.s32 $0xC;
	v49 =	vld [tilespmem:s1+$0xFFFFFFB0];
	[tilespmem:v56+s17+$0x0] =	vst.idx.msk $0xffff, v62  }
0x6a: {  	v51 =	vshrl.u32 v51, $0x3;
	v54 =	vmov s7;
	v48 =	vshrl.u32 v48, $0x3;
	[tilespmem:v57+s17+$0x0] =	vst.idx.msk $0xffff, v63;
	v56 =	vld [tilespmem:s1+$0xFFFFFFF0]  }
0x6b: {  	v41 =	vshrl.u32 v54, $0x3;
	v54 =	vadd.s32 v6, v33;
	v53 =	vadd.s32 v15, v32;
	v32 =	vld [tilespmem:$0x1FED0]  }
0x6c: {  	v18 =	vmovc v10;
	v47 =	vshll.u32 v48, v1;
	v46 =	vshll.u32 v41, v1;
	v48 =	vadd.s32 v5, v30;
	v10 =	vld [tilespmem:$0x1FF00]  }
0x6d: {  	v41 =	vadd.s32 v14, v31;
	v44 =	vshll.u32 v51, v1;
	v30 =	vld [tilespmem:$0x1FE90];
	v51 =	vadd.s32 v8, v34  }
0x6e: {  	s31 =	sshll.u32 s30, $0x2;
	s0 =	simm.s32 $0x10;
	s12 =	simm.s32 $0xF;
	v43 =	vshll.u32 v61, v1;
	v39 =	vmul.f32 $8.000000000e+00, v40;
	v40 =	vmul.f32 $8.000000000e+00, v60;
	v31 =	vld [tilespmem:$0x1FE80];
	v63 =	vmovc v5;
	v5 =	vmovc v0  }
.LBB2_3:
0x6f: {  	_ = 	snop  }
0x70: {  	v58 =	vld [tilespmem:s1+$0x30]  }
0x71: {  	v0 =	vld [tilespmem:$0x1FF60];
	[tilespmem:v54+s17+$0x0] =	vst.idx.msk $0xffff, v39;
	v50 =	vmul.f32 $8.000000000e+00, v50  }
0x72: {  	v36 =	vadd.s32 v30, v36;
	[tilespmem:v51+s17+$0x0] =	vst.idx.msk $0xffff, v40;
	v61 =	vld [tilespmem:s1+$0x70]  }
0x73: {  	v57 =	vmov s12;
	v59 =	vmul.f32 $8.000000000e+00, v55;
	v62 =	vmul.f32 $8.000000000e+00, v52;
	v52 =	vld [tilespmem:s1+$0xB0];
	s1 =	sadd.s32 $0x200, s1;
	[tilespmem:v48+s17+$0x0] =	vst.idx.msk $0xffff, v50  }
0x74: {  	v37 =	vadd.s32 v31, v37;
	v60 =	vshrl.u32 v57, $0x3;
	v48 =	vld [tilespmem:s1+$0xFFFFFF00]  }
0x75: {  	v39 =	vmov v38;
	v38 =	vshll.u32 v60, v1;
	v57 =	vmul.f32 $8.000000000e+00, v56;
	[tilespmem:v53+s17+$0x0] =	vst.idx.msk $0xffff, v59  }
0x76: {  	v35 =	vadd.s32 v12, v35;
	v40 =	vbroadcast v38, $0x0;
	[tilespmem:v41+s17+$0x0] =	vst.idx.msk $0xffff, v62  }
0x77: {  	v33 =	vadd.s32 v32, v33;
	v54 =	vmul.f32 $8.000000000e+00, v49;
	[tilespmem:v36+s17+$0x0] =	vst.idx.msk $0xffff, v57;
	v36 =	vbroadcast v45, $0x0;
	v53 =	vld [tilespmem:s1+$0xC0]  }
0x78: {  	v34 =	vadd.s32 v10, v34;
	v60 =	vmul.f32 $8.000000000e+00, v58;
	v41 =	vbroadcast v47, $0x0;
	v59 =	vld [tilespmem:s1+$0xFFFFFF40]  }
0x79: {  	v47 =	vadd.s32 v27, v40;
	[tilespmem:v37+s17+$0x0] =	vst.idx.msk $0xffff, v54;
	v58 =	vmul.f32 $8.000000000e+00, v48;
	v48 =	vadd.s32 v0, v36;
	v0 =	vld [tilespmem:$0x1FF70]  }
0x7a: {  	v51 =	vadd.s32 v20, v39;
	v37 =	vbroadcast v44, $0x0;
	v54 =	vld [tilespmem:s1+$0xFFFFFF80];
	v61 =	vmul.f32 $8.000000000e+00, v61  }
0x7b: {  	v62 =	vld [tilespmem:s1+$0xFFFFFFC0];
	[tilespmem:v35+s17+$0x0] =	vst.idx.msk $0xffff, v60;
	v49 =	vadd.s32 v24, v41;
	v56 =	vmul.f32 $8.000000000e+00, v52  }
0x7c: {  	v35 =	vbroadcast v46, $0x0;
	v45 =	vadd.s32 v13, v37;
	v52 =	vld [tilespmem:s1+$0x0];
	[tilespmem:v33+s17+$0x0] =	vst.idx.msk $0xffff, v61;
	v57 =	vmul.f32 $8.000000000e+00, v53  }
0x7d: {  	v42 =	vshll.u32 v42, v1;
	v33 =	vbroadcast v43, $0x0;
	[tilespmem:v34+s17+$0x0] =	vst.idx.msk $0xffff, v56;
	v53 =	vld [tilespmem:s1+$0x40]  }
0x7e: {  	s7 =	sadd.s32 $0x4, s0;
	v34 =	vbroadcast v42, $0x0;
	v59 =	vmul.f32 $8.000000000e+00, v59;
	v50 =	vld [tilespmem:s1+$0x80];
	[tilespmem:v47+s17+$0x0] =	vst.idx.msk $0xffff, v57;
	v43 =	vadd.s32 v0, v35  }
0x7f: {  	v44 =	vmov s7;
	v46 =	vadd.s32 v28, v33;
	v61 =	vmul.f32 $8.000000000e+00, v54;
	[tilespmem:v51+s17+$0x0] =	vst.idx.msk $0xffff, v58;
	v47 =	vld [tilespmem:s1+$0xD0]  }
0x80: {  	v60 =	vmov s0;
	v62 =	vmul.f32 $8.000000000e+00, v62;
	[tilespmem:v49+s17+$0x0] =	vst.idx.msk $0xffff, v59;
	v49 =	vadd.s32 v23, v34;
	v51 =	vld [tilespmem:s1+$0xFFFFFF10]  }
0x81: {  	s6 =	sadd.s32 $0x1, s0;
	v42 =	vshrl.u32 v60, $0x3;
	[tilespmem:v45+s17+$0x0] =	vst.idx.msk $0xffff, v61;
	v60 =	vmul.f32 $8.000000000e+00, v52;
	v45 =	vadd.s32 v17, v40;
	v55 =	vld [tilespmem:s1+$0xFFFFFF50]  }
0x82: {  	v56 =	vadd.s32 v18, v39;
	v54 =	vmov s6;
	v57 =	vld [tilespmem:s1+$0xFFFFFF90];
	[tilespmem:v48+s17+$0x0] =	vst.idx.msk $0xffff, v62;
	v61 =	vmul.f32 $8.000000000e+00, v53  }
0x83: {  	s12 =	sadd.s32 $0x2, s0;
	v54 =	vshrl.u32 v54, $0x3;
	v53 =	vadd.s32 v21, v41;
	v58 =	vld [tilespmem:s1+$0xFFFFFFD0];
	[tilespmem:v43+s17+$0x0] =	vst.idx.msk $0xffff, v60;
	v43 =	vmul.f32 $8.000000000e+00, v50  }
0x84: {  	v52 =	vmov s12;
	[tilespmem:v46+s17+$0x0] =	vst.idx.msk $0xffff, v61;
	v38 =	vmul.f32 $8.000000000e+00, v47;
	v50 =	vadd.s32 v26, v37;
	v59 =	vld [tilespmem:s1+$0x10]  }
0x85: {  	s14 =	sadd.s32 $0x3, s0;
	v52 =	vshrl.u32 v52, $0x3;
	v47 =	vmul.f32 $8.000000000e+00, v51;
	v51 =	vadd.s32 v4, v36;
	v60 =	vld [tilespmem:s1+$0x50];
	[tilespmem:v49+s17+$0x0] =	vst.idx.msk $0xffff, v43  }
0x86: {  	v48 =	vmov s14;
	[tilespmem:v45+s17+$0x0] =	vst.idx.msk $0xffff, v38;
	v49 =	vmul.f32 $8.000000000e+00, v55;
	v55 =	vadd.s32 v7, v35;
	v61 =	vld [tilespmem:s1+$0x90]  }
0x87: {  	v38 =	vshll.u32 v42, v1;
	[tilespmem:v56+s17+$0x0] =	vst.idx.msk $0xffff, v47;
	v42 =	vmul.f32 $8.000000000e+00, v57;
	v45 =	vadd.s32 v29, v33;
	v47 =	vld [tilespmem:s1+$0xE0]  }
0x88: {  	s12 =	sadd.s32 $0x5, s0;
	v48 =	vshrl.u32 v48, $0x3;
	v56 =	vld [tilespmem:s1+$0xFFFFFF20];
	v62 =	vmul.f32 $8.000000000e+00, v58;
	[tilespmem:v53+s17+$0x0] =	vst.idx.msk $0xffff, v49;
	v53 =	vadd.s32 v11, v34  }
0x89: {  	s14 =	sadd.s32 $0x6, s0;
	v46 =	vmov s12;
	v57 =	vld [tilespmem:s1+$0xFFFFFF60];
	[tilespmem:v50+s17+$0x0] =	vst.idx.msk $0xffff, v42;
	v50 =	vadd.s32 v19, v40;
	v42 =	vmul.f32 $8.000000000e+00, v59  }
0x8a: {  	v58 =	vadd.s32 v5, v39;
	v43 =	vmov s14;
	[tilespmem:v51+s17+$0x0] =	vst.idx.msk $0xffff, v62;
	v49 =	vmul.f32 $8.000000000e+00, v60;
	v59 =	vld [tilespmem:s1+$0xFFFFFFA0]  }
0x8b: {  	v51 =	vadd.s32 v16, v41;
	v62 =	vld [tilespmem:s1+$0xFFFFFFE0];
	v60 =	vshrl.u32 v44, $0x3;
	[tilespmem:v55+s17+$0x0] =	vst.idx.msk $0xffff, v42;
	v44 =	vmul.f32 $8.000000000e+00, v61  }
0x8c: {  	v9 =	vmovc v63;
	[tilespmem:v45+s17+$0x0] =	vst.idx.msk $0xffff, v49;
	v45 =	vmul.f32 $8.000000000e+00, v47;
	v61 =	vshrl.u32 v46, $0x3;
	v46 =	vadd.s32 v3, v37;
	v63 =	vld [tilespmem:s1+$0x20]  }
0x8d: {  	v42 =	vshrl.u32 v43, $0x3;
	v43 =	vmul.f32 $8.000000000e+00, v56;
	v56 =	vadd.s32 v22, v36;
	v0 =	vld [tilespmem:s1+$0x60];
	[tilespmem:v53+s17+$0x0] =	vst.idx.msk $0xffff, v44  }
0x8e: {  	p1 =	slt.u32 s0, $0x78;
	v41 =	vadd.s32 v14, v41;
	v49 =	vmul.f32 $8.000000000e+00, v57;
	v57 =	vadd.s32 v25, v35;
	[tilespmem:v50+s17+$0x0] =	vst.idx.msk $0xffff, v45;
	v2 =	vld [tilespmem:s1+$0xA0]  }
.Ltmp2:
0x8f: {  	v47 =	vshll.u32 v54, v1;
	v54 =	vadd.s32 v6, v33;
	[tilespmem:v58+s17+$0x0] =	vst.idx.msk $0xffff, v43;
	v43 =	vmul.f32 $8.000000000e+00, v59;
	v55 =	vld [tilespmem:s1+$0xF0];
	(pc) =	sbr.rel @p1 .LBB2_3-.Ltmp2, $4  }
0x90: {  	v44 =	vshll.u32 v52, v1;
	v58 =	vmul.f32 $8.000000000e+00, v62;
	v45 =	vshll.u32 v48, v1;
	v50 =	vld [tilespmem:s1+$0xFFFFFF30];
	[tilespmem:v51+s17+$0x0] =	vst.idx.msk $0xffff, v49  }
0x91: {  	v53 =	vadd.s32 v15, v40;
	v48 =	vadd.s32 v9, v39;
	v52 =	vld [tilespmem:s1+$0xFFFFFF70];
	[tilespmem:v46+s17+$0x0] =	vst.idx.msk $0xffff, v43;
	v59 =	vmul.f32 $8.000000000e+00, v63  }
0x92: {  	v38 =	vbroadcast v38, $0x0;
	v51 =	vadd.s32 v8, v34;
	v46 =	vshll.u32 v60, v1;
	[tilespmem:v56+s17+$0x0] =	vst.idx.msk $0xffff, v58;
	v49 =	vld [tilespmem:s1+$0xFFFFFFB0]  }
0x93: {  	s12 =	sadd.s32 $0x7, s0;
	s0 =	sadd.s32 $0x8, s0;
	v39 =	vmul.f32 $8.000000000e+00, v0;
	v43 =	vshll.u32 v61, v1;
	v63 =	vmovc v9;
	v56 =	vld [tilespmem:s1+$0xFFFFFFF0];
	[tilespmem:v57+s17+$0x0] =	vst.idx.msk $0xffff, v59;
	v40 =	vmul.f32 $8.000000000e+00, v2  }
0x94: {  	_ =	sdelay $0x3  }
0x95: {  	v2 =	vadd.s32 v31, v37;
	v37 =	vld [tilespmem:s1+$0x30];
	v61 =	vmul.f32 $8.000000000e+00, v55;
	[tilespmem:v54+s17+$0x0] =	vst.idx.msk $0xffff, v39  }
0x96: {  	v36 =	vadd.s32 v30, v36;
	v50 =	vmul.f32 $8.000000000e+00, v50;
	[tilespmem:v51+s17+$0x0] =	vst.idx.msk $0xffff, v40;
	v54 =	vld [tilespmem:s1+$0x70]  }
0x97: {  	v35 =	vadd.s32 v12, v35;
	v62 =	vmul.f32 $8.000000000e+00, v52;
	v51 =	vld [tilespmem:s1+$0xB0];
	[tilespmem:v53+s17+$0x0] =	vst.idx.msk $0xffff, v61  }
0x98: {  	v33 =	vadd.s32 v32, v33;
	[tilespmem:v48+s17+$0x0] =	vst.idx.msk $0xffff, v50;
	v58 =	vmul.f32 $8.000000000e+00, v49  }
0x99: {  	v34 =	vadd.s32 v10, v34;
	[tilespmem:v41+s17+$0x0] =	vst.idx.msk $0xffff, v62;
	v60 =	vmul.f32 $8.000000000e+00, v56  }
0x9a: {  	s0 =	sadd.s32 $0x200, s1;
	[tilespmem:v2+s17+$0x0] =	vst.idx.msk $0xffff, v58;
	v2 =	vmul.f32 $8.000000000e+00, v37  }
0x9b: {  	v0 =	vmov s12;
	v39 =	vld [tilespmem:s0+$0xC0];
	[tilespmem:v36+s17+$0x0] =	vst.idx.msk $0xffff, v60;
	v62 =	vmul.f32 $8.000000000e+00, v54  }
0x9c: {  	v0 =	vshrl.u32 v0, $0x3;
	v59 =	vld [tilespmem:s0+$0xFFFFFF00];
	[tilespmem:v35+s17+$0x0] =	vst.idx.msk $0xffff, v2;
	v2 =	vmul.f32 $8.000000000e+00, v51  }
0x9d: {  	v0 =	vshll.u32 v0, v1;
	v61 =	vld [tilespmem:s0+$0xFFFFFF40];
	[tilespmem:v33+s17+$0x0] =	vst.idx.msk $0xffff, v62  }
0x9e: {  	v0 =	vbroadcast v0, $0x0;
	v53 =	vld [tilespmem:$0x1FF60];
	[tilespmem:v34+s17+$0x0] =	vst.idx.msk $0xffff, v2  }
0x9f: {  	v55 =	vmov v30;
	v47 =	vbroadcast v47, $0x0;
	v37 =	vadd.s32 v20, v38;
	v30 =	vld [tilespmem:$0x1FF70]  }
0xa0: {  	v44 =	vbroadcast v44, $0x0;
	v48 =	vld [tilespmem:s0+$0xFFFFFF80];
	v50 =	vadd.s32 v27, v0  }
0xa1: {  	v42 =	vshll.u32 v42, v1;
	v45 =	vbroadcast v45, $0x0;
	v40 =	vadd.s32 v24, v47;
	v52 =	vld [tilespmem:s0+$0xFFFFFFC0]  }
0xa2: {  	v46 =	vbroadcast v46, $0x0;
	v58 =	vld [tilespmem:s0+$0x0];
	v59 =	vmul.f32 $8.000000000e+00, v59;
	v35 =	vadd.s32 v13, v44  }
0xa3: {  	v43 =	vbroadcast v43, $0x0;
	v49 =	vld [tilespmem:s0+$0x40];
	v39 =	vmul.f32 $8.000000000e+00, v39;
	v36 =	vadd.s32 v53, v45  }
0xa4: {  	v42 =	vbroadcast v42, $0x0;
	v2 =	vmul.f32 $8.000000000e+00, v61;
	v61 =	vld [tilespmem:s0+$0x80];
	[tilespmem:v37+s17+$0x0] =	vst.idx.msk $0xffff, v59;
	v60 =	vadd.s32 v30, v46  }
0xa5: {  	v62 =	vmul.f32 $8.000000000e+00, v48;
	[tilespmem:v50+s17+$0x0] =	vst.idx.msk $0xffff, v39;
	v37 =	vadd.s32 v28, v43;
	v56 =	vld [tilespmem:s0+$0xFFFFFF10]  }
0xa6: {  	v39 =	vld [tilespmem:s0+$0xD0];
	[tilespmem:v40+s17+$0x0] =	vst.idx.msk $0xffff, v2;
	v2 =	vmul.f32 $8.000000000e+00, v52;
	v40 =	vadd.s32 v23, v42  }
0xa7: {  	v51 =	vadd.s32 v18, v38;
	v58 =	vmul.f32 $8.000000000e+00, v58;
	[tilespmem:v35+s17+$0x0] =	vst.idx.msk $0xffff, v62;
	v50 =	vld [tilespmem:s0+$0xFFFFFF50]  }
0xa8: {  	v35 =	vadd.s32 v17, v0;
	v59 =	vld [tilespmem:s0+$0xFFFFFF90];
	[tilespmem:v36+s17+$0x0] =	vst.idx.msk $0xffff, v2;
	v2 =	vmul.f32 $8.000000000e+00, v49  }
0xa9: {  	v36 =	vadd.s32 v21, v47;
	v49 =	vld [tilespmem:s0+$0xFFFFFFD0];
	[tilespmem:v60+s17+$0x0] =	vst.idx.msk $0xffff, v58;
	v60 =	vmul.f32 $8.000000000e+00, v61  }
0xaa: {  	v56 =	vmul.f32 $8.000000000e+00, v56;
	v61 =	vadd.s32 v26, v44;
	v62 =	vld [tilespmem:s0+$0x10];
	[tilespmem:v37+s17+$0x0] =	vst.idx.msk $0xffff, v2  }
0xab: {  	v2 =	vmul.f32 $8.000000000e+00, v39;
	v39 =	vadd.s32 v4, v45;
	v48 =	vld [tilespmem:s0+$0x50];
	[tilespmem:v40+s17+$0x0] =	vst.idx.msk $0xffff, v60  }
0xac: {  	[tilespmem:v51+s17+$0x0] =	vst.idx.msk $0xffff, v56;
	v58 =	vmul.f32 $8.000000000e+00, v50;
	v40 =	vadd.s32 v7, v46;
	v50 =	vld [tilespmem:s0+$0x90]  }
0xad: {  	v51 =	vld [tilespmem:s0+$0xFFFFFF20];
	[tilespmem:v35+s17+$0x0] =	vst.idx.msk $0xffff, v2;
	v2 =	vmul.f32 $8.000000000e+00, v59;
	v35 =	vadd.s32 v29, v43  }
0xae: {  	v59 =	vld [tilespmem:s0+$0xE0];
	[tilespmem:v36+s17+$0x0] =	vst.idx.msk $0xffff, v58;
	v36 =	vadd.s32 v11, v42;
	v56 =	vmul.f32 $8.000000000e+00, v49  }
0xaf: {  	v41 =	vadd.s32 v5, v38;
	v49 =	vld [tilespmem:s0+$0xFFFFFF60];
	[tilespmem:v61+s17+$0x0] =	vst.idx.msk $0xffff, v2;
	v2 =	vmul.f32 $8.000000000e+00, v62  }
0xb0: {  	v34 =	vadd.s32 v19, v0;
	v52 =	vld [tilespmem:s0+$0xFFFFFFA0];
	[tilespmem:v39+s17+$0x0] =	vst.idx.msk $0xffff, v56;
	v58 =	vmul.f32 $8.000000000e+00, v48  }
0xb1: {  	v39 =	vadd.s32 v16, v47;
	v48 =	vld [tilespmem:s0+$0xFFFFFFE0];
	[tilespmem:v40+s17+$0x0] =	vst.idx.msk $0xffff, v2;
	v2 =	vmul.f32 $8.000000000e+00, v50  }
0xb2: {  	v56 =	vmul.f32 $8.000000000e+00, v51;
	v40 =	vadd.s32 v3, v44;
	v50 =	vld [tilespmem:s0+$0x20];
	[tilespmem:v35+s17+$0x0] =	vst.idx.msk $0xffff, v58  }
0xb3: {  	v37 =	vadd.s32 v22, v45;
	v59 =	vmul.f32 $8.000000000e+00, v59;
	v58 =	vld [tilespmem:s0+$0x60];
	[tilespmem:v36+s17+$0x0] =	vst.idx.msk $0xffff, v2  }
0xb4: {  	[tilespmem:v41+s17+$0x0] =	vst.idx.msk $0xffff, v56;
	v2 =	vmul.f32 $8.000000000e+00, v49;
	v36 =	vadd.s32 v25, v46;
	v49 =	vld [tilespmem:s0+$0xA0]  }
0xb5: {  	v41 =	vld [tilespmem:s0+$0xFFFFFF30];
	[tilespmem:v34+s17+$0x0] =	vst.idx.msk $0xffff, v59;
	v59 =	vmul.f32 $8.000000000e+00, v52;
	v34 =	vadd.s32 v6, v43  }
0xb6: {  	v35 =	vld [tilespmem:s0+$0xF0];
	[tilespmem:v39+s17+$0x0] =	vst.idx.msk $0xffff, v2;
	v39 =	vadd.s32 v8, v42;
	v2 =	vmul.f32 $8.000000000e+00, v48  }
0xb7: {  	v38 =	vadd.s32 v63, v38;
	v52 =	vld [tilespmem:s0+$0xFFFFFF70];
	[tilespmem:v40+s17+$0x0] =	vst.idx.msk $0xffff, v59;
	v56 =	vmul.f32 $8.000000000e+00, v50  }
0xb8: {  	v0 =	vadd.s32 v15, v0;
	v40 =	vld [tilespmem:s0+$0xFFFFFFB0];
	[tilespmem:v37+s17+$0x0] =	vst.idx.msk $0xffff, v2;
	v2 =	vmul.f32 $8.000000000e+00, v58  }
0xb9: {  	v57 =	vmov v31;
	v37 =	vadd.s32 v14, v47;
	v58 =	vld [tilespmem:s0+$0xFFFFFFF0];
	[tilespmem:v36+s17+$0x0] =	vst.idx.msk $0xffff, v56;
	v59 =	vmul.f32 $8.000000000e+00, v49  }
0xba: {  	v63 =	vmul.f32 $8.000000000e+00, v41;
	v36 =	vadd.s32 v57, v44;
	v44 =	vld [tilespmem:s0+$0x30];
	[tilespmem:v34+s17+$0x0] =	vst.idx.msk $0xffff, v2  }
0xbb: {  	v49 =	vadd.s32 v55, v45;
	v2 =	vmul.f32 $8.000000000e+00, v35;
	v50 =	vld [tilespmem:s0+$0x70];
	[tilespmem:v39+s17+$0x0] =	vst.idx.msk $0xffff, v59  }
0xbc: {  	[tilespmem:v38+s17+$0x0] =	vst.idx.msk $0xffff, v63;
	v51 =	vmul.f32 $8.000000000e+00, v52;
	v52 =	vadd.s32 v12, v46;
	v56 =	vld [tilespmem:s0+$0xB0]  }
0xbd: {  	[tilespmem:v0+s17+$0x0] =	vst.idx.msk $0xffff, v2;
	v0 =	vmul.f32 $8.000000000e+00, v40;
	v2 =	vadd.s32 v32, v43  }
0xbe: {  	v59 =	vadd.s32 v10, v42;
	[tilespmem:v37+s17+$0x0] =	vst.idx.msk $0xffff, v51;
	v58 =	vmul.f32 $8.000000000e+00, v58  }
0xbf: {  	s12 =	sadd.s32 s5, s31;
	[tilespmem:v36+s17+$0x0] =	vst.idx.msk $0xffff, v0;
	v0 =	vmul.f32 $8.000000000e+00, v44  }
0xc0: {  	s14 =	sshll.u32 s12, $0x7;
	[tilespmem:v49+s17+$0x0] =	vst.idx.msk $0xffff, v58;
	v63 =	vmul.f32 $8.000000000e+00, v50  }
0xc1: {  	s1 =	sand.u32 $0xE00, s14;
	s0 =	sshll.u32 s12, $0xA;
	[tilespmem:v52+s17+$0x0] =	vst.idx.msk $0xffff, v0;
	v0 =	vmul.f32 $8.000000000e+00, v56  }
0xc2: {  	s1 =	sadd.s32 s2, s1;
	s0 =	sand.u32 $0xFFF8000, s0;
	[tilespmem:v2+s17+$0x0] =	vst.idx.msk $0xffff, v63  }
0xc3: {  	s6 =	simm.s32 $0xE400;
	s1 =	sadd.s32 s0, s1;
	[tilespmem:v59+s17+$0x0] =	vst.idx.msk $0xffff, v0  }
0xc4: {  	[hbm4b:s1+s3] =	stream.linear.scatter [tilespmem:s6], [sflag:$0x6], $0x80, $0x38;
	[tilespmem:$0x16C00] =	vst v63  }
0xc5: {  	s7 =	simm.s32 $0xE488;
	s6 =	sadd.s32 $0x10, s1  }
0xc6: {  	[hbm4b:s6+s3] =	stream.linear.scatter [tilespmem:s7], [sflag:$0x6], $0x80, $0x38;
	[tilespmem:$0x16C00] =	vst v63  }
0xc7: {  	s12 =	simm.s32 $0xE510;
	s14 =	sadd.s32 $0x20, s1  }
0xc8: {  	[hbm4b:s14+s3] =	stream.linear.scatter [tilespmem:s12], [sflag:$0x6], $0x80, $0x38;
	[tilespmem:$0x16C00] =	vst v63  }
0xc9: {  	s6 =	simm.s32 $0xE598;
	s7 =	sadd.s32 $0x30, s1  }
0xca: {  	[hbm4b:s7+s3] =	stream.linear.scatter [tilespmem:s6], [sflag:$0x6], $0x80, $0x38;
	[tilespmem:$0x16C00] =	vst v63  }
0xcb: {  	s12 =	simm.s32 $0xE620;
	s14 =	sadd.s32 $0x40, s1  }
0xcc: {  	v31 =	vmovc v28;
	v28 =	vmov v23;
	v23 =	vmov v17;
	v17 =	vmov v18;
	[hbm4b:s14+s3] =	stream.linear.scatter [tilespmem:s12], [sflag:$0x6], $0x80, $0x38;
	[tilespmem:$0x16C00] =	vst v63  }
0xcd: {  	s0 =	simm.s32 $0x440;
	s6 =	simm.s32 $0xE6A8;
	s7 =	sadd.s32 $0x50, s1  }
0xce: {  	v54 =	vmovc v13;
	v13 =	vmov v11;
	v18 =	vmov v26;
	v15 =	vmov v27;
	[hbm4b:s7+s3] =	stream.linear.scatter [tilespmem:s6], [sflag:$0x6], $0x80, $0x38;
	[tilespmem:$0x16C00] =	vst v63  }
0xcf: {  	v26 =	vmovc v7;
	v7 =	vmovc v13;
	v60 =	vmov v16;
	v11 =	vmov v17;
	v17 =	vmov v31;
	s12 =	simm.s32 $0xE730;
	s14 =	sadd.s32 $0x60, s1;
	s6 =	sadd.s32 $0x70, s1  }
0xd0: {  	v31 =	vmovc v57;
	v61 =	vmovc v19;
	v19 =	vmov v22;
	v22 =	vmov v25;
	v62 =	vmov v5;
	[hbm4b:s14+s3] =	stream.linear.scatter [tilespmem:s12], [sflag:$0x6], $0x80, $0x38;
	[tilespmem:$0x16C00] =	vst v63  }
0xd1: {  	v16 =	vmovc v54;
	v3 =	vmovc v55;
	v10 =	vmov v4;
	v12 =	vmov v24;
	v24 =	vmov v53;
	s1 =	sadd.s32 $0x1000, s1;
	s12 =	simm.s32 $0x2200;
	s14 =	simm.s32 $0xE7B8  }
.LBB2_5:
0xd2: {  	[hbm4b:s6+s3] =	stream.linear.scatter [tilespmem:s14], [sflag:$0x6], $0x80, $0x38;
	[tilespmem:$0x16C00] =	vst v63  }
0xd3: {  	s6 =	smov.u32 s0;
	s0 =	smov.u32 s12  }
0xd4: {  	s7 =	sadd.s32 $0x1100, s12;
	s0 =	sshra.s32 s0, $0x2;
	s14 =	sadd.s32 $0xE400, s6  }
0xd5: {  	[hbm4b:s1+s3] =	stream.linear.scatter [tilespmem:s14], [sflag:$0x6], $0x80, $0x38;
	[tilespmem:$0x16C00] =	vst v63  }
0xd6: {  	p1 =	sne.s32 s12, $0x7700;
	s12 =	sadd.s32 $0xE488, s6;
	s14 =	sadd.s32 $0x10, s1  }
0xd7: {  	[hbm4b:s14+s3] =	stream.linear.scatter [tilespmem:s12], [sflag:$0x6], $0x80, $0x38;
	[tilespmem:$0x16C00] =	vst v63  }
0xd8: {  	s12 =	sadd.s32 $0xE510, s6;
	s14 =	sadd.s32 $0x20, s1  }
0xd9: {  	[hbm4b:s14+s3] =	stream.linear.scatter [tilespmem:s12], [sflag:$0x6], $0x80, $0x38;
	[tilespmem:$0x16C00] =	vst v63  }
0xda: {  	s12 =	sadd.s32 $0xE598, s6;
	s14 =	sadd.s32 $0x30, s1  }
0xdb: {  	[hbm4b:s14+s3] =	stream.linear.scatter [tilespmem:s12], [sflag:$0x6], $0x80, $0x38;
	[tilespmem:$0x16C00] =	vst v63  }
0xdc: {  	s12 =	sadd.s32 $0xE620, s6;
	s14 =	sadd.s32 $0x40, s1  }
0xdd: {  	[hbm4b:s14+s3] =	stream.linear.scatter [tilespmem:s12], [sflag:$0x6], $0x80, $0x38;
	[tilespmem:$0x16C00] =	vst v63  }
0xde: {  	s12 =	sadd.s32 $0xE6A8, s6;
	s14 =	sadd.s32 $0x50, s1  }
0xdf: {  	[hbm4b:s14+s3] =	stream.linear.scatter [tilespmem:s12], [sflag:$0x6], $0x80, $0x38;
	[tilespmem:$0x16C00] =	vst v63  }
.Ltmp3:
0xe0: {  	_ = 	snop;
	(pc) =	sbr.rel @p1 .LBB2_5-.Ltmp3, $4  }
0xe1: {  	s12 =	sadd.s32 $0xE730, s6;
	s14 =	sadd.s32 $0x60, s1  }
0xe2: {  	[hbm4b:s14+s3] =	stream.linear.scatter [tilespmem:s12], [sflag:$0x6], $0x80, $0x38;
	[tilespmem:$0x16C00] =	vst v63  }
0xe3: {  	s14 =	sadd.s32 $0xE7B8, s6  }
0xe4: {  	s6 =	sadd.s32 $0x70, s1;
	s1 =	sadd.s32 $0x1000, s1;
	s12 =	smov.u32 s7  }
0xe5: {  	[hbm4b:s6+s3] =	stream.linear.scatter [tilespmem:s14], [sflag:$0x6], $0x80, $0x38;
	[tilespmem:$0x16C00] =	vst v63  }
0xe6: {  	s12 =	sadd.s32 $0xE400, s0  }
0xe7: {  	[hbm4b:s1+s3] =	stream.linear.scatter [tilespmem:s12], [sflag:$0x6], $0x80, $0x38;
	[tilespmem:$0x16C00] =	vst v63  }
0xe8: {  	s14 =	sadd.s32 $0xE488, s0;
	s7 =	sadd.s32 $0x10, s1  }
0xe9: {  	[hbm4b:s7+s3] =	stream.linear.scatter [tilespmem:s14], [sflag:$0x6], $0x80, $0x38;
	[tilespmem:$0x16C00] =	vst v63  }
0xea: {  	s12 =	sadd.s32 $0xE510, s0;
	s14 =	sadd.s32 $0x20, s1  }
0xeb: {  	[hbm4b:s14+s3] =	stream.linear.scatter [tilespmem:s12], [sflag:$0x6], $0x80, $0x38;
	[tilespmem:$0x16C00] =	vst v63  }
0xec: {  	s12 =	sadd.s32 $0xE598, s0;
	s14 =	sadd.s32 $0x30, s1  }
0xed: {  	[hbm4b:s14+s3] =	stream.linear.scatter [tilespmem:s12], [sflag:$0x6], $0x80, $0x38;
	[tilespmem:$0x16C00] =	vst v63  }
0xee: {  	s12 =	sadd.s32 $0xE620, s0;
	s14 =	sadd.s32 $0x40, s1  }
0xef: {  	[hbm4b:s14+s3] =	stream.linear.scatter [tilespmem:s12], [sflag:$0x6], $0x80, $0x38;
	[tilespmem:$0x16C00] =	vst v63  }
0xf0: {  	p1 =	sne.s32 s30, $0x31;
	s12 =	sadd.s32 $0xE6A8, s0;
	s14 =	sadd.s32 $0x50, s1  }
0xf1: {  	[hbm4b:s14+s3] =	stream.linear.scatter [tilespmem:s12], [sflag:$0x6], $0x80, $0x38;
	[tilespmem:$0x16C00] =	vst v63  }
.Ltmp4:
0xf2: {  	_ = 	snop;
	(pc) =	sbr.rel @p1 .LBB2_8-.Ltmp4, $4  }
0xf3: {  	s12 =	sadd.s32 $0xE730, s0;
	s14 =	sadd.s32 $0x60, s1  }
0xf4: {  	[hbm4b:s14+s3] =	stream.linear.scatter [tilespmem:s12], [sflag:$0x6], $0x80, $0x38;
	[tilespmem:$0x16C00] =	vst v63  }
0xf5: {  	s12 =	sadd.s32 $0xE7B8, s0;
	s14 =	sadd.s32 $0x70, s1  }
0xf6: {  	[hbm4b:s14+s3] =	stream.linear.scatter [tilespmem:s12], [sflag:$0x6], $0x80, $0x38;
	[tilespmem:$0x16C00] =	vst v63  }
.Ltmp5:
0xf7: {  	(pc) =	sbr.rel .LBB2_9-.Ltmp5, $4  }
0xf8: {  	_ = 	snop  }
0xf9: {  	_ =	swait.ge [sflag:s18], $0x2000  }
0xfa: {  	[sflag:s18] =	ssyncset.done $0x0  }
0xfb: {  	v25 =	vmov v22;
	[sflag:s18] =	ssyncadd.s32 $0xFFFFE000  }
.LBB2_8:
0xfc: {  	s0 =	sshll.u32 s30, $0x9  }
0xfd: {  	s0 =	sand.u32 $0x3FFFFE00, s0  }
.Ltmp6:
0xfe: {  	s0 =	sadd.s32 $0x200, s0;
	(pc) =	sbr.rel @p0 .LBB2_10-.Ltmp6, $4  }
0xff: {  	[tilespmem:s10], [sflag:$0x2] =	stream.indirect.gather [hbm4b:s4+s9], $0x40, s0, s9, $0xb8;
	[tilespmem:$0x16C00] =	vst v63  }
0x100: {  	_ =	swait.ge [sflag:s18], $0x2000  }
0x101: {  	[sflag:s18] =	ssyncset.done $0x0  }
0x102: {  	v25 =	vmov v22;
	[sflag:s18] =	ssyncadd.s32 $0xFFFFE000  }
.LBB2_9:
0x103: {  	_ =	swait.ge [sflag:s19], $0x2000  }
0x104: {  	[sflag:s19] =	ssyncset.done $0x0  }
0x105: {  	[sflag:s19] =	ssyncadd.s32 $0xFFFFE000  }
.LBB2_10:
0x106: {  	s0 =	simm.s32 $0x0;
	s14 =	simm.s32 $0x1;
	s1 =	simm.s32 $0x2  }
0x107: {  	s6 =	simm.s32 $0x3;
	s7 =	simm.s32 $0x4;
	s12 =	simm.s32 $0x5;
	v0 =	vmov s0;
	v2 =	vmov s14;
	v33 =	vmov s1  }
0x108: {  	v34 =	vmov s6;
	s14 =	simm.s32 $0x6;
	v35 =	vmov s7;
	v36 =	vmov s12  }
0x109: {  	s6 =	simm.s32 $0x7;
	v0 =	vshrl.u32 v0, $0x3;
	v37 =	vmov s14;
	v2 =	vshrl.u32 v2, $0x3  }
0x10a: {  	v38 =	vmov s6;
	v33 =	vshrl.u32 v33, $0x3;
	v34 =	vshrl.u32 v34, $0x3  }
0x10b: {  	s1 =	simm.s32 $0x85F0;
	v35 =	vshrl.u32 v35, $0x3;
	v36 =	vshrl.u32 v36, $0x3;
	v0 =	vshll.u32 v0, v1  }
0x10c: {  	v63 =	vld [tilespmem:s1+$0xFFFFFE10];
	v38 =	vshrl.u32 v38, $0x3;
	v2 =	vshll.u32 v2, v1;
	v39 =	vbroadcast v0, $0x0  }
0x10d: {  	v43 =	vld [tilespmem:s1+$0xFFFFFE50];
	v42 =	vshrl.u32 v37, $0x3;
	v38 =	vshll.u32 v38, v1;
	v27 =	vbroadcast v2, $0x0  }
0x10e: {  	v33 =	vshll.u32 v33, v1;
	v0 =	vld [tilespmem:s1+$0xFFFFFFD0];
	v41 =	vbroadcast v38, $0x0;
	v45 =	vadd.s32 v20, v39  }
0x10f: {  	v46 =	vld [tilespmem:s1+$0xFFFFFE90];
	v34 =	vshll.u32 v34, v1;
	v35 =	vshll.u32 v35, v1;
	v47 =	vadd.s32 v12, v27  }
0x110: {  	v48 =	vld [tilespmem:s1+$0xFFFFFED0];
	v44 =	vshll.u32 v36, v1;
	v37 =	vbroadcast v33, $0x0;
	v2 =	vadd.s32 v15, v41  }
0x111: {  	v50 =	vld [tilespmem:s1+$0xFFFFFF10];
	v42 =	vshll.u32 v42, v1;
	v36 =	vbroadcast v34, $0x0;
	v38 =	vmul.f32 $8.000000000e+00, v63  }
0x112: {  	v52 =	vld [tilespmem:s1+$0xFFFFFF50];
	v35 =	vbroadcast v35, $0x0;
	v49 =	vadd.s32 v16, v37;
	v43 =	vmul.f32 $8.000000000e+00, v43  }
0x113: {  	v53 =	vld [tilespmem:s1+$0xFFFFFF90];
	v33 =	vbroadcast v44, $0x0;
	v51 =	vadd.s32 v24, v36;
	v0 =	vmul.f32 $8.000000000e+00, v0;
	[tilespmem:v45+s20+$0x0] =	vst.idx.msk $0xffff, v38  }
0x114: {  	v34 =	vbroadcast v42, $0x0;
	v44 =	vadd.s32 v30, v35;
	[tilespmem:v47+s20+$0x0] =	vst.idx.msk $0xffff, v43;
	v45 =	vld [tilespmem:s1+$0xFFFFFE20]  }
0x115: {  	v59 =	vmul.f32 $8.000000000e+00, v48;
	v38 =	vadd.s32 v17, v33;
	[tilespmem:v2+s20+$0x0] =	vst.idx.msk $0xffff, v0;
	v2 =	vmul.f32 $8.000000000e+00, v46;
	v48 =	vld [tilespmem:s1+$0xFFFFFE60]  }
0x116: {  	v46 =	vadd.s32 v28, v34;
	v32 =	vld [tilespmem:s1+$0xFFFFFFE0]  }
0x117: {  	v63 =	vmul.f32 $8.000000000e+00, v52;
	v52 =	vadd.s32 v21, v27;
	[tilespmem:v49+s20+$0x0] =	vst.idx.msk $0xffff, v2;
	v2 =	vmul.f32 $8.000000000e+00, v50  }
0x118: {  	v54 =	vadd.s32 v11, v39;
	[tilespmem:v51+s20+$0x0] =	vst.idx.msk $0xffff, v59;
	v55 =	vld [tilespmem:s1+$0xFFFFFEA0]  }
0x119: {  	v56 =	vld [tilespmem:s1+$0xFFFFFEE0];
	v49 =	vadd.s32 v23, v41;
	[tilespmem:v44+s20+$0x0] =	vst.idx.msk $0xffff, v2;
	v2 =	vmul.f32 $8.000000000e+00, v53  }
0x11a: {  	v53 =	vadd.s32 v18, v37;
	[tilespmem:v38+s20+$0x0] =	vst.idx.msk $0xffff, v63;
	v57 =	vld [tilespmem:s1+$0xFFFFFF20];
	v63 =	vmul.f32 $8.000000000e+00, v48  }
0x11b: {  	v38 =	vmul.f32 $8.000000000e+00, v32;
	v32 =	vmul.f32 $8.000000000e+00, v45;
	v45 =	vadd.s32 v10, v36;
	[tilespmem:v46+s20+$0x0] =	vst.idx.msk $0xffff, v2  }
0x11c: {  	v48 =	vadd.s32 v26, v35;
	[tilespmem:v52+s20+$0x0] =	vst.idx.msk $0xffff, v63  }
0x11d: {  	v58 =	vld [tilespmem:s1+$0xFFFFFF60];
	[tilespmem:v54+s20+$0x0] =	vst.idx.msk $0xffff, v32;
	v32 =	vmul.f32 $8.000000000e+00, v55  }
0x11e: {  	v59 =	vld [tilespmem:s1+$0xFFFFFFA0];
	v63 =	vmul.f32 $8.000000000e+00, v56;
	[tilespmem:v49+s20+$0x0] =	vst.idx.msk $0xffff, v38  }
0x11f: {  	s12 =	simm.s32 $0x9;
	v43 =	vadd.s32 v29, v33;
	v49 =	vld [tilespmem:s1+$0xFFFFFFF0];
	[tilespmem:v53+s20+$0x0] =	vst.idx.msk $0xffff, v32;
	v32 =	vmul.f32 $8.000000000e+00, v57  }
0x120: {  	s7 =	simm.s32 $0x8;
	s6 =	simm.s32 $0xB;
	v47 =	vmov s12;
	v52 =	vadd.s32 v7, v34;
	v54 =	vld [tilespmem:s1+$0xFFFFFE30];
	[tilespmem:v45+s20+$0x0] =	vst.idx.msk $0xffff, v63  }
0x121: {  	v51 =	vmov s6;
	v0 =	vmov s7;
	v55 =	vld [tilespmem:s1+$0xFFFFFE70];
	v53 =	vadd.s32 v61, v41;
	[tilespmem:v48+s20+$0x0] =	vst.idx.msk $0xffff, v32  }
0x122: {  	v8 =	vmovc v20;
	s14 =	simm.s32 $0xA;
	s12 =	simm.s32 $0xD;
	v57 =	vshrl.u32 v51, $0x3;
	v51 =	vadd.s32 v62, v39;
	v40 =	vmul.f32 $8.000000000e+00, v58;
	v20 =	vld [tilespmem:$0x1FF50]  }
0x123: {  	v42 =	vmov s12;
	v50 =	vmov s14;
	s14 =	simm.s32 $0xE;
	v56 =	vld [tilespmem:s1+$0xFFFFFEB0];
	v32 =	vmul.f32 $8.000000000e+00, v59  }
0x124: {  	v13 =	vmovc v60;
	v2 =	vmov s14;
	v58 =	vadd.s32 v60, v27;
	v60 =	vld [tilespmem:s1+$0xFFFFFEF0];
	[tilespmem:v43+s20+$0x0] =	vst.idx.msk $0xffff, v40;
	v49 =	vmul.f32 $8.000000000e+00, v49  }
0x125: {  	v5 =	vmovc v23;
	v23 =	vmovc v61;
	v59 =	vshrl.u32 v42, $0x3;
	v42 =	vshrl.u32 v2, $0x3;
	v61 =	vld [tilespmem:s1+$0xFFFFFF30];
	v2 =	vmul.f32 $8.000000000e+00, v54;
	[tilespmem:v52+s20+$0x0] =	vst.idx.msk $0xffff, v32  }
0x126: {  	v6 =	vmov v11;
	v11 =	vmov v62;
	v0 =	vshrl.u32 v0, $0x3;
	v62 =	vld [tilespmem:s1+$0xFFFFFF70];
	[tilespmem:v53+s20+$0x0] =	vst.idx.msk $0xffff, v49  }
0x127: {  	v0 =	vshll.u32 v0, v1;
	v40 =	vld [tilespmem:s1+$0xFFFFFFB0];
	[tilespmem:v51+s20+$0x0] =	vst.idx.msk $0xffff, v2;
	v48 =	vadd.s32 v20, v37  }
0x128: {  	v4 =	vmovc v29;
	s7 =	simm.s32 $0xC;
	v38 =	vbroadcast v0, $0x0;
	v0 =	vmul.f32 $8.000000000e+00, v55;
	v54 =	vadd.s32 v19, v36;
	v29 =	vld [tilespmem:$0x1FFF0]  }
0x129: {  	v50 =	vshrl.u32 v50, $0x3;
	v44 =	vmov s7;
	v2 =	vmul.f32 $8.000000000e+00, v56;
	v56 =	vld [tilespmem:s1+$0x0]  }
0x12a: {  	v46 =	vshrl.u32 v44, $0x3;
	v44 =	vshll.u32 v50, v1;
	v50 =	vld [tilespmem:s1+$0xFFFFFE40];
	[tilespmem:v58+s20+$0x0] =	vst.idx.msk $0xffff, v0  }
0x12b: {  	v63 =	vadd.s32 v25, v35;
	v0 =	vmul.f32 $8.000000000e+00, v60;
	v32 =	vld [tilespmem:$0x1FEF0]  }
0x12c: {  	v52 =	vld [tilespmem:s1+$0xFFFFFE80];
	[tilespmem:v48+s20+$0x0] =	vst.idx.msk $0xffff, v2  }
0x12d: {  	v22 =	vmov v10;
	v10 =	vld [tilespmem:$0x1FFD0];
	[tilespmem:v54+s20+$0x0] =	vst.idx.msk $0xffff, v0  }
0x12e: {  	v2 =	vmul.f32 $8.000000000e+00, v61;
	v0 =	vld [tilespmem:$0x1FFE0]  }
0x12f: {  	v47 =	vshrl.u32 v47, $0x3;
	v49 =	vld [tilespmem:s1+$0xFFFFFEC0]  }
0x130: {  	v14 =	vmov v21;
	v47 =	vshll.u32 v47, v1;
	v55 =	vadd.s32 v29, v33;
	v54 =	vld [tilespmem:s1+$0xFFFFFF00];
	[tilespmem:v63+s20+$0x0] =	vst.idx.msk $0xffff, v2  }
0x131: {  	v21 =	vmovc v19;
	v46 =	vshll.u32 v46, v1;
	v45 =	vshll.u32 v57, v1;
	v51 =	vadd.s32 v32, v34;
	v19 =	vld [tilespmem:$0x1FEC0]  }
0x132: {  	v43 =	vshll.u32 v59, v1;
	v48 =	vadd.s32 v9, v39;
	v9 =	vld [tilespmem:$0x1FED0];
	v53 =	vadd.s32 v10, v41  }
0x133: {  	s0 =	simm.s32 $0x10;
	s12 =	simm.s32 $0xF;
	v40 =	vmul.f32 $8.000000000e+00, v40;
	v39 =	vmul.f32 $8.000000000e+00, v62;
	v10 =	vld [tilespmem:$0x1FF00];
	v41 =	vadd.s32 v0, v27;
	v27 =	vmovc v3  }
.LBB2_11:
0x134: {  	v0 =	vmov s12  }
0x135: {  	v2 =	vadd.s32 v31, v37;
	v59 =	vld [tilespmem:s1+$0xFFFFFF40];
	v36 =	vadd.s32 v27, v36;
	[tilespmem:v55+s20+$0x0] =	vst.idx.msk $0xffff, v39;
	v62 =	vmul.f32 $8.000000000e+00, v56  }
0x136: {  	v35 =	vadd.s32 v19, v35;
	v0 =	vshrl.u32 v0, $0x3;
	[tilespmem:v51+s20+$0x0] =	vst.idx.msk $0xffff, v40;
	v63 =	vmul.f32 $8.000000000e+00, v50;
	v56 =	vld [tilespmem:s1+$0xFFFFFF80]  }
0x137: {  	v33 =	vadd.s32 v9, v33;
	v0 =	vshll.u32 v0, v1;
	v58 =	vld [tilespmem:s1+$0xFFFFFFC0];
	v57 =	vmul.f32 $8.000000000e+00, v52;
	s1 =	sadd.s32 $0x200, s1;
	[tilespmem:v53+s20+$0x0] =	vst.idx.msk $0xffff, v62  }
0x138: {  	v42 =	vshll.u32 v42, v1;
	v40 =	vbroadcast v0, $0x0;
	v0 =	vmul.f32 $8.000000000e+00, v49;
	[tilespmem:v48+s20+$0x0] =	vst.idx.msk $0xffff, v63;
	v53 =	vld [tilespmem:s1+$0xFFFFFFD0]  }
0x139: {  	v34 =	vadd.s32 v10, v34;
	v39 =	vmov v38;
	v60 =	vmul.f32 $8.000000000e+00, v54;
	[tilespmem:v41+s20+$0x0] =	vst.idx.msk $0xffff, v57;
	v38 =	vld [tilespmem:s1+$0xFFFFFE10]  }
0x13a: {  	v61 =	vadd.s32 v15, v40;
	v41 =	vbroadcast v47, $0x0;
	[tilespmem:v2+s20+$0x0] =	vst.idx.msk $0xffff, v0;
	v0 =	vmul.f32 $8.000000000e+00, v59;
	v49 =	vld [tilespmem:s1+$0xFFFFFE50]  }
0x13b: {  	v37 =	vbroadcast v44, $0x0;
	v2 =	vadd.s32 v8, v39;
	[tilespmem:v36+s20+$0x0] =	vst.idx.msk $0xffff, v60;
	v62 =	vld [tilespmem:s1+$0xFFFFFE90];
	v59 =	vmul.f32 $8.000000000e+00, v56  }
0x13c: {  	v36 =	vbroadcast v45, $0x0;
	v63 =	vld [tilespmem:s1+$0xFFFFFED0];
	v60 =	vadd.s32 v12, v41;
	[tilespmem:v35+s20+$0x0] =	vst.idx.msk $0xffff, v0;
	v0 =	vmul.f32 $8.000000000e+00, v58  }
0x13d: {  	v45 =	vadd.s32 v16, v37;
	v35 =	vbroadcast v46, $0x0;
	v56 =	vld [tilespmem:s1+$0xFFFFFF10];
	[tilespmem:v33+s20+$0x0] =	vst.idx.msk $0xffff, v59;
	v57 =	vmul.f32 $8.000000000e+00, v53  }
0x13e: {  	v58 =	vadd.s32 v24, v36;
	[tilespmem:v34+s20+$0x0] =	vst.idx.msk $0xffff, v0;
	v33 =	vbroadcast v43, $0x0;
	v38 =	vmul.f32 $8.000000000e+00, v38;
	v59 =	vld [tilespmem:s1+$0xFFFFFF50]  }
0x13f: {  	v34 =	vbroadcast v42, $0x0;
	v43 =	vadd.s32 v30, v35;
	v0 =	vmul.f32 $8.000000000e+00, v49;
	v49 =	vld [tilespmem:s1+$0xFFFFFF90];
	[tilespmem:v61+s20+$0x0] =	vst.idx.msk $0xffff, v57  }
0x140: {  	[tilespmem:v2+s20+$0x0] =	vst.idx.msk $0xffff, v38;
	v2 =	vmul.f32 $8.000000000e+00, v62;
	v38 =	vadd.s32 v17, v33;
	v46 =	vld [tilespmem:s1+$0xFFFFFFE0]  }
0x141: {  	[tilespmem:v60+s20+$0x0] =	vst.idx.msk $0xffff, v0;
	v0 =	vmul.f32 $8.000000000e+00, v63;
	v63 =	vadd.s32 v28, v34;
	v62 =	vld [tilespmem:s1+$0xFFFFFE20]  }
0x142: {  	v61 =	vmov s0;
	v60 =	vld [tilespmem:s1+$0xFFFFFE60];
	[tilespmem:v45+s20+$0x0] =	vst.idx.msk $0xffff, v2;
	v2 =	vmul.f32 $8.000000000e+00, v56;
	v45 =	vadd.s32 v5, v40  }
0x143: {  	v54 =	vadd.s32 v6, v39;
	v42 =	vshrl.u32 v61, $0x3;
	[tilespmem:v58+s20+$0x0] =	vst.idx.msk $0xffff, v0;
	v61 =	vld [tilespmem:s1+$0xFFFFFEA0];
	v0 =	vmul.f32 $8.000000000e+00, v59  }
0x144: {  	v53 =	vadd.s32 v14, v41;
	[tilespmem:v43+s20+$0x0] =	vst.idx.msk $0xffff, v2;
	v2 =	vmul.f32 $8.000000000e+00, v49  }
0x145: {  	v56 =	vld [tilespmem:s1+$0xFFFFFEE0];
	v49 =	vadd.s32 v18, v37;
	[tilespmem:v38+s20+$0x0] =	vst.idx.msk $0xffff, v0;
	v0 =	vmul.f32 $8.000000000e+00, v46  }
0x146: {  	v57 =	vld [tilespmem:s1+$0xFFFFFF20];
	v62 =	vmul.f32 $8.000000000e+00, v62;
	[tilespmem:v63+s20+$0x0] =	vst.idx.msk $0xffff, v2  }
0x147: {  	s14 =	sadd.s32 $0x3, s0;
	v47 =	vadd.s32 v22, v36;
	v58 =	vld [tilespmem:s1+$0xFFFFFF60];
	v63 =	vmul.f32 $8.000000000e+00, v60;
	[tilespmem:v45+s20+$0x0] =	vst.idx.msk $0xffff, v0  }
0x148: {  	s12 =	sadd.s32 $0x2, s0;
	v44 =	vmov s14;
	v60 =	vadd.s32 v26, v35;
	v59 =	vld [tilespmem:s1+$0xFFFFFFA0];
	[tilespmem:v54+s20+$0x0] =	vst.idx.msk $0xffff, v62;
	v61 =	vmul.f32 $8.000000000e+00, v61  }
0x149: {  	v52 =	vmov s12;
	s12 =	sadd.s32 $0x5, s0;
	v48 =	vadd.s32 v13, v41;
	v45 =	vadd.s32 v4, v33;
	[tilespmem:v53+s20+$0x0] =	vst.idx.msk $0xffff, v63;
	v54 =	vld [tilespmem:s1+$0xFFFFFE30]  }
0x14a: {  	v38 =	vmov s12;
	v62 =	vmul.f32 $8.000000000e+00, v56;
	v53 =	vadd.s32 v7, v34;
	v55 =	vld [tilespmem:s1+$0xFFFFFE70];
	[tilespmem:v49+s20+$0x0] =	vst.idx.msk $0xffff, v61  }
0x14b: {  	s14 =	sadd.s32 $0x6, s0;
	v63 =	vmul.f32 $8.000000000e+00, v57;
	v57 =	vshrl.u32 v44, $0x3;
	v44 =	vadd.s32 v11, v39;
	v56 =	vld [tilespmem:s1+$0xFFFFFEB0]  }
0x14c: {  	v2 =	vmov s14;
	v0 =	vshll.u32 v42, v1;
	v46 =	vld [tilespmem:s1+$0xFFFFFFF0];
	[tilespmem:v47+s20+$0x0] =	vst.idx.msk $0xffff, v62;
	v47 =	vmul.f32 $8.000000000e+00, v58  }
0x14d: {  	v42 =	vshrl.u32 v2, $0x3;
	v58 =	vld [tilespmem:s1+$0xFFFFFEF0];
	[tilespmem:v60+s20+$0x0] =	vst.idx.msk $0xffff, v63;
	v51 =	vmul.f32 $8.000000000e+00, v59;
	v60 =	vadd.s32 v20, v37  }
0x14e: {  	v49 =	vadd.s32 v23, v40;
	v59 =	vshrl.u32 v38, $0x3;
	v61 =	vld [tilespmem:s1+$0xFFFFFF30];
	[tilespmem:v45+s20+$0x0] =	vst.idx.msk $0xffff, v47;
	v2 =	vmul.f32 $8.000000000e+00, v54  }
0x14f: {  	v38 =	vbroadcast v0, $0x0;
	v54 =	vadd.s32 v21, v36;
	[tilespmem:v53+s20+$0x0] =	vst.idx.msk $0xffff, v51;
	v0 =	vmul.f32 $8.000000000e+00, v55  }
0x150: {  	v62 =	vld [tilespmem:s1+$0xFFFFFF70];
	[tilespmem:v44+s20+$0x0] =	vst.idx.msk $0xffff, v2;
	v2 =	vmul.f32 $8.000000000e+00, v56  }
0x151: {  	v45 =	vmul.f32 $8.000000000e+00, v46;
	v3 =	vld [tilespmem:s1+$0xFFFFFFB0];
	[tilespmem:v48+s20+$0x0] =	vst.idx.msk $0xffff, v0  }
0x152: {  	v0 =	vmul.f32 $8.000000000e+00, v58;
	[tilespmem:v60+s20+$0x0] =	vst.idx.msk $0xffff, v2;
	v60 =	vld [tilespmem:$0x1FFD0]  }
0x153: {  	s6 =	sadd.s32 $0x1, s0;
	s7 =	sadd.s32 $0x4, s0;
	[tilespmem:v49+s20+$0x0] =	vst.idx.msk $0xffff, v45;
	v2 =	vmul.f32 $8.000000000e+00, v61;
	v61 =	vld [tilespmem:$0x1FE60]  }
0x154: {  	p2 =	slt.u32 s0, $0x78;
	v50 =	vmov s6;
	v43 =	vmov s7;
	v63 =	vadd.s32 v25, v35;
	[tilespmem:v54+s20+$0x0] =	vst.idx.msk $0xffff, v0;
	v0 =	vld [tilespmem:$0x1FFE0]  }
.Ltmp7:
0x155: {  	v50 =	vshrl.u32 v50, $0x3;
	v52 =	vshrl.u32 v52, $0x3;
	v43 =	vshrl.u32 v43, $0x3;
	v56 =	vld [tilespmem:s1+$0x0];
	(pc) =	sbr.rel @p2 .LBB2_11-.Ltmp7, $4  }
0x156: {  	v47 =	vshll.u32 v50, v1;
	v55 =	vadd.s32 v29, v33;
	v51 =	vadd.s32 v32, v34;
	v50 =	vld [tilespmem:s1+$0xFFFFFE40]  }
0x157: {  	v46 =	vshll.u32 v43, v1;
	v43 =	vshll.u32 v59, v1;
	v44 =	vshll.u32 v52, v1;
	v52 =	vld [tilespmem:s1+$0xFFFFFE80]  }
0x158: {  	v45 =	vshll.u32 v57, v1;
	v49 =	vld [tilespmem:s1+$0xFFFFFEC0];
	v53 =	vadd.s32 v60, v40;
	v48 =	vadd.s32 v61, v39  }
0x159: {  	s12 =	sadd.s32 $0x7, s0;
	s0 =	sadd.s32 $0x8, s0;
	v54 =	vld [tilespmem:s1+$0xFFFFFF00];
	[tilespmem:v63+s20+$0x0] =	vst.idx.msk $0xffff, v2;
	v39 =	vmul.f32 $8.000000000e+00, v62;
	v40 =	vmul.f32 $8.000000000e+00, v3;
	v41 =	vadd.s32 v0, v41  }
0x15a: {  	_ =	sdelay $0x3  }
0x15b: {  	v0 =	vmov s12;
	v2 =	vadd.s32 v31, v37;
	v3 =	vld [tilespmem:s1+$0xFFFFFF40];
	v60 =	vmul.f32 $8.000000000e+00, v56;
	[tilespmem:v55+s20+$0x0] =	vst.idx.msk $0xffff, v39  }
0x15c: {  	v36 =	vadd.s32 v27, v36;
	v0 =	vshrl.u32 v0, $0x3;
	v61 =	vmul.f32 $8.000000000e+00, v50;
	[tilespmem:v51+s20+$0x0] =	vst.idx.msk $0xffff, v40;
	v62 =	vld [tilespmem:s1+$0xFFFFFF80]  }
0x15d: {  	v35 =	vadd.s32 v19, v35;
	s0 =	sadd.s32 $0x200, s1;
	v0 =	vshll.u32 v0, v1;
	v63 =	vmul.f32 $8.000000000e+00, v52;
	v51 =	vld [tilespmem:s1+$0xFFFFFFC0];
	[tilespmem:v53+s20+$0x0] =	vst.idx.msk $0xffff, v60  }
0x15e: {  	v33 =	vadd.s32 v9, v33;
	v37 =	vld [tilespmem:s0+$0xFFFFFFD0];
	v0 =	vbroadcast v0, $0x0;
	[tilespmem:v48+s20+$0x0] =	vst.idx.msk $0xffff, v61;
	v53 =	vmul.f32 $8.000000000e+00, v49  }
0x15f: {  	v42 =	vshll.u32 v42, v1;
	v34 =	vadd.s32 v10, v34;
	v55 =	vld [tilespmem:s0+$0xFFFFFE10];
	[tilespmem:v41+s20+$0x0] =	vst.idx.msk $0xffff, v63;
	v56 =	vmul.f32 $8.000000000e+00, v54  }
0x160: {  	v47 =	vbroadcast v47, $0x0;
	v57 =	vld [tilespmem:s0+$0xFFFFFE50];
	v49 =	vadd.s32 v15, v0;
	[tilespmem:v2+s20+$0x0] =	vst.idx.msk $0xffff, v53;
	v2 =	vmul.f32 $8.000000000e+00, v3  }
0x161: {  	v44 =	vbroadcast v44, $0x0;
	v58 =	vld [tilespmem:s0+$0xFFFFFE90];
	v3 =	vadd.s32 v8, v38;
	[tilespmem:v36+s20+$0x0] =	vst.idx.msk $0xffff, v56;
	v59 =	vmul.f32 $8.000000000e+00, v62  }
0x162: {  	v45 =	vbroadcast v45, $0x0;
	v50 =	vld [tilespmem:s0+$0xFFFFFED0];
	v40 =	vadd.s32 v12, v47;
	[tilespmem:v35+s20+$0x0] =	vst.idx.msk $0xffff, v2;
	v2 =	vmul.f32 $8.000000000e+00, v51  }
0x163: {  	v46 =	vbroadcast v46, $0x0;
	v54 =	vld [tilespmem:s0+$0xFFFFFF10];
	v37 =	vmul.f32 $8.000000000e+00, v37;
	v35 =	vadd.s32 v16, v44;
	[tilespmem:v33+s20+$0x0] =	vst.idx.msk $0xffff, v59  }
0x164: {  	v43 =	vbroadcast v43, $0x0;
	v55 =	vmul.f32 $8.000000000e+00, v55;
	v36 =	vadd.s32 v24, v45;
	v56 =	vld [tilespmem:s0+$0xFFFFFF50];
	[tilespmem:v34+s20+$0x0] =	vst.idx.msk $0xffff, v2  }
0x165: {  	v42 =	vbroadcast v42, $0x0;
	v2 =	vmul.f32 $8.000000000e+00, v57;
	v34 =	vadd.s32 v30, v46;
	v57 =	vld [tilespmem:s0+$0xFFFFFF90];
	[tilespmem:v49+s20+$0x0] =	vst.idx.msk $0xffff, v37  }
0x166: {  	[tilespmem:v3+s20+$0x0] =	vst.idx.msk $0xffff, v55;
	v3 =	vmul.f32 $8.000000000e+00, v58;
	v58 =	vadd.s32 v17, v43;
	v37 =	vld [tilespmem:s0+$0xFFFFFFE0]  }
0x167: {  	v59 =	vld [tilespmem:s0+$0xFFFFFE20];
	[tilespmem:v40+s20+$0x0] =	vst.idx.msk $0xffff, v2;
	v2 =	vmul.f32 $8.000000000e+00, v50;
	v40 =	vadd.s32 v28, v42  }
0x168: {  	v49 =	vld [tilespmem:s0+$0xFFFFFE60];
	[tilespmem:v35+s20+$0x0] =	vst.idx.msk $0xffff, v3;
	v3 =	vmul.f32 $8.000000000e+00, v54;
	v35 =	vadd.s32 v5, v0  }
0x169: {  	v50 =	vadd.s32 v6, v38;
	v51 =	vld [tilespmem:s0+$0xFFFFFEA0];
	[tilespmem:v36+s20+$0x0] =	vst.idx.msk $0xffff, v2;
	v2 =	vmul.f32 $8.000000000e+00, v56  }
0x16a: {  	v36 =	vadd.s32 v14, v47;
	v48 =	vld [tilespmem:s0+$0xFFFFFEE0];
	[tilespmem:v34+s20+$0x0] =	vst.idx.msk $0xffff, v3;
	v3 =	vmul.f32 $8.000000000e+00, v57  }
0x16b: {  	v34 =	vadd.s32 v18, v44;
	v41 =	vld [tilespmem:s0+$0xFFFFFF20];
	[tilespmem:v58+s20+$0x0] =	vst.idx.msk $0xffff, v2;
	v2 =	vmul.f32 $8.000000000e+00, v37  }
0x16c: {  	v53 =	vmul.f32 $8.000000000e+00, v59;
	v37 =	vadd.s32 v22, v45;
	v39 =	vld [tilespmem:s0+$0xFFFFFF60];
	[tilespmem:v40+s20+$0x0] =	vst.idx.msk $0xffff, v3  }
0x16d: {  	v40 =	vadd.s32 v26, v46;
	v3 =	vmul.f32 $8.000000000e+00, v49;
	v49 =	vld [tilespmem:s0+$0xFFFFFFA0];
	[tilespmem:v35+s20+$0x0] =	vst.idx.msk $0xffff, v2  }
0x16e: {  	v33 =	vadd.s32 v4, v43;
	[tilespmem:v50+s20+$0x0] =	vst.idx.msk $0xffff, v53;
	v2 =	vmul.f32 $8.000000000e+00, v51;
	v35 =	vld [tilespmem:s0+$0xFFFFFFF0]  }
0x16f: {  	v50 =	vld [tilespmem:s0+$0xFFFFFE30];
	[tilespmem:v36+s20+$0x0] =	vst.idx.msk $0xffff, v3;
	v3 =	vmul.f32 $8.000000000e+00, v48;
	v36 =	vadd.s32 v7, v42  }
0x170: {  	v48 =	vld [tilespmem:s0+$0xFFFFFE70];
	[tilespmem:v34+s20+$0x0] =	vst.idx.msk $0xffff, v2;
	v2 =	vmul.f32 $8.000000000e+00, v41;
	v34 =	vadd.s32 v23, v0  }
0x171: {  	v41 =	vadd.s32 v11, v38;
	v51 =	vld [tilespmem:s0+$0xFFFFFEB0];
	[tilespmem:v37+s20+$0x0] =	vst.idx.msk $0xffff, v3;
	v3 =	vmul.f32 $8.000000000e+00, v39  }
0x172: {  	v37 =	vadd.s32 v13, v47;
	[tilespmem:v40+s20+$0x0] =	vst.idx.msk $0xffff, v2;
	v2 =	vmul.f32 $8.000000000e+00, v49  }
0x173: {  	v40 =	vadd.s32 v20, v44;
	[tilespmem:v33+s20+$0x0] =	vst.idx.msk $0xffff, v3;
	v3 =	vmul.f32 $8.000000000e+00, v35  }
0x174: {  	v53 =	vmov v11;
	v11 =	vmul.f32 $8.000000000e+00, v50;
	[tilespmem:v36+s20+$0x0] =	vst.idx.msk $0xffff, v2  }
0x175: {  	v2 =	vmul.f32 $8.000000000e+00, v48;
	[tilespmem:v34+s20+$0x0] =	vst.idx.msk $0xffff, v3  }
0x176: {  	[tilespmem:v41+s20+$0x0] =	vst.idx.msk $0xffff, v11;
	v3 =	vmul.f32 $8.000000000e+00, v51  }
0x177: {  	[tilespmem:v37+s20+$0x0] =	vst.idx.msk $0xffff, v2  }
0x178: {  	[tilespmem:v40+s20+$0x0] =	vst.idx.msk $0xffff, v3  }
0x179: {  	v57 =	vmov v26;
	v26 =	vmov v4;
	v4 =	vld [tilespmem:$0x1FFD0];
	_ =	sdelay $0x1  }
0x17a: {  	v39 =	vld [tilespmem:s0+$0xFFFFFEF0];
	_ =	sdelay $0x1  }
0x17b: {  	v35 =	vadd.s32 v21, v45  }
0x17c: {  	v63 =	vmov v28;
	v28 =	vmov v4;
	v0 =	vadd.s32 v4, v0;
	v4 =	vld [tilespmem:$0x1FE60];
	_ =	sdelay $0x1  }
0x17d: {  	v49 =	vld [tilespmem:s0+$0xFFFFFF30];
	v2 =	vmul.f32 $8.000000000e+00, v39  }
0x17e: {  	v59 =	vld [tilespmem:s0+$0xFFFFFF70]  }
0x17f: {  	v48 =	vld [tilespmem:s0+$0xFFFFFFB0];
	[tilespmem:v35+s20+$0x0] =	vst.idx.msk $0xffff, v2  }
0x180: {  	v58 =	vmovc v7;
	v36 =	vadd.s32 v25, v46;
	v7 =	vmov v4;
	v38 =	vadd.s32 v4, v38;
	v4 =	vld [tilespmem:$0x1FFE0]  }
0x181: {  	v11 =	vadd.s32 v29, v43;
	v34 =	vld [tilespmem:s0+$0x0]  }
0x182: {  	v41 =	vld [tilespmem:s0+$0xFFFFFE40];
	v37 =	vadd.s32 v32, v42  }
0x183: {  	v51 =	vld [tilespmem:s0+$0xFFFFFE80];
	v3 =	vmul.f32 $8.000000000e+00, v49  }
0x184: {  	v40 =	vld [tilespmem:s0+$0xFFFFFEC0];
	v2 =	vmul.f32 $8.000000000e+00, v59  }
0x185: {  	v59 =	vld [tilespmem:s0+$0xFFFFFF00];
	[tilespmem:v36+s20+$0x0] =	vst.idx.msk $0xffff, v3;
	v3 =	vmul.f32 $8.000000000e+00, v48;
	v35 =	vadd.s32 v4, v47  }
0x186: {  	v36 =	vadd.s32 v31, v44;
	[tilespmem:v11+s20+$0x0] =	vst.idx.msk $0xffff, v2;
	v2 =	vmul.f32 $8.000000000e+00, v34;
	v44 =	vld [tilespmem:s0+$0xFFFFFF40]  }
0x187: {  	v11 =	vmul.f32 $8.000000000e+00, v41;
	v48 =	vadd.s32 v27, v45;
	v49 =	vld [tilespmem:s0+$0xFFFFFF80];
	[tilespmem:v37+s20+$0x0] =	vst.idx.msk $0xffff, v3  }
0x188: {  	v50 =	vadd.s32 v19, v46;
	v3 =	vmul.f32 $8.000000000e+00, v51;
	[tilespmem:v0+s20+$0x0] =	vst.idx.msk $0xffff, v2;
	v51 =	vld [tilespmem:s0+$0xFFFFFFC0]  }
0x189: {  	v0 =	vmul.f32 $8.000000000e+00, v40;
	v2 =	vadd.s32 v9, v43;
	[tilespmem:v38+s20+$0x0] =	vst.idx.msk $0xffff, v11  }
0x18a: {  	s31 =	sadd.s32 s31, s5;
	[tilespmem:v35+s20+$0x0] =	vst.idx.msk $0xffff, v3;
	v3 =	vmul.f32 $8.000000000e+00, v59;
	v59 =	vadd.s32 v10, v42  }
0x18b: {  	s12 =	sadd.s32 $0x1, s31;
	[tilespmem:v36+s20+$0x0] =	vst.idx.msk $0xffff, v0;
	v0 =	vmul.f32 $8.000000000e+00, v44  }
0x18c: {  	s14 =	sshll.u32 s12, $0x7;
	[tilespmem:v48+s20+$0x0] =	vst.idx.msk $0xffff, v3;
	v3 =	vmul.f32 $8.000000000e+00, v49  }
0x18d: {  	s1 =	sand.u32 $0xE80, s14;
	s0 =	sshll.u32 s12, $0xA;
	[tilespmem:v50+s20+$0x0] =	vst.idx.msk $0xffff, v0;
	v0 =	vmul.f32 $8.000000000e+00, v51  }
0x18e: {  	s1 =	sadd.s32 s2, s1;
	s0 =	sand.u32 $0xFFF8000, s0;
	[tilespmem:v2+s20+$0x0] =	vst.idx.msk $0xffff, v3  }
0x18f: {  	s6 =	simm.s32 $0x10600;
	s1 =	sadd.s32 s0, s1;
	[tilespmem:v59+s20+$0x0] =	vst.idx.msk $0xffff, v0  }
0x190: {  	[hbm4b:s1+s3] =	stream.linear.scatter [tilespmem:s6], [sflag:$0x7], $0x80, $0x38;
	[tilespmem:$0x16C00] =	vst v63  }
0x191: {  	s7 =	simm.s32 $0x10688;
	s6 =	sadd.s32 $0x10, s1  }
0x192: {  	[hbm4b:s6+s3] =	stream.linear.scatter [tilespmem:s7], [sflag:$0x7], $0x80, $0x38;
	[tilespmem:$0x16C00] =	vst v63  }
0x193: {  	s12 =	simm.s32 $0x10710;
	s14 =	sadd.s32 $0x20, s1  }
0x194: {  	[hbm4b:s14+s3] =	stream.linear.scatter [tilespmem:s12], [sflag:$0x7], $0x80, $0x38;
	[tilespmem:$0x16C00] =	vst v63  }
0x195: {  	s6 =	simm.s32 $0x10798;
	s7 =	sadd.s32 $0x30, s1  }
0x196: {  	[hbm4b:s7+s3] =	stream.linear.scatter [tilespmem:s6], [sflag:$0x7], $0x80, $0x38;
	[tilespmem:$0x16C00] =	vst v63  }
0x197: {  	s12 =	simm.s32 $0x10820;
	s14 =	sadd.s32 $0x40, s1  }
0x198: {  	[hbm4b:s14+s3] =	stream.linear.scatter [tilespmem:s12], [sflag:$0x7], $0x80, $0x38;
	[tilespmem:$0x16C00] =	vst v63  }
0x199: {  	s0 =	simm.s32 $0x440;
	s6 =	simm.s32 $0x108A8;
	s7 =	sadd.s32 $0x50, s1  }
0x19a: {  	v52 =	vmov v6;
	v60 =	vmov v12;
	[hbm4b:s7+s3] =	stream.linear.scatter [tilespmem:s6], [sflag:$0x7], $0x80, $0x38;
	[tilespmem:$0x16C00] =	vst v63  }
0x19b: {  	v12 =	vmovc v13;
	v61 =	vmovc v16;
	v62 =	vmov v24;
	v24 =	vmov v30;
	v16 =	vmov v20;
	s12 =	simm.s32 $0x10930;
	s14 =	sadd.s32 $0x60, s1;
	s6 =	sadd.s32 $0x70, s1  }
0x19c: {  	v30 =	vmovc v17;
	v55 =	vmovc v18;
	v54 =	vmov v14;
	v5 =	vmov v23;
	v56 =	vmov v22;
	[hbm4b:s14+s3] =	stream.linear.scatter [tilespmem:s12], [sflag:$0x7], $0x80, $0x38;
	[tilespmem:$0x16C00] =	vst v63  }
0x19d: {  	v18 =	vmovc v21;
	v22 =	vmovc v25;
	v25 =	vmov v29;
	v29 =	vmov v32;
	v14 =	vmov v4;
	s1 =	sadd.s32 $0x1000, s1;
	s12 =	simm.s32 $0x2200;
	s14 =	simm.s32 $0x109B8  }
.LBB2_13:
0x19e: {  	[hbm4b:s6+s3] =	stream.linear.scatter [tilespmem:s14], [sflag:$0x7], $0x80, $0x38;
	[tilespmem:$0x16C00] =	vst v63  }
0x19f: {  	s6 =	smov.u32 s0;
	s0 =	smov.u32 s12  }
0x1a0: {  	s7 =	sadd.s32 $0x1100, s12;
	s0 =	sshra.s32 s0, $0x2;
	s14 =	sadd.s32 $0x10600, s6  }
0x1a1: {  	[hbm4b:s1+s3] =	stream.linear.scatter [tilespmem:s14], [sflag:$0x7], $0x80, $0x38;
	[tilespmem:$0x16C00] =	vst v63  }
0x1a2: {  	p2 =	sne.s32 s12, $0x7700;
	s12 =	sadd.s32 $0x10688, s6;
	s14 =	sadd.s32 $0x10, s1  }
0x1a3: {  	[hbm4b:s14+s3] =	stream.linear.scatter [tilespmem:s12], [sflag:$0x7], $0x80, $0x38;
	[tilespmem:$0x16C00] =	vst v63  }
0x1a4: {  	s12 =	sadd.s32 $0x10710, s6;
	s14 =	sadd.s32 $0x20, s1  }
0x1a5: {  	[hbm4b:s14+s3] =	stream.linear.scatter [tilespmem:s12], [sflag:$0x7], $0x80, $0x38;
	[tilespmem:$0x16C00] =	vst v63  }
0x1a6: {  	s12 =	sadd.s32 $0x10798, s6;
	s14 =	sadd.s32 $0x30, s1  }
0x1a7: {  	[hbm4b:s14+s3] =	stream.linear.scatter [tilespmem:s12], [sflag:$0x7], $0x80, $0x38;
	[tilespmem:$0x16C00] =	vst v63  }
0x1a8: {  	s12 =	sadd.s32 $0x10820, s6;
	s14 =	sadd.s32 $0x40, s1  }
0x1a9: {  	[hbm4b:s14+s3] =	stream.linear.scatter [tilespmem:s12], [sflag:$0x7], $0x80, $0x38;
	[tilespmem:$0x16C00] =	vst v63  }
0x1aa: {  	s12 =	sadd.s32 $0x108A8, s6;
	s14 =	sadd.s32 $0x50, s1  }
0x1ab: {  	[hbm4b:s14+s3] =	stream.linear.scatter [tilespmem:s12], [sflag:$0x7], $0x80, $0x38;
	[tilespmem:$0x16C00] =	vst v63  }
.Ltmp8:
0x1ac: {  	_ = 	snop;
	(pc) =	sbr.rel @p2 .LBB2_13-.Ltmp8, $4  }
0x1ad: {  	s12 =	sadd.s32 $0x10930, s6;
	s14 =	sadd.s32 $0x60, s1  }
0x1ae: {  	[hbm4b:s14+s3] =	stream.linear.scatter [tilespmem:s12], [sflag:$0x7], $0x80, $0x38;
	[tilespmem:$0x16C00] =	vst v63  }
0x1af: {  	s14 =	sadd.s32 $0x109B8, s6  }
0x1b0: {  	s6 =	sadd.s32 $0x70, s1;
	s1 =	sadd.s32 $0x1000, s1;
	s12 =	smov.u32 s7  }
0x1b1: {  	[hbm4b:s6+s3] =	stream.linear.scatter [tilespmem:s14], [sflag:$0x7], $0x80, $0x38;
	[tilespmem:$0x16C00] =	vst v63  }
0x1b2: {  	s12 =	sadd.s32 $0x10600, s0  }
0x1b3: {  	[hbm4b:s1+s3] =	stream.linear.scatter [tilespmem:s12], [sflag:$0x7], $0x80, $0x38;
	[tilespmem:$0x16C00] =	vst v63  }
0x1b4: {  	s14 =	sadd.s32 $0x10688, s0;
	s7 =	sadd.s32 $0x10, s1  }
0x1b5: {  	[hbm4b:s7+s3] =	stream.linear.scatter [tilespmem:s14], [sflag:$0x7], $0x80, $0x38;
	[tilespmem:$0x16C00] =	vst v63  }
0x1b6: {  	s12 =	sadd.s32 $0x10710, s0;
	s14 =	sadd.s32 $0x20, s1  }
0x1b7: {  	[hbm4b:s14+s3] =	stream.linear.scatter [tilespmem:s12], [sflag:$0x7], $0x80, $0x38;
	[tilespmem:$0x16C00] =	vst v63  }
0x1b8: {  	s12 =	sadd.s32 $0x10798, s0;
	s14 =	sadd.s32 $0x30, s1  }
0x1b9: {  	[hbm4b:s14+s3] =	stream.linear.scatter [tilespmem:s12], [sflag:$0x7], $0x80, $0x38;
	[tilespmem:$0x16C00] =	vst v63  }
0x1ba: {  	s12 =	sadd.s32 $0x10820, s0;
	s14 =	sadd.s32 $0x40, s1  }
0x1bb: {  	[hbm4b:s14+s3] =	stream.linear.scatter [tilespmem:s12], [sflag:$0x7], $0x80, $0x38;
	[tilespmem:$0x16C00] =	vst v63  }
0x1bc: {  	s12 =	sadd.s32 $0x108A8, s0;
	s14 =	sadd.s32 $0x50, s1  }
0x1bd: {  	[hbm4b:s14+s3] =	stream.linear.scatter [tilespmem:s12], [sflag:$0x7], $0x80, $0x38;
	[tilespmem:$0x16C00] =	vst v63  }
.Ltmp9:
0x1be: {  	_ = 	snop;
	(pc) =	sbr.rel @p1 .LBB2_16-.Ltmp9, $4  }
0x1bf: {  	s12 =	sadd.s32 $0x10930, s0;
	s14 =	sadd.s32 $0x60, s1  }
0x1c0: {  	[hbm4b:s14+s3] =	stream.linear.scatter [tilespmem:s12], [sflag:$0x7], $0x80, $0x38;
	[tilespmem:$0x16C00] =	vst v63  }
0x1c1: {  	s12 =	sadd.s32 $0x109B8, s0;
	s14 =	sadd.s32 $0x70, s1  }
0x1c2: {  	[hbm4b:s14+s3] =	stream.linear.scatter [tilespmem:s12], [sflag:$0x7], $0x80, $0x38;
	[tilespmem:$0x16C00] =	vst v63  }
.Ltmp10:
0x1c3: {  	(pc) =	sbr.rel .LBB2_17-.Ltmp10, $4  }
0x1c4: {  	_ = 	snop  }
0x1c5: {  	_ =	swait.ge [sflag:s21], $0x2000;
	v6 =	vmovc v52;
	v19 =	vmov v53;
	v10 =	vmov v54;
	v15 =	vmov v55  }
0x1c6: {  	v21 =	vmovc v56;
	v23 =	vmovc v57;
	v27 =	vmov v25;
	v31 =	vmov v58;
	v9 =	vmov v7;
	[sflag:s21] =	ssyncset.done $0x0  }
0x1c7: {  	v7 =	vmovc v60;
	v13 =	vmovc v61;
	v20 =	vmov v62;
	v17 =	vmov v30;
	v30 =	vmov v63;
	v8 =	vld [tilespmem:$0x1FF10];
	[sflag:s21] =	ssyncadd.s32 $0xFFFFE000  }
.LBB2_16:
0x1c8: {  	s0 =	sshll.u32 s30, $0x9  }
0x1c9: {  	s0 =	sand.u32 $0x3FFFFE00, s0  }
.Ltmp11:
0x1ca: {  	s0 =	sadd.s32 $0x280, s0;
	(pc) =	sbr.rel @p0 .LBB2_18-.Ltmp11, $4  }
0x1cb: {  	[tilespmem:s11], [sflag:$0x3] =	stream.indirect.gather [hbm4b:s4+s9], $0x40, s0, s9, $0xb8;
	[tilespmem:$0x16C00] =	vst v63  }
0x1cc: {  	v6 =	vmovc v52;
	v19 =	vmov v53;
	v10 =	vmov v54;
	v15 =	vmov v55;
	_ =	swait.ge [sflag:s21], $0x2000  }
0x1cd: {  	v21 =	vmovc v56;
	v23 =	vmovc v57;
	v27 =	vmov v25;
	v31 =	vmov v58;
	v9 =	vmov v7;
	[sflag:s21] =	ssyncset.done $0x0  }
0x1ce: {  	v7 =	vmovc v60;
	v13 =	vmovc v61;
	v20 =	vmov v62;
	v17 =	vmov v30;
	v30 =	vmov v63;
	v8 =	vld [tilespmem:$0x1FF10];
	[sflag:s21] =	ssyncadd.s32 $0xFFFFE000  }
.LBB2_17:
0x1cf: {  	_ =	swait.ge [sflag:s22], $0x2000  }
0x1d0: {  	[sflag:s22] =	ssyncset.done $0x0  }
0x1d1: {  	[sflag:s22] =	ssyncadd.s32 $0xFFFFE000  }
.LBB2_18:
0x1d2: {  	s0 =	simm.s32 $0x0;
	s14 =	simm.s32 $0x1  }
0x1d3: {  	s1 =	simm.s32 $0x2;
	s6 =	simm.s32 $0x3;
	s7 =	simm.s32 $0x4;
	v0 =	vmov s0;
	v2 =	vmov s14  }
0x1d4: {  	s12 =	simm.s32 $0x5;
	v3 =	vmov s1;
	v33 =	vmov s6;
	v34 =	vmov s7;
	s6 =	simm.s32 $0x7  }
0x1d5: {  	v32 =	vld [tilespmem:$0x1FFA0];
	s14 =	simm.s32 $0x6;
	v35 =	vmov s12;
	v0 =	vshrl.u32 v0, $0x3;
	v37 =	vmov s6  }
0x1d6: {  	s1 =	simm.s32 $0xA5F0;
	v36 =	vmov s14;
	v0 =	vshll.u32 v0, v1;
	v37 =	vshrl.u32 v37, $0x3  }
0x1d7: {  	v2 =	vshrl.u32 v2, $0x3;
	v38 =	vld [tilespmem:s1+$0xFFFFFE10];
	v37 =	vshll.u32 v37, v1;
	v39 =	vbroadcast v0, $0x0  }
0x1d8: {  	v3 =	vshrl.u32 v3, $0x3;
	v2 =	vshll.u32 v2, v1;
	v0 =	vld [tilespmem:s1+$0xFFFFFFD0];
	v41 =	vbroadcast v37, $0x0  }
0x1d9: {  	v42 =	vld [tilespmem:s1+$0xFFFFFE50];
	v3 =	vshll.u32 v3, v1;
	v25 =	vbroadcast v2, $0x0;
	v44 =	vadd.s32 v8, v39  }
0x1da: {  	v33 =	vshrl.u32 v33, $0x3;
	v45 =	vld [tilespmem:s1+$0xFFFFFE90];
	v37 =	vbroadcast v3, $0x0;
	v2 =	vadd.s32 v32, v41  }
0x1db: {  	v34 =	vshrl.u32 v34, $0x3;
	v35 =	vshrl.u32 v35, $0x3;
	v46 =	vadd.s32 v7, v25  }
0x1dc: {  	v36 =	vshrl.u32 v36, $0x3;
	v48 =	vadd.s32 v13, v37;
	v38 =	vmul.f32 $8.000000000e+00, v38  }
0x1dd: {  	v47 =	vld [tilespmem:s1+$0xFFFFFED0];
	v33 =	vshll.u32 v33, v1;
	v43 =	vshll.u32 v35, v1;
	v0 =	vmul.f32 $8.000000000e+00, v0  }
0x1de: {  	v49 =	vld [tilespmem:s1+$0xFFFFFF10];
	v3 =	vshll.u32 v36, v1;
	v36 =	vbroadcast v33, $0x0;
	v42 =	vmul.f32 $8.000000000e+00, v42;
	[tilespmem:v44+s23+$0x0] =	vst.idx.msk $0xffff, v38  }
0x1df: {  	v51 =	vld [tilespmem:s1+$0xFFFFFF50];
	v34 =	vshll.u32 v34, v1;
	v33 =	vbroadcast v43, $0x0;
	[tilespmem:v2+s23+$0x0] =	vst.idx.msk $0xffff, v0;
	v2 =	vmul.f32 $8.000000000e+00, v45  }
0x1e0: {  	v52 =	vld [tilespmem:s1+$0xFFFFFF90];
	v35 =	vbroadcast v34, $0x0;
	v50 =	vadd.s32 v20, v36;
	[tilespmem:v46+s23+$0x0] =	vst.idx.msk $0xffff, v42  }
0x1e1: {  	v34 =	vbroadcast v3, $0x0;
	v3 =	vadd.s32 v17, v33;
	v44 =	vld [tilespmem:s1+$0xFFFFFE20];
	[tilespmem:v48+s23+$0x0] =	vst.idx.msk $0xffff, v2  }
0x1e2: {  	v59 =	vadd.s32 v24, v35;
	v11 =	vld [tilespmem:$0x1FFB0]  }
0x1e3: {  	v61 =	vmul.f32 $8.000000000e+00, v47;
	v60 =	vld [tilespmem:s1+$0xFFFFFFE0]  }
0x1e4: {  	v63 =	vmul.f32 $8.000000000e+00, v51;
	v45 =	vadd.s32 v30, v34;
	v62 =	vld [tilespmem:s1+$0xFFFFFE60]  }
0x1e5: {  	v53 =	vadd.s32 v6, v39;
	v2 =	vmul.f32 $8.000000000e+00, v49;
	[tilespmem:v50+s23+$0x0] =	vst.idx.msk $0xffff, v61  }
0x1e6: {  	v51 =	vadd.s32 v10, v25;
	[tilespmem:v3+s23+$0x0] =	vst.idx.msk $0xffff, v63;
	v55 =	vld [tilespmem:s1+$0xFFFFFEE0]  }
0x1e7: {  	v54 =	vld [tilespmem:s1+$0xFFFFFEA0];
	[tilespmem:v59+s23+$0x0] =	vst.idx.msk $0xffff, v2;
	v2 =	vmul.f32 $8.000000000e+00, v52;
	v48 =	vadd.s32 v11, v41  }
0x1e8: {  	v61 =	vadd.s32 v21, v36;
	v57 =	vld [tilespmem:s1+$0xFFFFFF60];
	v3 =	vmul.f32 $8.000000000e+00, v60;
	v60 =	vmul.f32 $8.000000000e+00, v44  }
0x1e9: {  	s7 =	simm.s32 $0x8;
	s12 =	simm.s32 $0x9;
	v52 =	vadd.s32 v15, v37;
	v56 =	vld [tilespmem:s1+$0xFFFFFF20];
	v62 =	vmul.f32 $8.000000000e+00, v62;
	[tilespmem:v45+s23+$0x0] =	vst.idx.msk $0xffff, v2  }
0x1ea: {  	v46 =	vmov s12;
	s12 =	simm.s32 $0xD;
	v42 =	vadd.s32 v26, v33;
	v0 =	vmov s7;
	[tilespmem:v53+s23+$0x0] =	vst.idx.msk $0xffff, v60  }
0x1eb: {  	s6 =	simm.s32 $0xB;
	v38 =	vmov s12;
	v63 =	vadd.s32 v23, v35;
	[tilespmem:v51+s23+$0x0] =	vst.idx.msk $0xffff, v62;
	v53 =	vld [tilespmem:s1+$0xFFFFFE30];
	v40 =	vmul.f32 $8.000000000e+00, v55  }
0x1ec: {  	v0 =	vshrl.u32 v0, $0x3;
	v50 =	vmov s6;
	v58 =	vld [tilespmem:s1+$0xFFFFFFA0];
	[tilespmem:v48+s23+$0x0] =	vst.idx.msk $0xffff, v3;
	v3 =	vmul.f32 $8.000000000e+00, v54  }
0x1ed: {  	s14 =	simm.s32 $0xA;
	v59 =	vshrl.u32 v50, $0x3;
	v50 =	vadd.s32 v19, v39;
	v44 =	vmul.f32 $8.000000000e+00, v57;
	[tilespmem:v61+s23+$0x0] =	vst.idx.msk $0xffff, v40;
	v54 =	vld [tilespmem:s1+$0xFFFFFE70]  }
0x1ee: {  	v49 =	vmov s14;
	s14 =	simm.s32 $0xE;
	v51 =	vadd.s32 v31, v34;
	v48 =	vld [tilespmem:s1+$0xFFFFFFF0];
	[tilespmem:v52+s23+$0x0] =	vst.idx.msk $0xffff, v3;
	v3 =	vmul.f32 $8.000000000e+00, v56  }
0x1ef: {  	v0 =	vshll.u32 v0, v1;
	v2 =	vmov s14;
	v45 =	vadd.s32 v12, v25;
	[tilespmem:v42+s23+$0x0] =	vst.idx.msk $0xffff, v44;
	v55 =	vld [tilespmem:s1+$0xFFFFFEB0]  }
0x1f0: {  	v42 =	vshrl.u32 v2, $0x3;
	v57 =	vld [tilespmem:s1+$0xFFFFFEF0];
	v2 =	vmul.f32 $8.000000000e+00, v53;
	v52 =	vadd.s32 v5, v41;
	[tilespmem:v63+s23+$0x0] =	vst.idx.msk $0xffff, v3  }
0x1f1: {  	v62 =	vadd.s32 v18, v36;
	v60 =	vadd.s32 v16, v37;
	v3 =	vmul.f32 $8.000000000e+00, v58;
	v61 =	vld [tilespmem:s1+$0xFFFFFF30]  }
0x1f2: {  	[tilespmem:v50+s23+$0x0] =	vst.idx.msk $0xffff, v2;
	v58 =	vshrl.u32 v38, $0x3;
	v38 =	vbroadcast v0, $0x0;
	v0 =	vmul.f32 $8.000000000e+00, v54  }
0x1f3: {  	v63 =	vld [tilespmem:s1+$0xFFFFFF70];
	v56 =	vmul.f32 $8.000000000e+00, v48;
	[tilespmem:v51+s23+$0x0] =	vst.idx.msk $0xffff, v3  }
0x1f4: {  	v50 =	vld [tilespmem:s1+$0xFFFFFE40];
	v3 =	vadd.s32 v22, v35;
	[tilespmem:v45+s23+$0x0] =	vst.idx.msk $0xffff, v0;
	v2 =	vmul.f32 $8.000000000e+00, v55  }
0x1f5: {  	v40 =	vld [tilespmem:s1+$0xFFFFFFB0];
	v0 =	vmul.f32 $8.000000000e+00, v57;
	[tilespmem:v52+s23+$0x0] =	vst.idx.msk $0xffff, v56  }
0x1f6: {  	s7 =	simm.s32 $0xC;
	v52 =	vld [tilespmem:s1+$0xFFFFFE80];
	[tilespmem:v60+s23+$0x0] =	vst.idx.msk $0xffff, v2;
	v2 =	vmul.f32 $8.000000000e+00, v61  }
0x1f7: {  	v46 =	vshrl.u32 v46, $0x3;
	v43 =	vmov s7;
	v56 =	vld [tilespmem:s1+$0x0];
	[tilespmem:v62+s23+$0x0] =	vst.idx.msk $0xffff, v0  }
0x1f8: {  	v47 =	vshll.u32 v46, v1;
	v43 =	vshrl.u32 v43, $0x3;
	v49 =	vshrl.u32 v49, $0x3;
	v54 =	vld [tilespmem:s1+$0xFFFFFF00]  }
0x1f9: {  	v46 =	vshll.u32 v43, v1;
	v11 =	vmov v26;
	v44 =	vshll.u32 v49, v1;
	v49 =	vld [tilespmem:s1+$0xFFFFFEC0];
	[tilespmem:v3+s23+$0x0] =	vst.idx.msk $0xffff, v2  }
0x1fa: {  	v26 =	vmovc v17;
	v53 =	vadd.s32 v28, v41;
	v41 =	vadd.s32 v14, v25;
	v14 =	vmovc v13;
	v17 =	vld [tilespmem:$0x1FE80];
	v2 =	vmov v24  }
0x1fb: {  	v43 =	vshll.u32 v58, v1;
	v51 =	vadd.s32 v29, v34;
	v48 =	vadd.s32 v9, v39;
	v29 =	vmovc v18;
	v28 =	vld [tilespmem:$0x1FE90]  }
0x1fc: {  	v18 =	vmovc v20;
	v20 =	vmovc v5;
	v45 =	vshll.u32 v59, v1;
	v55 =	vadd.s32 v27, v33;
	v39 =	vmul.f32 $8.000000000e+00, v63;
	v25 =	vld [tilespmem:$0x1FEC0]  }
0x1fd: {  	v0 =	vmovc v19;
	v40 =	vmul.f32 $8.000000000e+00, v40;
	v9 =	vld [tilespmem:$0x1FED0];
	v24 =	vmovc v22;
	v22 =	vmov v2;
	v2 =	vmov v10  }
0x1fe: {  	s0 =	simm.s32 $0x10;
	s12 =	simm.s32 $0xF;
	v13 =	vld [tilespmem:$0x1FF00];
	v10 =	vmovc v7;
	v7 =	vmovc v6;
	v6 =	vmov v8;
	v8 =	vmov v0;
	v19 =	vmov v2  }
.LBB2_19:
0x1ff: {  	_ = 	snop  }
0x200: {  	v0 =	vmov s12;
	v3 =	vld [tilespmem:s1+$0xFFFFFF40]  }
0x201: {  	v2 =	vadd.s32 v17, v37;
	v36 =	vadd.s32 v28, v36;
	v4 =	vld [tilespmem:$0x1FFB0];
	[tilespmem:v55+s23+$0x0] =	vst.idx.msk $0xffff, v39;
	v63 =	vmul.f32 $8.000000000e+00, v56  }
0x202: {  	v35 =	vadd.s32 v25, v35;
	v0 =	vshrl.u32 v0, $0x3;
	[tilespmem:v51+s23+$0x0] =	vst.idx.msk $0xffff, v40;
	v57 =	vld [tilespmem:s1+$0xFFFFFF80];
	v56 =	vmul.f32 $8.000000000e+00, v50  }
0x203: {  	v33 =	vadd.s32 v9, v33;
	v0 =	vshll.u32 v0, v1;
	v59 =	vld [tilespmem:s1+$0xFFFFFFC0];
	s1 =	sadd.s32 $0x200, s1;
	v58 =	vmul.f32 $8.000000000e+00, v52;
	[tilespmem:v53+s23+$0x0] =	vst.idx.msk $0xffff, v63  }
0x204: {  	v42 =	vshll.u32 v42, v1;
	v40 =	vbroadcast v0, $0x0;
	v0 =	vmul.f32 $8.000000000e+00, v49;
	[tilespmem:v48+s23+$0x0] =	vst.idx.msk $0xffff, v56;
	v53 =	vld [tilespmem:s1+$0xFFFFFFD0]  }
0x205: {  	v34 =	vadd.s32 v13, v34;
	v39 =	vmov v38;
	v61 =	vmul.f32 $8.000000000e+00, v54;
	[tilespmem:v41+s23+$0x0] =	vst.idx.msk $0xffff, v58;
	v38 =	vld [tilespmem:s1+$0xFFFFFE10]  }
0x206: {  	v41 =	vbroadcast v47, $0x0;
	v63 =	vadd.s32 v32, v40;
	[tilespmem:v2+s23+$0x0] =	vst.idx.msk $0xffff, v0;
	v0 =	vmul.f32 $8.000000000e+00, v3;
	v62 =	vld [tilespmem:s1+$0xFFFFFE50]  }
0x207: {  	v37 =	vbroadcast v44, $0x0;
	v2 =	vadd.s32 v6, v39;
	[tilespmem:v36+s23+$0x0] =	vst.idx.msk $0xffff, v61;
	v3 =	vld [tilespmem:s1+$0xFFFFFE90];
	v60 =	vmul.f32 $8.000000000e+00, v57  }
0x208: {  	v36 =	vbroadcast v45, $0x0;
	v61 =	vld [tilespmem:s1+$0xFFFFFED0];
	v48 =	vadd.s32 v10, v41;
	[tilespmem:v35+s23+$0x0] =	vst.idx.msk $0xffff, v0;
	v0 =	vmul.f32 $8.000000000e+00, v59  }
0x209: {  	v45 =	vadd.s32 v14, v37;
	v35 =	vbroadcast v46, $0x0;
	v51 =	vld [tilespmem:s1+$0xFFFFFF10];
	[tilespmem:v33+s23+$0x0] =	vst.idx.msk $0xffff, v60;
	v56 =	vmul.f32 $8.000000000e+00, v53  }
0x20a: {  	v44 =	vadd.s32 v18, v36;
	v33 =	vbroadcast v43, $0x0;
	v57 =	vld [tilespmem:s1+$0xFFFFFF50];
	[tilespmem:v34+s23+$0x0] =	vst.idx.msk $0xffff, v0;
	v38 =	vmul.f32 $8.000000000e+00, v38  }
0x20b: {  	v58 =	vadd.s32 v22, v35;
	v34 =	vbroadcast v42, $0x0;
	v59 =	vld [tilespmem:s1+$0xFFFFFF90];
	v0 =	vmul.f32 $8.000000000e+00, v62;
	[tilespmem:v63+s23+$0x0] =	vst.idx.msk $0xffff, v56  }
0x20c: {  	[tilespmem:v2+s23+$0x0] =	vst.idx.msk $0xffff, v38;
	v2 =	vmul.f32 $8.000000000e+00, v3;
	v3 =	vadd.s32 v26, v33;
	v63 =	vld [tilespmem:s1+$0xFFFFFFE0]  }
0x20d: {  	v47 =	vadd.s32 v30, v34;
	[tilespmem:v48+s23+$0x0] =	vst.idx.msk $0xffff, v0;
	v0 =	vmul.f32 $8.000000000e+00, v61;
	v60 =	vld [tilespmem:s1+$0xFFFFFE20]  }
0x20e: {  	v61 =	vld [tilespmem:s1+$0xFFFFFE60];
	[tilespmem:v45+s23+$0x0] =	vst.idx.msk $0xffff, v2;
	v2 =	vmul.f32 $8.000000000e+00, v51;
	v45 =	vadd.s32 v4, v40  }
0x20f: {  	v62 =	vmov s0;
	v53 =	vadd.s32 v7, v39;
	[tilespmem:v44+s23+$0x0] =	vst.idx.msk $0xffff, v0;
	v0 =	vmul.f32 $8.000000000e+00, v57  }
0x210: {  	v52 =	vadd.s32 v19, v41;
	v42 =	vshrl.u32 v62, $0x3;
	v62 =	vld [tilespmem:s1+$0xFFFFFEA0];
	[tilespmem:v58+s23+$0x0] =	vst.idx.msk $0xffff, v2;
	v2 =	vmul.f32 $8.000000000e+00, v59  }
0x211: {  	v55 =	vld [tilespmem:s1+$0xFFFFFEE0];
	[tilespmem:v3+s23+$0x0] =	vst.idx.msk $0xffff, v0;
	v0 =	vmul.f32 $8.000000000e+00, v63  }
0x212: {  	v49 =	vadd.s32 v15, v37;
	v56 =	vld [tilespmem:s1+$0xFFFFFF20];
	v63 =	vmul.f32 $8.000000000e+00, v60;
	[tilespmem:v47+s23+$0x0] =	vst.idx.msk $0xffff, v2  }
0x213: {  	v60 =	vadd.s32 v21, v36;
	v57 =	vld [tilespmem:s1+$0xFFFFFF60];
	v61 =	vmul.f32 $8.000000000e+00, v61;
	[tilespmem:v45+s23+$0x0] =	vst.idx.msk $0xffff, v0  }
0x214: {  	v50 =	vadd.s32 v23, v35;
	v58 =	vld [tilespmem:s1+$0xFFFFFFA0];
	[tilespmem:v53+s23+$0x0] =	vst.idx.msk $0xffff, v63  }
0x215: {  	s14 =	sadd.s32 $0x3, s0;
	v0 =	vshll.u32 v42, v1;
	v62 =	vmul.f32 $8.000000000e+00, v62;
	v42 =	vadd.s32 v11, v33;
	[tilespmem:v52+s23+$0x0] =	vst.idx.msk $0xffff, v61;
	v53 =	vld [tilespmem:s1+$0xFFFFFE30]  }
0x216: {  	v44 =	vmov s14;
	v63 =	vmul.f32 $8.000000000e+00, v55;
	v52 =	vadd.s32 v31, v34;
	v54 =	vld [tilespmem:s1+$0xFFFFFE70]  }
0x217: {  	v59 =	vshrl.u32 v44, $0x3;
	v44 =	vadd.s32 v8, v39;
	v45 =	vld [tilespmem:s1+$0xFFFFFFF0];
	[tilespmem:v49+s23+$0x0] =	vst.idx.msk $0xffff, v62;
	v38 =	vmul.f32 $8.000000000e+00, v56  }
0x218: {  	s14 =	sadd.s32 $0x6, s0;
	v55 =	vld [tilespmem:s1+$0xFFFFFEB0];
	[tilespmem:v60+s23+$0x0] =	vst.idx.msk $0xffff, v63;
	v46 =	vmul.f32 $8.000000000e+00, v57;
	v57 =	vadd.s32 v12, v41  }
0x219: {  	v2 =	vmov s14;
	v49 =	vadd.s32 v20, v40;
	v60 =	vld [tilespmem:s1+$0xFFFFFEF0];
	[tilespmem:v50+s23+$0x0] =	vst.idx.msk $0xffff, v38;
	v50 =	vmul.f32 $8.000000000e+00, v58  }
0x21a: {  	v58 =	vadd.s32 v16, v37;
	v61 =	vld [tilespmem:s1+$0xFFFFFF30];
	[tilespmem:v42+s23+$0x0] =	vst.idx.msk $0xffff, v46;
	v42 =	vshrl.u32 v2, $0x3;
	v2 =	vmul.f32 $8.000000000e+00, v53  }
0x21b: {  	v62 =	vadd.s32 v29, v36;
	v38 =	vbroadcast v0, $0x0;
	v63 =	vld [tilespmem:s1+$0xFFFFFF70];
	[tilespmem:v52+s23+$0x0] =	vst.idx.msk $0xffff, v50;
	v0 =	vmul.f32 $8.000000000e+00, v54  }
0x21c: {  	v45 =	vmul.f32 $8.000000000e+00, v45;
	v5 =	vld [tilespmem:s1+$0xFFFFFFB0];
	[tilespmem:v44+s23+$0x0] =	vst.idx.msk $0xffff, v2  }
0x21d: {  	s7 =	sadd.s32 $0x4, s0;
	v2 =	vmul.f32 $8.000000000e+00, v55;
	[tilespmem:v57+s23+$0x0] =	vst.idx.msk $0xffff, v0;
	v57 =	vld [tilespmem:$0x1FEF0]  }
0x21e: {  	s12 =	sadd.s32 $0x2, s0;
	v43 =	vmov s7;
	[tilespmem:v49+s23+$0x0] =	vst.idx.msk $0xffff, v45;
	v0 =	vmul.f32 $8.000000000e+00, v60;
	v60 =	vld [tilespmem:$0x1FFD0]  }
0x21f: {  	s6 =	sadd.s32 $0x1, s0;
	v43 =	vshrl.u32 v43, $0x3;
	v51 =	vmov s12;
	s12 =	sadd.s32 $0x5, s0;
	[tilespmem:v58+s23+$0x0] =	vst.idx.msk $0xffff, v2;
	v2 =	vmul.f32 $8.000000000e+00, v61;
	v61 =	vld [tilespmem:$0x1FE60]  }
0x220: {  	p2 =	slt.u32 s0, $0x78;
	v48 =	vmov s6;
	v4 =	vadd.s32 v24, v35;
	v3 =	vmov s12;
	[tilespmem:v62+s23+$0x0] =	vst.idx.msk $0xffff, v0;
	v0 =	vld [tilespmem:$0x1FFE0]  }
.Ltmp12:
0x221: {  	v48 =	vshrl.u32 v48, $0x3;
	v51 =	vshrl.u32 v51, $0x3;
	v3 =	vshrl.u32 v3, $0x3;
	v56 =	vld [tilespmem:s1+$0x0];
	(pc) =	sbr.rel @p2 .LBB2_19-.Ltmp12, $4  }
0x222: {  	v47 =	vshll.u32 v48, v1;
	v46 =	vshll.u32 v43, v1;
	v43 =	vshll.u32 v3, v1;
	v50 =	vld [tilespmem:s1+$0xFFFFFE40]  }
0x223: {  	v55 =	vadd.s32 v27, v33;
	v44 =	vshll.u32 v51, v1;
	v45 =	vshll.u32 v59, v1;
	v52 =	vld [tilespmem:s1+$0xFFFFFE80]  }
0x224: {  	v49 =	vld [tilespmem:s1+$0xFFFFFEC0];
	v51 =	vadd.s32 v57, v34;
	v53 =	vadd.s32 v60, v40;
	v40 =	vmul.f32 $8.000000000e+00, v5  }
0x225: {  	s12 =	sadd.s32 $0x7, s0;
	s0 =	sadd.s32 $0x8, s0;
	v54 =	vld [tilespmem:s1+$0xFFFFFF00];
	[tilespmem:v4+s23+$0x0] =	vst.idx.msk $0xffff, v2;
	v48 =	vadd.s32 v61, v39;
	v39 =	vmul.f32 $8.000000000e+00, v63;
	v41 =	vadd.s32 v0, v41  }
0x226: {  	_ =	sdelay $0x3  }
0x227: {  	v0 =	vmov s12;
	v2 =	vadd.s32 v17, v37;
	v3 =	vld [tilespmem:s1+$0xFFFFFF40];
	v4 =	vmul.f32 $8.000000000e+00, v56;
	[tilespmem:v55+s23+$0x0] =	vst.idx.msk $0xffff, v39  }
0x228: {  	v36 =	vadd.s32 v28, v36;
	[tilespmem:v51+s23+$0x0] =	vst.idx.msk $0xffff, v40;
	v0 =	vshrl.u32 v0, $0x3;
	v5 =	vmul.f32 $8.000000000e+00, v50;
	v63 =	vld [tilespmem:s1+$0xFFFFFF80]  }
0x229: {  	v35 =	vadd.s32 v25, v35;
	s0 =	sadd.s32 $0x200, s1;
	v40 =	vld [tilespmem:s1+$0xFFFFFFC0];
	v0 =	vshll.u32 v0, v1;
	v55 =	vmul.f32 $8.000000000e+00, v52;
	[tilespmem:v53+s23+$0x0] =	vst.idx.msk $0xffff, v4  }
0x22a: {  	v33 =	vadd.s32 v9, v33;
	v56 =	vld [tilespmem:s0+$0xFFFFFFD0];
	v0 =	vbroadcast v0, $0x0;
	[tilespmem:v48+s23+$0x0] =	vst.idx.msk $0xffff, v5;
	v57 =	vmul.f32 $8.000000000e+00, v49  }
0x22b: {  	v34 =	vadd.s32 v13, v34;
	v58 =	vld [tilespmem:s0+$0xFFFFFE10];
	[tilespmem:v41+s23+$0x0] =	vst.idx.msk $0xffff, v55;
	v59 =	vmul.f32 $8.000000000e+00, v54  }
0x22c: {  	v47 =	vbroadcast v47, $0x0;
	v60 =	vld [tilespmem:s0+$0xFFFFFE50];
	v61 =	vadd.s32 v32, v0;
	[tilespmem:v2+s23+$0x0] =	vst.idx.msk $0xffff, v57;
	v2 =	vmul.f32 $8.000000000e+00, v3  }
0x22d: {  	v44 =	vbroadcast v44, $0x0;
	v62 =	vld [tilespmem:s0+$0xFFFFFE90];
	v3 =	vadd.s32 v6, v38;
	[tilespmem:v36+s23+$0x0] =	vst.idx.msk $0xffff, v59;
	v63 =	vmul.f32 $8.000000000e+00, v63  }
0x22e: {  	v10 =	vadd.s32 v10, v47;
	[tilespmem:v35+s23+$0x0] =	vst.idx.msk $0xffff, v2;
	v2 =	vmul.f32 $8.000000000e+00, v40  }
0x22f: {  	v53 =	vadd.s32 v14, v44;
	v4 =	vmul.f32 $8.000000000e+00, v56;
	[tilespmem:v33+s23+$0x0] =	vst.idx.msk $0xffff, v63  }
0x230: {  	v55 =	vmul.f32 $8.000000000e+00, v58;
	[tilespmem:v34+s23+$0x0] =	vst.idx.msk $0xffff, v2  }
0x231: {  	v45 =	vbroadcast v45, $0x0;
	v52 =	vld [tilespmem:s0+$0xFFFFFED0];
	v2 =	vmul.f32 $8.000000000e+00, v60;
	[tilespmem:v61+s23+$0x0] =	vst.idx.msk $0xffff, v4  }
0x232: {  	v54 =	vld [tilespmem:s0+$0xFFFFFF10];
	[tilespmem:v3+s23+$0x0] =	vst.idx.msk $0xffff, v55;
	v3 =	vmul.f32 $8.000000000e+00, v62  }
0x233: {  	v46 =	vbroadcast v46, $0x0;
	v57 =	vld [tilespmem:s0+$0xFFFFFF50];
	v56 =	vadd.s32 v18, v45;
	[tilespmem:v10+s23+$0x0] =	vst.idx.msk $0xffff, v2  }
0x234: {  	v42 =	vshll.u32 v42, v1;
	v43 =	vbroadcast v43, $0x0;
	v59 =	vld [tilespmem:s0+$0xFFFFFF90];
	[tilespmem:v53+s23+$0x0] =	vst.idx.msk $0xffff, v3  }
0x235: {  	v42 =	vbroadcast v42, $0x0;
	v58 =	vadd.s32 v22, v46;
	v10 =	vld [tilespmem:$0x1FFB0]  }
0x236: {  	v60 =	vadd.s32 v26, v43;
	v33 =	vld [tilespmem:s0+$0xFFFFFE20];
	v2 =	vmul.f32 $8.000000000e+00, v52  }
0x237: {  	v62 =	vadd.s32 v30, v42;
	v63 =	vld [tilespmem:s0+$0xFFFFFE60]  }
0x238: {  	v22 =	vadd.s32 v7, v38;
	v61 =	vld [tilespmem:s0+$0xFFFFFFE0];
	v3 =	vmul.f32 $8.000000000e+00, v54;
	[tilespmem:v56+s23+$0x0] =	vst.idx.msk $0xffff, v2  }
0x239: {  	v53 =	vadd.s32 v19, v47;
	v2 =	vmul.f32 $8.000000000e+00, v57;
	v54 =	vld [tilespmem:s0+$0xFFFFFEE0]  }
0x23a: {  	v52 =	vld [tilespmem:s0+$0xFFFFFEA0];
	[tilespmem:v58+s23+$0x0] =	vst.idx.msk $0xffff, v3;
	v3 =	vmul.f32 $8.000000000e+00, v59;
	v14 =	vadd.s32 v10, v0  }
0x23b: {  	v58 =	vadd.s32 v21, v45;
	[tilespmem:v60+s23+$0x0] =	vst.idx.msk $0xffff, v2;
	v57 =	vmul.f32 $8.000000000e+00, v33  }
0x23c: {  	v55 =	vadd.s32 v15, v44;
	v59 =	vld [tilespmem:s0+$0xFFFFFF60];
	[tilespmem:v62+s23+$0x0] =	vst.idx.msk $0xffff, v3;
	v3 =	vmul.f32 $8.000000000e+00, v63  }
0x23d: {  	v56 =	vld [tilespmem:s0+$0xFFFFFF20];
	v2 =	vmul.f32 $8.000000000e+00, v61;
	[tilespmem:v22+s23+$0x0] =	vst.idx.msk $0xffff, v57  }
0x23e: {  	v62 =	vadd.s32 v11, v43;
	v40 =	vld [tilespmem:s0+$0xFFFFFE30];
	[tilespmem:v53+s23+$0x0] =	vst.idx.msk $0xffff, v3;
	v3 =	vmul.f32 $8.000000000e+00, v54  }
0x23f: {  	v60 =	vadd.s32 v23, v46;
	v61 =	vld [tilespmem:s0+$0xFFFFFFA0];
	[tilespmem:v14+s23+$0x0] =	vst.idx.msk $0xffff, v2;
	v2 =	vmul.f32 $8.000000000e+00, v52  }
0x240: {  	v22 =	vadd.s32 v8, v38;
	[tilespmem:v58+s23+$0x0] =	vst.idx.msk $0xffff, v3;
	v35 =	vld [tilespmem:s0+$0xFFFFFFF0]  }
0x241: {  	v63 =	vadd.s32 v31, v42;
	v10 =	vld [tilespmem:s0+$0xFFFFFE70];
	v3 =	vmul.f32 $8.000000000e+00, v59;
	[tilespmem:v55+s23+$0x0] =	vst.idx.msk $0xffff, v2  }
0x242: {  	v14 =	vadd.s32 v20, v0;
	v2 =	vmul.f32 $8.000000000e+00, v56;
	v23 =	vld [tilespmem:s0+$0xFFFFFEB0]  }
0x243: {  	v52 =	vadd.s32 v12, v47;
	[tilespmem:v62+s23+$0x0] =	vst.idx.msk $0xffff, v3;
	v56 =	vmul.f32 $8.000000000e+00, v40  }
0x244: {  	v54 =	vadd.s32 v16, v44;
	v53 =	vld [tilespmem:s0+$0xFFFFFEF0];
	[tilespmem:v60+s23+$0x0] =	vst.idx.msk $0xffff, v2;
	v2 =	vmul.f32 $8.000000000e+00, v61  }
0x245: {  	[tilespmem:v22+s23+$0x0] =	vst.idx.msk $0xffff, v56;
	v3 =	vmul.f32 $8.000000000e+00, v35  }
0x246: {  	v57 =	vadd.s32 v29, v45;
	v58 =	vld [tilespmem:s0+$0xFFFFFF70];
	[tilespmem:v63+s23+$0x0] =	vst.idx.msk $0xffff, v2;
	v2 =	vmul.f32 $8.000000000e+00, v10  }
0x247: {  	v55 =	vld [tilespmem:s0+$0xFFFFFF30];
	[tilespmem:v14+s23+$0x0] =	vst.idx.msk $0xffff, v3;
	v3 =	vmul.f32 $8.000000000e+00, v23  }
0x248: {  	v12 =	vld [tilespmem:s0+$0xFFFFFFB0];
	[tilespmem:v52+s23+$0x0] =	vst.idx.msk $0xffff, v2  }
0x249: {  	v2 =	vmul.f32 $8.000000000e+00, v53;
	v5 =	vld [tilespmem:$0x1FEF0];
	[tilespmem:v54+s23+$0x0] =	vst.idx.msk $0xffff, v3  }
0x24a: {  	v49 =	vld [tilespmem:$0x1FFD0]  }
0x24b: {  	v50 =	vld [tilespmem:$0x1FE60];
	[tilespmem:v57+s23+$0x0] =	vst.idx.msk $0xffff, v2  }
0x24c: {  	v59 =	vadd.s32 v24, v46;
	v63 =	vld [tilespmem:$0x1FFE0]  }
0x24d: {  	v22 =	vadd.s32 v27, v43;
	v34 =	vld [tilespmem:s0+$0x0]  }
0x24e: {  	v41 =	vld [tilespmem:s0+$0xFFFFFE40];
	v5 =	vadd.s32 v5, v42  }
0x24f: {  	v23 =	vld [tilespmem:s0+$0xFFFFFE80];
	v3 =	vmul.f32 $8.000000000e+00, v55;
	v0 =	vadd.s32 v49, v0  }
0x250: {  	v52 =	vld [tilespmem:s0+$0xFFFFFEC0];
	v2 =	vmul.f32 $8.000000000e+00, v58;
	v51 =	vadd.s32 v50, v38  }
0x251: {  	v54 =	vld [tilespmem:s0+$0xFFFFFF00];
	[tilespmem:v59+s23+$0x0] =	vst.idx.msk $0xffff, v3;
	v3 =	vmul.f32 $8.000000000e+00, v12;
	v53 =	vadd.s32 v63, v47  }
0x252: {  	v55 =	vadd.s32 v17, v44;
	v56 =	vld [tilespmem:s0+$0xFFFFFF40];
	[tilespmem:v22+s23+$0x0] =	vst.idx.msk $0xffff, v2;
	v2 =	vmul.f32 $8.000000000e+00, v34  }
0x253: {  	v57 =	vmul.f32 $8.000000000e+00, v41;
	v58 =	vadd.s32 v28, v45;
	v59 =	vld [tilespmem:s0+$0xFFFFFF80];
	[tilespmem:v5+s23+$0x0] =	vst.idx.msk $0xffff, v3  }
0x254: {  	v60 =	vadd.s32 v25, v46;
	v3 =	vmul.f32 $8.000000000e+00, v23;
	v61 =	vld [tilespmem:s0+$0xFFFFFFC0];
	[tilespmem:v0+s23+$0x0] =	vst.idx.msk $0xffff, v2  }
0x255: {  	[tilespmem:v51+s23+$0x0] =	vst.idx.msk $0xffff, v57;
	v0 =	vmul.f32 $8.000000000e+00, v52;
	v2 =	vadd.s32 v9, v43  }
0x256: {  	v62 =	vadd.s32 v13, v42;
	[tilespmem:v53+s23+$0x0] =	vst.idx.msk $0xffff, v3;
	v3 =	vmul.f32 $8.000000000e+00, v54  }
0x257: {  	s12 =	sadd.s32 $0x2, s31;
	[tilespmem:v55+s23+$0x0] =	vst.idx.msk $0xffff, v0;
	v0 =	vmul.f32 $8.000000000e+00, v56  }
0x258: {  	s14 =	sshll.u32 s12, $0x7;
	[tilespmem:v58+s23+$0x0] =	vst.idx.msk $0xffff, v3;
	v3 =	vmul.f32 $8.000000000e+00, v59  }
0x259: {  	s1 =	sand.u32 $0xF00, s14;
	s0 =	sshll.u32 s12, $0xA;
	[tilespmem:v60+s23+$0x0] =	vst.idx.msk $0xffff, v0;
	v0 =	vmul.f32 $8.000000000e+00, v61  }
0x25a: {  	s1 =	sadd.s32 s2, s1;
	s0 =	sand.u32 $0xFFF8000, s0;
	[tilespmem:v2+s23+$0x0] =	vst.idx.msk $0xffff, v3  }
0x25b: {  	s6 =	simm.s32 $0x12800;
	s1 =	sadd.s32 s0, s1;
	[tilespmem:v62+s23+$0x0] =	vst.idx.msk $0xffff, v0  }
0x25c: {  	[hbm4b:s1+s3] =	stream.linear.scatter [tilespmem:s6], [sflag:$0x8], $0x80, $0x38;
	[tilespmem:$0x16C00] =	vst v63  }
0x25d: {  	s7 =	simm.s32 $0x12888;
	s6 =	sadd.s32 $0x10, s1  }
0x25e: {  	[hbm4b:s6+s3] =	stream.linear.scatter [tilespmem:s7], [sflag:$0x8], $0x80, $0x38;
	[tilespmem:$0x16C00] =	vst v63  }
0x25f: {  	s12 =	simm.s32 $0x12910;
	s14 =	sadd.s32 $0x20, s1  }
0x260: {  	[hbm4b:s14+s3] =	stream.linear.scatter [tilespmem:s12], [sflag:$0x8], $0x80, $0x38;
	[tilespmem:$0x16C00] =	vst v63  }
0x261: {  	s6 =	simm.s32 $0x12998;
	s7 =	sadd.s32 $0x30, s1  }
0x262: {  	[hbm4b:s7+s3] =	stream.linear.scatter [tilespmem:s6], [sflag:$0x8], $0x80, $0x38;
	[tilespmem:$0x16C00] =	vst v63  }
0x263: {  	s12 =	simm.s32 $0x12A20;
	s14 =	sadd.s32 $0x40, s1  }
0x264: {  	[hbm4b:s14+s3] =	stream.linear.scatter [tilespmem:s12], [sflag:$0x8], $0x80, $0x38;
	[tilespmem:$0x16C00] =	vst v63  }
0x265: {  	s0 =	simm.s32 $0x440;
	s6 =	simm.s32 $0x12AA8;
	s7 =	sadd.s32 $0x50, s1  }
0x266: {  	[hbm4b:s7+s3] =	stream.linear.scatter [tilespmem:s6], [sflag:$0x8], $0x80, $0x38;
	[tilespmem:$0x16C00] =	vst v63  }
0x267: {  	s12 =	simm.s32 $0x12B30;
	s14 =	sadd.s32 $0x60, s1;
	s6 =	sadd.s32 $0x70, s1  }
0x268: {  	v14 =	vmov v27;
	[hbm4b:s14+s3] =	stream.linear.scatter [tilespmem:s12], [sflag:$0x8], $0x80, $0x38;
	[tilespmem:$0x16C00] =	vst v63  }
0x269: {  	v27 =	vmov v11;
	v17 =	vmov v21;
	v28 =	vmov v14;
	s1 =	sadd.s32 $0x1000, s1;
	s12 =	simm.s32 $0x2200;
	s14 =	simm.s32 $0x12BB8  }
.LBB2_21:
0x26a: {  	[hbm4b:s6+s3] =	stream.linear.scatter [tilespmem:s14], [sflag:$0x8], $0x80, $0x38;
	[tilespmem:$0x16C00] =	vst v63  }
0x26b: {  	s6 =	smov.u32 s0;
	s0 =	smov.u32 s12  }
0x26c: {  	s7 =	sadd.s32 $0x1100, s12;
	s0 =	sshra.s32 s0, $0x2;
	s14 =	sadd.s32 $0x12800, s6  }
0x26d: {  	[hbm4b:s1+s3] =	stream.linear.scatter [tilespmem:s14], [sflag:$0x8], $0x80, $0x38;
	[tilespmem:$0x16C00] =	vst v63  }
0x26e: {  	p2 =	sne.s32 s12, $0x7700;
	s12 =	sadd.s32 $0x12888, s6;
	s14 =	sadd.s32 $0x10, s1  }
0x26f: {  	[hbm4b:s14+s3] =	stream.linear.scatter [tilespmem:s12], [sflag:$0x8], $0x80, $0x38;
	[tilespmem:$0x16C00] =	vst v63  }
0x270: {  	s12 =	sadd.s32 $0x12910, s6;
	s14 =	sadd.s32 $0x20, s1  }
0x271: {  	[hbm4b:s14+s3] =	stream.linear.scatter [tilespmem:s12], [sflag:$0x8], $0x80, $0x38;
	[tilespmem:$0x16C00] =	vst v63  }
0x272: {  	s12 =	sadd.s32 $0x12998, s6;
	s14 =	sadd.s32 $0x30, s1  }
0x273: {  	[hbm4b:s14+s3] =	stream.linear.scatter [tilespmem:s12], [sflag:$0x8], $0x80, $0x38;
	[tilespmem:$0x16C00] =	vst v63  }
0x274: {  	s12 =	sadd.s32 $0x12A20, s6;
	s14 =	sadd.s32 $0x40, s1  }
0x275: {  	[hbm4b:s14+s3] =	stream.linear.scatter [tilespmem:s12], [sflag:$0x8], $0x80, $0x38;
	[tilespmem:$0x16C00] =	vst v63  }
0x276: {  	s12 =	sadd.s32 $0x12AA8, s6;
	s14 =	sadd.s32 $0x50, s1  }
0x277: {  	[hbm4b:s14+s3] =	stream.linear.scatter [tilespmem:s12], [sflag:$0x8], $0x80, $0x38;
	[tilespmem:$0x16C00] =	vst v63  }
.Ltmp13:
0x278: {  	_ = 	snop;
	(pc) =	sbr.rel @p2 .LBB2_21-.Ltmp13, $4  }
0x279: {  	s12 =	sadd.s32 $0x12B30, s6;
	s14 =	sadd.s32 $0x60, s1  }
0x27a: {  	[hbm4b:s14+s3] =	stream.linear.scatter [tilespmem:s12], [sflag:$0x8], $0x80, $0x38;
	[tilespmem:$0x16C00] =	vst v63  }
0x27b: {  	s14 =	sadd.s32 $0x12BB8, s6  }
0x27c: {  	s6 =	sadd.s32 $0x70, s1;
	s1 =	sadd.s32 $0x1000, s1;
	s12 =	smov.u32 s7  }
0x27d: {  	[hbm4b:s6+s3] =	stream.linear.scatter [tilespmem:s14], [sflag:$0x8], $0x80, $0x38;
	[tilespmem:$0x16C00] =	vst v63  }
0x27e: {  	s12 =	sadd.s32 $0x12800, s0  }
0x27f: {  	[hbm4b:s1+s3] =	stream.linear.scatter [tilespmem:s12], [sflag:$0x8], $0x80, $0x38;
	[tilespmem:$0x16C00] =	vst v63  }
0x280: {  	s14 =	sadd.s32 $0x12888, s0;
	s7 =	sadd.s32 $0x10, s1  }
0x281: {  	[hbm4b:s7+s3] =	stream.linear.scatter [tilespmem:s14], [sflag:$0x8], $0x80, $0x38;
	[tilespmem:$0x16C00] =	vst v63  }
0x282: {  	s12 =	sadd.s32 $0x12910, s0;
	s14 =	sadd.s32 $0x20, s1  }
0x283: {  	[hbm4b:s14+s3] =	stream.linear.scatter [tilespmem:s12], [sflag:$0x8], $0x80, $0x38;
	[tilespmem:$0x16C00] =	vst v63  }
0x284: {  	s12 =	sadd.s32 $0x12998, s0;
	s14 =	sadd.s32 $0x30, s1  }
0x285: {  	[hbm4b:s14+s3] =	stream.linear.scatter [tilespmem:s12], [sflag:$0x8], $0x80, $0x38;
	[tilespmem:$0x16C00] =	vst v63  }
0x286: {  	s12 =	sadd.s32 $0x12A20, s0;
	s14 =	sadd.s32 $0x40, s1  }
0x287: {  	[hbm4b:s14+s3] =	stream.linear.scatter [tilespmem:s12], [sflag:$0x8], $0x80, $0x38;
	[tilespmem:$0x16C00] =	vst v63  }
0x288: {  	s12 =	sadd.s32 $0x12AA8, s0;
	s14 =	sadd.s32 $0x50, s1  }
0x289: {  	[hbm4b:s14+s3] =	stream.linear.scatter [tilespmem:s12], [sflag:$0x8], $0x80, $0x38;
	[tilespmem:$0x16C00] =	vst v63  }
.Ltmp14:
0x28a: {  	_ = 	snop;
	(pc) =	sbr.rel @p1 .LBB2_24-.Ltmp14, $4  }
0x28b: {  	s12 =	sadd.s32 $0x12B30, s0;
	s14 =	sadd.s32 $0x60, s1  }
0x28c: {  	[hbm4b:s14+s3] =	stream.linear.scatter [tilespmem:s12], [sflag:$0x8], $0x80, $0x38;
	[tilespmem:$0x16C00] =	vst v63  }
0x28d: {  	s12 =	sadd.s32 $0x12BB8, s0;
	s14 =	sadd.s32 $0x70, s1  }
0x28e: {  	v21 =	vmov v28;
	[hbm4b:s14+s3] =	stream.linear.scatter [tilespmem:s12], [sflag:$0x8], $0x80, $0x38;
	[tilespmem:$0x16C00] =	vst v63  }
0x28f: {  	_ =	swait.ge [sflag:s24], $0x2000  }
.Ltmp15:
0x290: {  	v10 =	vld [tilespmem:$0x1FF20];
	(pc) =	sbr.rel .LBB2_25-.Ltmp15, $4  }
0x291: {  	v12 =	vld [tilespmem:$0x1FF30]  }
0x292: {  	v18 =	vld [tilespmem:$0x1FF60]  }
0x293: {  	[sflag:s24] =	ssyncset.done $0x0;
	v26 =	vld [tilespmem:$0x1FF80]  }
0x294: {  	v13 =	vld [tilespmem:$0x1FFA0];
	[sflag:s24] =	ssyncadd.s32 $0xFFFFE000  }
.LBB2_24:
0x295: {  	s0 =	sshll.u32 s30, $0x9  }
0x296: {  	s0 =	sand.u32 $0x3FFFFE00, s0  }
0x297: {  	s0 =	sadd.s32 $0x300, s0  }
0x298: {  	[tilespmem:s13], [sflag:$0x4] =	stream.indirect.gather [hbm4b:s4+s9], $0x40, s0, s9, $0xb8;
	[tilespmem:$0x16C00] =	vst v63  }
0x299: {  	_ =	swait.ge [sflag:s24], $0x2000  }
.Ltmp16:
0x29a: {  	v10 =	vld [tilespmem:$0x1FF20];
	(pc) =	sbr.rel @p0 .LBB2_26-.Ltmp16, $4  }
0x29b: {  	v12 =	vld [tilespmem:$0x1FF30]  }
0x29c: {  	v18 =	vld [tilespmem:$0x1FF60]  }
0x29d: {  	[sflag:s24] =	ssyncset.done $0x0;
	v26 =	vld [tilespmem:$0x1FF80]  }
0x29e: {  	v13 =	vld [tilespmem:$0x1FFA0];
	[sflag:s24] =	ssyncadd.s32 $0xFFFFE000  }
.LBB2_25:
0x29f: {  	_ =	swait.ge [sflag:s25], $0x2000  }
0x2a0: {  	[sflag:s25] =	ssyncset.done $0x0  }
0x2a1: {  	[sflag:s25] =	ssyncadd.s32 $0xFFFFE000  }
.LBB2_26:
0x2a2: {  	s0 =	simm.s32 $0x0;
	s14 =	simm.s32 $0x1  }
0x2a3: {  	s1 =	simm.s32 $0x2;
	s6 =	simm.s32 $0x3;
	s7 =	simm.s32 $0x4;
	v0 =	vmov s0;
	v2 =	vmov s14  }
0x2a4: {  	v6 =	vld [tilespmem:$0x1FF10];
	v3 =	vmov s1;
	v4 =	vmov s6;
	v5 =	vmov s7;
	s6 =	simm.s32 $0x7  }
0x2a5: {  	s1 =	simm.s32 $0xC5F0;
	v0 =	vshrl.u32 v0, $0x3;
	v2 =	vshrl.u32 v2, $0x3;
	v35 =	vmov s6  }
0x2a6: {  	v3 =	vshrl.u32 v3, $0x3;
	v4 =	vshrl.u32 v4, $0x3;
	v38 =	vld [tilespmem:s1+$0xFFFFFE10];
	v0 =	vshll.u32 v0, v1  }
0x2a7: {  	v42 =	vld [tilespmem:s1+$0xFFFFFE50];
	v35 =	vshrl.u32 v35, $0x3;
	v2 =	vshll.u32 v2, v1;
	v39 =	vbroadcast v0, $0x0  }
0x2a8: {  	v4 =	vshll.u32 v4, v1;
	v35 =	vshll.u32 v35, v1;
	v0 =	vld [tilespmem:s1+$0xFFFFFFD0];
	v40 =	vbroadcast v2, $0x0  }
0x2a9: {  	v36 =	vbroadcast v4, $0x0;
	v4 =	vld [tilespmem:$0x1FF40];
	v41 =	vbroadcast v35, $0x0;
	v43 =	vadd.s32 v6, v39  }
0x2aa: {  	v5 =	vshrl.u32 v5, $0x3;
	v3 =	vshll.u32 v3, v1;
	v45 =	vadd.s32 v10, v40  }
0x2ab: {  	v44 =	vld [tilespmem:s1+$0xFFFFFE90];
	v5 =	vshll.u32 v5, v1;
	v37 =	vbroadcast v3, $0x0;
	v2 =	vadd.s32 v13, v41  }
0x2ac: {  	v35 =	vbroadcast v5, $0x0;
	v6 =	vld [tilespmem:$0x1FF70];
	v5 =	vmul.f32 $8.000000000e+00, v38  }
0x2ad: {  	v42 =	vmul.f32 $8.000000000e+00, v42  }
0x2ae: {  	v4 =	vadd.s32 v4, v37;
	v0 =	vmul.f32 $8.000000000e+00, v0;
	[tilespmem:v43+s26+$0x0] =	vst.idx.msk $0xffff, v5  }
0x2af: {  	s12 =	simm.s32 $0x5;
	s14 =	simm.s32 $0x6;
	v46 =	vld [tilespmem:s1+$0xFFFFFED0];
	[tilespmem:v45+s26+$0x0] =	vst.idx.msk $0xffff, v42  }
0x2b0: {  	v33 =	vmov s12;
	v34 =	vmov s14;
	v47 =	vld [tilespmem:s1+$0xFFFFFF10];
	[tilespmem:v2+s26+$0x0] =	vst.idx.msk $0xffff, v0  }
0x2b1: {  	v33 =	vshrl.u32 v33, $0x3;
	v49 =	vadd.s32 v6, v35;
	v2 =	vmul.f32 $8.000000000e+00, v44;
	v6 =	vld [tilespmem:$0x1FF90]  }
0x2b2: {  	v48 =	vld [tilespmem:s1+$0xFFFFFF50];
	v34 =	vshrl.u32 v34, $0x3;
	v33 =	vshll.u32 v33, v1  }
0x2b3: {  	v50 =	vld [tilespmem:s1+$0xFFFFFF90];
	v3 =	vshll.u32 v34, v1;
	v33 =	vbroadcast v33, $0x0;
	v56 =	vadd.s32 v18, v36;
	[tilespmem:v4+s26+$0x0] =	vst.idx.msk $0xffff, v2  }
0x2b4: {  	v34 =	vbroadcast v3, $0x0;
	v4 =	vld [tilespmem:$0x1FFB0]  }
0x2b5: {  	v3 =	vadd.s32 v26, v33;
	v7 =	vld [tilespmem:$0x1FE40]  }
0x2b6: {  	v57 =	vmul.f32 $8.000000000e+00, v46;
	v58 =	vadd.s32 v6, v34  }
0x2b7: {  	v59 =	vld [tilespmem:s1+$0xFFFFFE60];
	v2 =	vmul.f32 $8.000000000e+00, v47  }
0x2b8: {  	v60 =	vmul.f32 $8.000000000e+00, v48;
	v5 =	vld [tilespmem:s1+$0xFFFFFFE0];
	[tilespmem:v56+s26+$0x0] =	vst.idx.msk $0xffff, v57  }
0x2b9: {  	v48 =	vadd.s32 v19, v40;
	v43 =	vld [tilespmem:s1+$0xFFFFFE20];
	[tilespmem:v49+s26+$0x0] =	vst.idx.msk $0xffff, v2;
	v2 =	vmul.f32 $8.000000000e+00, v50  }
0x2ba: {  	v4 =	vadd.s32 v4, v41;
	v31 =	vmov v7;
	v51 =	vadd.s32 v7, v39;
	v7 =	vld [tilespmem:$0x1FE70];
	[tilespmem:v3+s26+$0x0] =	vst.idx.msk $0xffff, v60  }
0x2bb: {  	[tilespmem:v58+s26+$0x0] =	vst.idx.msk $0xffff, v2  }
0x2bc: {  	v32 =	vmul.f32 $8.000000000e+00, v59;
	v8 =	vld [tilespmem:$0x1FEA0]  }
0x2bd: {  	v52 =	vld [tilespmem:s1+$0xFFFFFEA0];
	v3 =	vmul.f32 $8.000000000e+00, v5  }
0x2be: {  	v53 =	vld [tilespmem:s1+$0xFFFFFEE0];
	v61 =	vmul.f32 $8.000000000e+00, v43;
	[tilespmem:v48+s26+$0x0] =	vst.idx.msk $0xffff, v32  }
0x2bf: {  	v54 =	vld [tilespmem:s1+$0xFFFFFF20];
	v50 =	vadd.s32 v7, v37;
	[tilespmem:v4+s26+$0x0] =	vst.idx.msk $0xffff, v3  }
0x2c0: {  	v55 =	vld [tilespmem:s1+$0xFFFFFF60];
	[tilespmem:v51+s26+$0x0] =	vst.idx.msk $0xffff, v61  }
0x2c1: {  	s14 =	simm.s32 $0xA;
	v62 =	vadd.s32 v17, v36;
	v20 =	vmovc v7;
	v7 =	vmov v8;
	v46 =	vadd.s32 v8, v35;
	v8 =	vld [tilespmem:$0x1FEE0]  }
0x2c2: {  	v47 =	vmov s14;
	v56 =	vld [tilespmem:s1+$0xFFFFFFA0];
	v3 =	vmul.f32 $8.000000000e+00, v52  }
0x2c3: {  	v52 =	vshrl.u32 v47, $0x3;
	v47 =	vld [tilespmem:s1+$0xFFFFFE70]  }
0x2c4: {  	v61 =	vmul.f32 $8.000000000e+00, v53;
	v60 =	vld [tilespmem:s1+$0xFFFFFFF0];
	[tilespmem:v50+s26+$0x0] =	vst.idx.msk $0xffff, v3  }
0x2c5: {  	v4 =	vadd.s32 v27, v33;
	v3 =	vmul.f32 $8.000000000e+00, v54;
	v23 =	vld [tilespmem:$0x1FFC0]  }
0x2c6: {  	v14 =	vld [tilespmem:$0x1FE50];
	[tilespmem:v62+s26+$0x0] =	vst.idx.msk $0xffff, v61;
	v48 =	vadd.s32 v8, v34  }
0x2c7: {  	v51 =	vld [tilespmem:s1+$0xFFFFFE30];
	[tilespmem:v46+s26+$0x0] =	vst.idx.msk $0xffff, v3  }
0x2c8: {  	s7 =	simm.s32 $0x8;
	v62 =	vmul.f32 $8.000000000e+00, v55;
	v16 =	vld [tilespmem:$0x1FF50]  }
0x2c9: {  	v0 =	vmov s7;
	v32 =	vadd.s32 v12, v40;
	v57 =	vld [tilespmem:s1+$0xFFFFFEB0];
	v3 =	vmul.f32 $8.000000000e+00, v56  }
0x2ca: {  	v0 =	vshrl.u32 v0, $0x3;
	v58 =	vld [tilespmem:s1+$0xFFFFFEF0];
	[tilespmem:v4+s26+$0x0] =	vst.idx.msk $0xffff, v62;
	v50 =	vadd.s32 v23, v41  }
0x2cb: {  	s6 =	simm.s32 $0xB;
	v0 =	vshll.u32 v0, v1;
	v59 =	vld [tilespmem:s1+$0xFFFFFF30];
	v54 =	vadd.s32 v14, v39;
	[tilespmem:v48+s26+$0x0] =	vst.idx.msk $0xffff, v3  }
0x2cc: {  	v42 =	vmov s6;
	s14 =	simm.s32 $0xE;
	v38 =	vbroadcast v0, $0x0;
	v0 =	vmul.f32 $8.000000000e+00, v47;
	v3 =	vld [tilespmem:$0x1FEB0]  }
0x2cd: {  	v2 =	vmov s14;
	v4 =	vmul.f32 $8.000000000e+00, v60;
	v61 =	vld [tilespmem:s1+$0xFFFFFF70];
	v46 =	vadd.s32 v16, v37  }
0x2ce: {  	v53 =	vshrl.u32 v42, $0x3;
	v42 =	vshrl.u32 v2, $0x3;
	v2 =	vmul.f32 $8.000000000e+00, v51;
	v62 =	vld [tilespmem:s1+$0xFFFFFFB0];
	[tilespmem:v32+s26+$0x0] =	vst.idx.msk $0xffff, v0  }
0x2cf: {  	v44 =	vshll.u32 v52, v1;
	[tilespmem:v50+s26+$0x0] =	vst.idx.msk $0xffff, v4;
	v52 =	vld [tilespmem:s1+$0xFFFFFE80]  }
0x2d0: {  	v60 =	vadd.s32 v29, v36;
	[tilespmem:v54+s26+$0x0] =	vst.idx.msk $0xffff, v2;
	v2 =	vmul.f32 $8.000000000e+00, v57;
	v56 =	vld [tilespmem:s1+$0x0]  }
0x2d1: {  	v50 =	vld [tilespmem:s1+$0xFFFFFE40];
	v28 =	vmov v3;
	v3 =	vadd.s32 v3, v35  }
0x2d2: {  	v4 =	vld [tilespmem:$0x1FEF0];
	[tilespmem:v46+s26+$0x0] =	vst.idx.msk $0xffff, v2  }
0x2d3: {  	v24 =	vmov v17;
	s7 =	simm.s32 $0xC;
	v0 =	vmul.f32 $8.000000000e+00, v58;
	v17 =	vld [tilespmem:$0x1FFD0]  }
0x2d4: {  	v49 =	vmov s7;
	v2 =	vmul.f32 $8.000000000e+00, v59;
	v9 =	vld [tilespmem:$0x1FE60]  }
0x2d5: {  	s12 =	simm.s32 $0x9;
	v43 =	vshrl.u32 v49, $0x3;
	v49 =	vld [tilespmem:s1+$0xFFFFFEC0];
	[tilespmem:v60+s26+$0x0] =	vst.idx.msk $0xffff, v0  }
0x2d6: {  	v45 =	vmov s12;
	s12 =	simm.s32 $0xD;
	v54 =	vld [tilespmem:s1+$0xFFFFFF00];
	[tilespmem:v3+s26+$0x0] =	vst.idx.msk $0xffff, v2  }
0x2d7: {  	v15 =	vmov v19;
	v45 =	vshrl.u32 v45, $0x3;
	v5 =	vmov s12;
	v19 =	vld [tilespmem:$0x1FE80]  }
0x2d8: {  	v22 =	vmovc v29;
	v6 =	vmovc v21;
	v5 =	vshrl.u32 v5, $0x3;
	v47 =	vshll.u32 v45, v1;
	v55 =	vadd.s32 v21, v33;
	v21 =	vld [tilespmem:$0x1FE90]  }
0x2d9: {  	v45 =	vshll.u32 v53, v1;
	v11 =	vmovc v8;
	v46 =	vshll.u32 v43, v1;
	v51 =	vadd.s32 v4, v34;
	v25 =	vld [tilespmem:$0x1FEC0]  }
0x2da: {  	v8 =	vmovc v14;
	v43 =	vshll.u32 v5, v1;
	v53 =	vadd.s32 v17, v41;
	v48 =	vadd.s32 v9, v39;
	v29 =	vld [tilespmem:$0x1FED0]  }
0x2db: {  	s0 =	simm.s32 $0x10;
	s12 =	simm.s32 $0xF;
	v14 =	vmovc v63;
	v32 =	vmovc v4;
	v39 =	vmul.f32 $8.000000000e+00, v61;
	v41 =	vadd.s32 v63, v40;
	v40 =	vmul.f32 $8.000000000e+00, v62;
	v30 =	vld [tilespmem:$0x1FF00]  }
.LBB2_27:
0x2dc: {  	v0 =	vmov s12  }
0x2dd: {  	v2 =	vadd.s32 v19, v37;
	v0 =	vshrl.u32 v0, $0x3  }
0x2de: {  	v3 =	vld [tilespmem:s1+$0xFFFFFF40];
	v36 =	vadd.s32 v21, v36;
	[tilespmem:v51+s26+$0x0] =	vst.idx.msk $0xffff, v40;
	v0 =	vshll.u32 v0, v1  }
0x2df: {  	[tilespmem:v55+s26+$0x0] =	vst.idx.msk $0xffff, v39;
	v58 =	vld [tilespmem:s1+$0xFFFFFFC0];
	v40 =	vbroadcast v0, $0x0;
	v57 =	vmul.f32 $8.000000000e+00, v52  }
0x2e0: {  	v4 =	vmul.f32 $8.000000000e+00, v56;
	v56 =	vld [tilespmem:s1+$0xFFFFFF80];
	v0 =	vmul.f32 $8.000000000e+00, v49  }
0x2e1: {  	v60 =	vmul.f32 $8.000000000e+00, v54;
	v54 =	vld [tilespmem:$0x1FF40];
	[tilespmem:v41+s26+$0x0] =	vst.idx.msk $0xffff, v57  }
0x2e2: {  	v35 =	vadd.s32 v25, v35;
	v5 =	vmul.f32 $8.000000000e+00, v50;
	[tilespmem:v2+s26+$0x0] =	vst.idx.msk $0xffff, v0;
	v2 =	vld [tilespmem:$0x1FF10]  }
0x2e3: {  	s1 =	sadd.s32 $0x200, s1;
	[tilespmem:v36+s26+$0x0] =	vst.idx.msk $0xffff, v60;
	v60 =	vld [tilespmem:$0x1FF90]  }
0x2e4: {  	v34 =	vadd.s32 v30, v34;
	[tilespmem:v48+s26+$0x0] =	vst.idx.msk $0xffff, v5;
	v41 =	vbroadcast v47, $0x0;
	v61 =	vld [tilespmem:s1+$0xFFFFFE50]  }
0x2e5: {  	[tilespmem:v53+s26+$0x0] =	vst.idx.msk $0xffff, v4;
	v5 =	vadd.s32 v29, v33;
	v0 =	vmul.f32 $8.000000000e+00, v3;
	v59 =	vld [tilespmem:s1+$0xFFFFFE10]  }
0x2e6: {  	v39 =	vmov v38;
	v4 =	vld [tilespmem:s1+$0xFFFFFFD0];
	v53 =	vadd.s32 v10, v41  }
0x2e7: {  	v37 =	vbroadcast v44, $0x0;
	v3 =	vld [tilespmem:s1+$0xFFFFFE90];
	[tilespmem:v35+s26+$0x0] =	vst.idx.msk $0xffff, v0;
	v0 =	vmul.f32 $8.000000000e+00, v58;
	v2 =	vadd.s32 v2, v39  }
0x2e8: {  	v52 =	vadd.s32 v13, v40;
	v38 =	vmul.f32 $8.000000000e+00, v56;
	v62 =	vld [tilespmem:s1+$0xFFFFFF10]  }
0x2e9: {  	v55 =	vadd.s32 v54, v37;
	v56 =	vld [tilespmem:$0x1FF70];
	[tilespmem:v34+s26+$0x0] =	vst.idx.msk $0xffff, v0;
	v0 =	vmul.f32 $8.000000000e+00, v61  }
0x2ea: {  	v36 =	vbroadcast v45, $0x0;
	v48 =	vld [tilespmem:s1+$0xFFFFFED0];
	[tilespmem:v5+s26+$0x0] =	vst.idx.msk $0xffff, v38;
	v5 =	vmul.f32 $8.000000000e+00, v59  }
0x2eb: {  	v58 =	vld [tilespmem:s1+$0xFFFFFF90];
	v4 =	vmul.f32 $8.000000000e+00, v4;
	[tilespmem:v53+s26+$0x0] =	vst.idx.msk $0xffff, v0  }
0x2ec: {  	v35 =	vbroadcast v46, $0x0;
	v38 =	vadd.s32 v18, v36;
	v63 =	vld [tilespmem:s1+$0xFFFFFF50];
	[tilespmem:v2+s26+$0x0] =	vst.idx.msk $0xffff, v5;
	v2 =	vmul.f32 $8.000000000e+00, v3  }
0x2ed: {  	v42 =	vshll.u32 v42, v1;
	v33 =	vbroadcast v43, $0x0;
	[tilespmem:v52+s26+$0x0] =	vst.idx.msk $0xffff, v4;
	v61 =	vld [tilespmem:s1+$0xFFFFFE60]  }
0x2ee: {  	v34 =	vbroadcast v42, $0x0;
	v57 =	vadd.s32 v56, v35;
	[tilespmem:v55+s26+$0x0] =	vst.idx.msk $0xffff, v2;
	v2 =	vmul.f32 $8.000000000e+00, v62;
	v62 =	vld [tilespmem:$0x1FFB0]  }
0x2ef: {  	v0 =	vmul.f32 $8.000000000e+00, v48;
	v3 =	vadd.s32 v26, v33;
	v5 =	vld [tilespmem:s1+$0xFFFFFFE0]  }
0x2f0: {  	v44 =	vadd.s32 v60, v34;
	v59 =	vld [tilespmem:s1+$0xFFFFFE20]  }
0x2f1: {  	v46 =	vadd.s32 v15, v41;
	[tilespmem:v38+s26+$0x0] =	vst.idx.msk $0xffff, v0  }
0x2f2: {  	v51 =	vadd.s32 v31, v39;
	v0 =	vmul.f32 $8.000000000e+00, v63;
	v63 =	vld [tilespmem:s1+$0xFFFFFEE0]  }
0x2f3: {  	s12 =	sadd.s32 $0x2, s0;
	v52 =	vld [tilespmem:s1+$0xFFFFFEA0];
	[tilespmem:v57+s26+$0x0] =	vst.idx.msk $0xffff, v2;
	v2 =	vmul.f32 $8.000000000e+00, v58;
	v45 =	vadd.s32 v62, v40  }
0x2f4: {  	v50 =	vmov s12;
	v42 =	vadd.s32 v24, v36;
	v60 =	vmul.f32 $8.000000000e+00, v61;
	[tilespmem:v3+s26+$0x0] =	vst.idx.msk $0xffff, v0  }
0x2f5: {  	v49 =	vadd.s32 v20, v37;
	v54 =	vld [tilespmem:s1+$0xFFFFFF20];
	v0 =	vmul.f32 $8.000000000e+00, v5;
	v5 =	vmul.f32 $8.000000000e+00, v59;
	[tilespmem:v44+s26+$0x0] =	vst.idx.msk $0xffff, v2  }
0x2f6: {  	v50 =	vshrl.u32 v50, $0x3;
	v4 =	vmov s0;
	v55 =	vld [tilespmem:s1+$0xFFFFFF60];
	[tilespmem:v46+s26+$0x0] =	vst.idx.msk $0xffff, v60  }
0x2f7: {  	v4 =	vshrl.u32 v4, $0x3;
	v61 =	vadd.s32 v7, v35;
	v63 =	vmul.f32 $8.000000000e+00, v63;
	v62 =	vld [tilespmem:s1+$0xFFFFFFA0];
	[tilespmem:v51+s26+$0x0] =	vst.idx.msk $0xffff, v5  }
0x2f8: {  	s6 =	sadd.s32 $0x1, s0;
	s7 =	sadd.s32 $0x4, s0;
	v5 =	vadd.s32 v27, v33;
	v51 =	vld [tilespmem:s1+$0xFFFFFE30];
	[tilespmem:v45+s26+$0x0] =	vst.idx.msk $0xffff, v0;
	v0 =	vshll.u32 v4, v1;
	v4 =	vmul.f32 $8.000000000e+00, v52  }
0x2f9: {  	v47 =	vmov s6;
	v43 =	vmov s7;
	v46 =	vadd.s32 v11, v34;
	[tilespmem:v42+s26+$0x0] =	vst.idx.msk $0xffff, v63;
	v52 =	vld [tilespmem:s1+$0xFFFFFE70]  }
0x2fa: {  	s14 =	sadd.s32 $0x3, s0;
	v48 =	vadd.s32 v16, v37;
	v45 =	vld [tilespmem:s1+$0xFFFFFFF0];
	[tilespmem:v49+s26+$0x0] =	vst.idx.msk $0xffff, v4;
	v4 =	vmul.f32 $8.000000000e+00, v54;
	v54 =	vadd.s32 v8, v39  }
0x2fb: {  	v38 =	vmov s14;
	s14 =	sadd.s32 $0x6, s0;
	v58 =	vadd.s32 v12, v41;
	v59 =	vld [tilespmem:s1+$0xFFFFFEF0];
	v55 =	vmul.f32 $8.000000000e+00, v55  }
0x2fc: {  	v2 =	vmov s14;
	v49 =	vadd.s32 v23, v40;
	v57 =	vld [tilespmem:s1+$0xFFFFFEB0];
	[tilespmem:v61+s26+$0x0] =	vst.idx.msk $0xffff, v4;
	v4 =	vmul.f32 $8.000000000e+00, v62  }
0x2fd: {  	v42 =	vshrl.u32 v2, $0x3;
	[tilespmem:v5+s26+$0x0] =	vst.idx.msk $0xffff, v55;
	v2 =	vmul.f32 $8.000000000e+00, v51;
	v61 =	vadd.s32 v22, v36  }
0x2fe: {  	v53 =	vshrl.u32 v38, $0x3;
	v38 =	vbroadcast v0, $0x0;
	v60 =	vld [tilespmem:s1+$0xFFFFFF30];
	v0 =	vmul.f32 $8.000000000e+00, v52;
	[tilespmem:v46+s26+$0x0] =	vst.idx.msk $0xffff, v4  }
0x2ff: {  	v47 =	vshrl.u32 v47, $0x3;
	v43 =	vshrl.u32 v43, $0x3;
	v62 =	vld [tilespmem:s1+$0xFFFFFF70];
	v5 =	vmul.f32 $8.000000000e+00, v45;
	[tilespmem:v54+s26+$0x0] =	vst.idx.msk $0xffff, v2  }
0x300: {  	p0 =	slt.u32 s0, $0x78;
	s12 =	sadd.s32 $0x5, s0;
	v47 =	vshll.u32 v47, v1;
	v4 =	vadd.s32 v28, v35;
	v63 =	vld [tilespmem:s1+$0xFFFFFFB0];
	[tilespmem:v58+s26+$0x0] =	vst.idx.msk $0xffff, v0;
	v0 =	vmul.f32 $8.000000000e+00, v59  }
.Ltmp17:
0x301: {  	v3 =	vmov s12;
	v44 =	vshll.u32 v50, v1;
	[tilespmem:v49+s26+$0x0] =	vst.idx.msk $0xffff, v5;
	v2 =	vmul.f32 $8.000000000e+00, v57;
	v50 =	vld [tilespmem:s1+$0xFFFFFE40];
	(pc) =	sbr.rel @p0 .LBB2_27-.Ltmp17, $4  }
0x302: {  	v41 =	vadd.s32 v14, v41;
	v3 =	vshrl.u32 v3, $0x3;
	v55 =	vadd.s32 v6, v33;
	v52 =	vld [tilespmem:s1+$0xFFFFFE80];
	[tilespmem:v61+s26+$0x0] =	vst.idx.msk $0xffff, v0  }
0x303: {  	v51 =	vadd.s32 v32, v34;
	v45 =	vshll.u32 v53, v1;
	v56 =	vld [tilespmem:s1+$0x0];
	[tilespmem:v48+s26+$0x0] =	vst.idx.msk $0xffff, v2;
	v2 =	vmul.f32 $8.000000000e+00, v60  }
0x304: {  	v53 =	vadd.s32 v17, v40;
	v46 =	vshll.u32 v43, v1;
	v43 =	vshll.u32 v3, v1;
	v54 =	vld [tilespmem:s1+$0xFFFFFF00]  }
0x305: {  	s12 =	sadd.s32 $0x7, s0;
	s0 =	sadd.s32 $0x8, s0;
	v48 =	vadd.s32 v9, v39;
	v39 =	vmul.f32 $8.000000000e+00, v62;
	v49 =	vld [tilespmem:s1+$0xFFFFFEC0];
	[tilespmem:v4+s26+$0x0] =	vst.idx.msk $0xffff, v2;
	v40 =	vmul.f32 $8.000000000e+00, v63  }
0x306: {  	_ =	sdelay $0x3  }
0x307: {  	v2 =	vadd.s32 v19, v37;
	v3 =	vld [tilespmem:s1+$0xFFFFFF40];
	v5 =	vmul.f32 $8.000000000e+00, v50;
	[tilespmem:v55+s26+$0x0] =	vst.idx.msk $0xffff, v39  }
0x308: {  	v36 =	vadd.s32 v21, v36;
	[tilespmem:v51+s26+$0x0] =	vst.idx.msk $0xffff, v40;
	v52 =	vmul.f32 $8.000000000e+00, v52  }
0x309: {  	v35 =	vadd.s32 v25, v35;
	v4 =	vmul.f32 $8.000000000e+00, v56;
	[tilespmem:v48+s26+$0x0] =	vst.idx.msk $0xffff, v5  }
0x30a: {  	[tilespmem:v41+s26+$0x0] =	vst.idx.msk $0xffff, v52;
	v5 =	vmul.f32 $8.000000000e+00, v49  }
0x30b: {  	v63 =	vld [tilespmem:s1+$0xFFFFFF80];
	v56 =	vmul.f32 $8.000000000e+00, v54;
	[tilespmem:v53+s26+$0x0] =	vst.idx.msk $0xffff, v4  }
0x30c: {  	v0 =	vmov s12;
	v40 =	vld [tilespmem:s1+$0xFFFFFFC0];
	[tilespmem:v2+s26+$0x0] =	vst.idx.msk $0xffff, v5;
	v2 =	vmul.f32 $8.000000000e+00, v3  }
0x30d: {  	s0 =	sadd.s32 $0x200, s1;
	v33 =	vadd.s32 v29, v33;
	v47 =	vbroadcast v47, $0x0;
	v0 =	vshrl.u32 v0, $0x3;
	v3 =	vld [tilespmem:$0x1FF10];
	[tilespmem:v36+s26+$0x0] =	vst.idx.msk $0xffff, v56  }
0x30e: {  	v34 =	vadd.s32 v30, v34;
	v0 =	vshll.u32 v0, v1;
	v4 =	vld [tilespmem:s0+$0xFFFFFFD0];
	[tilespmem:v35+s26+$0x0] =	vst.idx.msk $0xffff, v2  }
0x30f: {  	v60 =	vadd.s32 v10, v47;
	v0 =	vbroadcast v0, $0x0;
	v10 =	vld [tilespmem:$0x1FF40]  }
0x310: {  	v57 =	vld [tilespmem:s0+$0xFFFFFE50];
	v59 =	vmul.f32 $8.000000000e+00, v63  }
0x311: {  	v55 =	vld [tilespmem:s0+$0xFFFFFE10];
	v58 =	vadd.s32 v13, v0;
	v2 =	vmul.f32 $8.000000000e+00, v40  }
0x312: {  	v44 =	vbroadcast v44, $0x0;
	[tilespmem:v33+s26+$0x0] =	vst.idx.msk $0xffff, v59  }
0x313: {  	[tilespmem:v34+s26+$0x0] =	vst.idx.msk $0xffff, v2;
	v3 =	vadd.s32 v3, v38  }
0x314: {  	v4 =	vmul.f32 $8.000000000e+00, v4;
	v62 =	vadd.s32 v10, v44;
	v10 =	vld [tilespmem:$0x1FF70]  }
0x315: {  	v2 =	vmul.f32 $8.000000000e+00, v57  }
0x316: {  	v5 =	vld [tilespmem:s0+$0xFFFFFE90];
	v52 =	vmul.f32 $8.000000000e+00, v55;
	[tilespmem:v58+s26+$0x0] =	vst.idx.msk $0xffff, v4  }
0x317: {  	v46 =	vbroadcast v46, $0x0;
	[tilespmem:v60+s26+$0x0] =	vst.idx.msk $0xffff, v2  }
0x318: {  	[tilespmem:v3+s26+$0x0] =	vst.idx.msk $0xffff, v52  }
0x319: {  	v55 =	vadd.s32 v10, v46;
	v10 =	vld [tilespmem:$0x1FF90];
	_ =	sdelay $0x1  }
0x31a: {  	v42 =	vshll.u32 v42, v1;
	v61 =	vld [tilespmem:s0+$0xFFFFFED0];
	v3 =	vmul.f32 $8.000000000e+00, v5  }
0x31b: {  	v45 =	vbroadcast v45, $0x0;
	v42 =	vbroadcast v42, $0x0;
	v54 =	vld [tilespmem:s0+$0xFFFFFF50]  }
0x31c: {  	v63 =	vld [tilespmem:s0+$0xFFFFFF10];
	[tilespmem:v62+s26+$0x0] =	vst.idx.msk $0xffff, v3  }
0x31d: {  	v43 =	vbroadcast v43, $0x0;
	v53 =	vadd.s32 v18, v45;
	v57 =	vadd.s32 v10, v42;
	v10 =	vld [tilespmem:$0x1FFB0]  }
0x31e: {  	v56 =	vld [tilespmem:s0+$0xFFFFFF90]  }
0x31f: {  	v4 =	vadd.s32 v26, v43;
	v33 =	vld [tilespmem:s0+$0xFFFFFE20]  }
0x320: {  	v2 =	vmul.f32 $8.000000000e+00, v61;
	v5 =	vld [tilespmem:s0+$0xFFFFFFE0]  }
0x321: {  	v60 =	vadd.s32 v31, v38;
	v58 =	vld [tilespmem:s0+$0xFFFFFE60];
	v3 =	vmul.f32 $8.000000000e+00, v63  }
0x322: {  	v61 =	vld [tilespmem:s0+$0xFFFFFEA0];
	[tilespmem:v53+s26+$0x0] =	vst.idx.msk $0xffff, v2;
	v2 =	vmul.f32 $8.000000000e+00, v54;
	v59 =	vadd.s32 v10, v0  }
0x323: {  	v62 =	vadd.s32 v15, v47;
	[tilespmem:v55+s26+$0x0] =	vst.idx.msk $0xffff, v3;
	v3 =	vmul.f32 $8.000000000e+00, v56;
	v63 =	vld [tilespmem:s0+$0xFFFFFEE0]  }
0x324: {  	v18 =	vadd.s32 v20, v44;
	v52 =	vld [tilespmem:s0+$0xFFFFFF20];
	[tilespmem:v4+s26+$0x0] =	vst.idx.msk $0xffff, v2;
	v4 =	vmul.f32 $8.000000000e+00, v33  }
0x325: {  	v2 =	vmul.f32 $8.000000000e+00, v5;
	v5 =	vadd.s32 v24, v45;
	v53 =	vld [tilespmem:s0+$0xFFFFFF60];
	[tilespmem:v57+s26+$0x0] =	vst.idx.msk $0xffff, v3  }
0x326: {  	v54 =	vadd.s32 v7, v46;
	[tilespmem:v60+s26+$0x0] =	vst.idx.msk $0xffff, v4;
	v3 =	vmul.f32 $8.000000000e+00, v58;
	v55 =	vld [tilespmem:s0+$0xFFFFFFA0]  }
0x327: {  	v4 =	vadd.s32 v27, v43;
	v40 =	vld [tilespmem:s0+$0xFFFFFE30];
	[tilespmem:v59+s26+$0x0] =	vst.idx.msk $0xffff, v2;
	v2 =	vmul.f32 $8.000000000e+00, v61  }
0x328: {  	v56 =	vadd.s32 v11, v42;
	[tilespmem:v62+s26+$0x0] =	vst.idx.msk $0xffff, v3;
	v3 =	vmul.f32 $8.000000000e+00, v63;
	v35 =	vld [tilespmem:s0+$0xFFFFFFF0]  }
0x329: {  	v57 =	vld [tilespmem:s0+$0xFFFFFE70];
	v59 =	vadd.s32 v8, v38;
	[tilespmem:v18+s26+$0x0] =	vst.idx.msk $0xffff, v2;
	v2 =	vmul.f32 $8.000000000e+00, v52  }
0x32a: {  	v58 =	vadd.s32 v23, v0;
	[tilespmem:v5+s26+$0x0] =	vst.idx.msk $0xffff, v3;
	v3 =	vmul.f32 $8.000000000e+00, v53;
	v60 =	vld [tilespmem:s0+$0xFFFFFEB0]  }
0x32b: {  	v5 =	vadd.s32 v12, v47;
	v61 =	vld [tilespmem:s0+$0xFFFFFEF0];
	[tilespmem:v54+s26+$0x0] =	vst.idx.msk $0xffff, v2;
	v2 =	vmul.f32 $8.000000000e+00, v55  }
0x32c: {  	v62 =	vadd.s32 v16, v44;
	[tilespmem:v4+s26+$0x0] =	vst.idx.msk $0xffff, v3;
	v4 =	vmul.f32 $8.000000000e+00, v40;
	v63 =	vld [tilespmem:s0+$0xFFFFFF30]  }
0x32d: {  	v16 =	vadd.s32 v22, v45;
	v18 =	vld [tilespmem:s0+$0xFFFFFF70];
	v3 =	vmul.f32 $8.000000000e+00, v35;
	[tilespmem:v56+s26+$0x0] =	vst.idx.msk $0xffff, v2  }
0x32e: {  	v52 =	vadd.s32 v28, v46;
	[tilespmem:v59+s26+$0x0] =	vst.idx.msk $0xffff, v4;
	v2 =	vmul.f32 $8.000000000e+00, v57;
	v53 =	vld [tilespmem:s0+$0xFFFFFFB0]  }
0x32f: {  	v4 =	vadd.s32 v6, v43;
	v41 =	vld [tilespmem:s0+$0xFFFFFE40];
	[tilespmem:v58+s26+$0x0] =	vst.idx.msk $0xffff, v3;
	v3 =	vmul.f32 $8.000000000e+00, v60  }
0x330: {  	[tilespmem:v5+s26+$0x0] =	vst.idx.msk $0xffff, v2;
	v2 =	vmul.f32 $8.000000000e+00, v61;
	v5 =	vadd.s32 v32, v42;
	v34 =	vld [tilespmem:s0+$0x0]  }
0x331: {  	v55 =	vadd.s32 v9, v38;
	v54 =	vld [tilespmem:s0+$0xFFFFFE80];
	[tilespmem:v62+s26+$0x0] =	vst.idx.msk $0xffff, v3;
	v3 =	vmul.f32 $8.000000000e+00, v63  }
0x332: {  	v0 =	vadd.s32 v17, v0;
	[tilespmem:v16+s26+$0x0] =	vst.idx.msk $0xffff, v2;
	v2 =	vmul.f32 $8.000000000e+00, v18;
	v56 =	vld [tilespmem:s0+$0xFFFFFEC0]  }
0x333: {  	v57 =	vadd.s32 v14, v47;
	v58 =	vld [tilespmem:s0+$0xFFFFFF00];
	[tilespmem:v52+s26+$0x0] =	vst.idx.msk $0xffff, v3;
	v3 =	vmul.f32 $8.000000000e+00, v53  }
0x334: {  	v59 =	vadd.s32 v19, v44;
	[tilespmem:v4+s26+$0x0] =	vst.idx.msk $0xffff, v2;
	v4 =	vmul.f32 $8.000000000e+00, v41;
	v60 =	vld [tilespmem:s0+$0xFFFFFF40]  }
0x335: {  	v61 =	vadd.s32 v21, v45;
	v62 =	vld [tilespmem:s0+$0xFFFFFF80];
	v2 =	vmul.f32 $8.000000000e+00, v34;
	[tilespmem:v5+s26+$0x0] =	vst.idx.msk $0xffff, v3  }
0x336: {  	v3 =	vmul.f32 $8.000000000e+00, v54;
	v5 =	vadd.s32 v25, v46;
	[tilespmem:v55+s26+$0x0] =	vst.idx.msk $0xffff, v4;
	v63 =	vld [tilespmem:s0+$0xFFFFFFC0]  }
0x337: {  	[tilespmem:v0+s26+$0x0] =	vst.idx.msk $0xffff, v2;
	v0 =	vmul.f32 $8.000000000e+00, v56;
	v2 =	vadd.s32 v29, v43  }
0x338: {  	v4 =	vadd.s32 v30, v42;
	[tilespmem:v57+s26+$0x0] =	vst.idx.msk $0xffff, v3;
	v3 =	vmul.f32 $8.000000000e+00, v58  }
0x339: {  	s1 =	sadd.s32 $0x3, s31;
	[tilespmem:v59+s26+$0x0] =	vst.idx.msk $0xffff, v0;
	v0 =	vmul.f32 $8.000000000e+00, v60  }
0x33a: {  	s6 =	sshll.u32 s1, $0x7;
	[tilespmem:v61+s26+$0x0] =	vst.idx.msk $0xffff, v3;
	v3 =	vmul.f32 $8.000000000e+00, v62  }
0x33b: {  	s0 =	sshll.u32 s1, $0xA;
	s1 =	sand.u32 $0xF80, s6;
	[tilespmem:v5+s26+$0x0] =	vst.idx.msk $0xffff, v0;
	v0 =	vmul.f32 $8.000000000e+00, v63  }
0x33c: {  	s0 =	sand.u32 $0xFFF8000, s0;
	s1 =	sadd.s32 s2, s1;
	[tilespmem:v2+s26+$0x0] =	vst.idx.msk $0xffff, v3  }
0x33d: {  	s7 =	simm.s32 $0x14A00;
	s1 =	sadd.s32 s0, s1;
	[tilespmem:v4+s26+$0x0] =	vst.idx.msk $0xffff, v0  }
0x33e: {  	[hbm4b:s1+s3] =	stream.linear.scatter [tilespmem:s7], [sflag:$0x9], $0x80, $0x38;
	[tilespmem:$0x16C00] =	vst v63  }
0x33f: {  	s12 =	simm.s32 $0x14A88;
	s6 =	sadd.s32 $0x10, s1  }
0x340: {  	[hbm4b:s6+s3] =	stream.linear.scatter [tilespmem:s12], [sflag:$0x9], $0x80, $0x38;
	[tilespmem:$0x16C00] =	vst v63  }
0x341: {  	s14 =	simm.s32 $0x14B10;
	s31 =	sadd.s32 $0x20, s1  }
0x342: {  	[hbm4b:s31+s3] =	stream.linear.scatter [tilespmem:s14], [sflag:$0x9], $0x80, $0x38;
	[tilespmem:$0x16C00] =	vst v63  }
0x343: {  	s7 =	simm.s32 $0x14B98;
	s12 =	sadd.s32 $0x30, s1  }
0x344: {  	[hbm4b:s12+s3] =	stream.linear.scatter [tilespmem:s7], [sflag:$0x9], $0x80, $0x38;
	[tilespmem:$0x16C00] =	vst v63  }
0x345: {  	s14 =	simm.s32 $0x14C20;
	s31 =	sadd.s32 $0x40, s1  }
0x346: {  	[hbm4b:s31+s3] =	stream.linear.scatter [tilespmem:s14], [sflag:$0x9], $0x80, $0x38;
	[tilespmem:$0x16C00] =	vst v63  }
0x347: {  	s0 =	simm.s32 $0x440;
	s7 =	simm.s32 $0x14CA8;
	s12 =	sadd.s32 $0x50, s1  }
0x348: {  	[hbm4b:s12+s3] =	stream.linear.scatter [tilespmem:s7], [sflag:$0x9], $0x80, $0x38;
	[tilespmem:$0x16C00] =	vst v63  }
0x349: {  	s6 =	sadd.s32 $0x70, s1;
	s14 =	simm.s32 $0x14D30;
	s31 =	sadd.s32 $0x60, s1  }
0x34a: {  	v26 =	vmov v20;
	v10 =	vmov v31;
	v21 =	vmov v15;
	[hbm4b:s31+s3] =	stream.linear.scatter [tilespmem:s14], [sflag:$0x9], $0x80, $0x38;
	[tilespmem:$0x16C00] =	vst v63  }
0x34b: {  	v25 =	vmovc v28;
	v29 =	vmovc v27;
	v60 =	vmov v24;
	v61 =	vmov v7;
	v0 =	vmov v8;
	s1 =	sadd.s32 $0x1000, s1;
	s12 =	simm.s32 $0x2200;
	s14 =	simm.s32 $0x14DB8  }
.LBB2_29:
0x34c: {  	[hbm4b:s6+s3] =	stream.linear.scatter [tilespmem:s14], [sflag:$0x9], $0x80, $0x38;
	[tilespmem:$0x16C00] =	vst v63  }
0x34d: {  	s6 =	smov.u32 s0;
	s0 =	smov.u32 s12  }
0x34e: {  	s7 =	sadd.s32 $0x1100, s12;
	s0 =	sshra.s32 s0, $0x2;
	s14 =	sadd.s32 $0x14A00, s6  }
0x34f: {  	[hbm4b:s1+s3] =	stream.linear.scatter [tilespmem:s14], [sflag:$0x9], $0x80, $0x38;
	[tilespmem:$0x16C00] =	vst v63  }
0x350: {  	p0 =	sne.s32 s12, $0x7700;
	s12 =	sadd.s32 $0x14A88, s6;
	s14 =	sadd.s32 $0x10, s1  }
0x351: {  	[hbm4b:s14+s3] =	stream.linear.scatter [tilespmem:s12], [sflag:$0x9], $0x80, $0x38;
	[tilespmem:$0x16C00] =	vst v63  }
0x352: {  	s12 =	sadd.s32 $0x14B10, s6;
	s14 =	sadd.s32 $0x20, s1  }
0x353: {  	[hbm4b:s14+s3] =	stream.linear.scatter [tilespmem:s12], [sflag:$0x9], $0x80, $0x38;
	[tilespmem:$0x16C00] =	vst v63  }
0x354: {  	s12 =	sadd.s32 $0x14B98, s6;
	s14 =	sadd.s32 $0x30, s1  }
0x355: {  	[hbm4b:s14+s3] =	stream.linear.scatter [tilespmem:s12], [sflag:$0x9], $0x80, $0x38;
	[tilespmem:$0x16C00] =	vst v63  }
0x356: {  	s12 =	sadd.s32 $0x14C20, s6;
	s14 =	sadd.s32 $0x40, s1  }
0x357: {  	[hbm4b:s14+s3] =	stream.linear.scatter [tilespmem:s12], [sflag:$0x9], $0x80, $0x38;
	[tilespmem:$0x16C00] =	vst v63  }
0x358: {  	s12 =	sadd.s32 $0x14CA8, s6;
	s14 =	sadd.s32 $0x50, s1  }
0x359: {  	[hbm4b:s14+s3] =	stream.linear.scatter [tilespmem:s12], [sflag:$0x9], $0x80, $0x38;
	[tilespmem:$0x16C00] =	vst v63  }
.Ltmp18:
0x35a: {  	_ = 	snop;
	(pc) =	sbr.rel @p0 .LBB2_29-.Ltmp18, $4  }
0x35b: {  	s12 =	sadd.s32 $0x14D30, s6;
	s14 =	sadd.s32 $0x60, s1  }
0x35c: {  	[hbm4b:s14+s3] =	stream.linear.scatter [tilespmem:s12], [sflag:$0x9], $0x80, $0x38;
	[tilespmem:$0x16C00] =	vst v63  }
0x35d: {  	s14 =	sadd.s32 $0x14DB8, s6  }
0x35e: {  	s6 =	sadd.s32 $0x70, s1;
	s1 =	sadd.s32 $0x1000, s1;
	s12 =	smov.u32 s7  }
0x35f: {  	[hbm4b:s6+s3] =	stream.linear.scatter [tilespmem:s14], [sflag:$0x9], $0x80, $0x38;
	[tilespmem:$0x16C00] =	vst v63  }
0x360: {  	s14 =	sadd.s32 $0x14A00, s0  }
0x361: {  	[hbm4b:s1+s3] =	stream.linear.scatter [tilespmem:s14], [sflag:$0x9], $0x80, $0x38;
	[tilespmem:$0x16C00] =	vst v63  }
0x362: {  	s31 =	sadd.s32 $0x14A88, s0;
	s7 =	sadd.s32 $0x10, s1  }
0x363: {  	[hbm4b:s7+s3] =	stream.linear.scatter [tilespmem:s31], [sflag:$0x9], $0x80, $0x38;
	[tilespmem:$0x16C00] =	vst v63  }
0x364: {  	s12 =	sadd.s32 $0x20, s1;
	s7 =	sadd.s32 $0x14B10, s0  }
0x365: {  	[hbm4b:s12+s3] =	stream.linear.scatter [tilespmem:s7], [sflag:$0x9], $0x80, $0x38;
	[tilespmem:$0x16C00] =	vst v63  }
0x366: {  	s14 =	sadd.s32 $0x14B98, s0;
	s31 =	sadd.s32 $0x30, s1  }
0x367: {  	[hbm4b:s31+s3] =	stream.linear.scatter [tilespmem:s14], [sflag:$0x9], $0x80, $0x38;
	[tilespmem:$0x16C00] =	vst v63  }
0x368: {  	s7 =	sadd.s32 $0x14C20, s0;
	s12 =	sadd.s32 $0x40, s1  }
0x369: {  	[hbm4b:s12+s3] =	stream.linear.scatter [tilespmem:s7], [sflag:$0x9], $0x80, $0x38;
	[tilespmem:$0x16C00] =	vst v63  }
0x36a: {  	p0 =	seq.s32 s30, $0x31;
	s14 =	sadd.s32 $0x14CA8, s0;
	s31 =	sadd.s32 $0x50, s1  }
0x36b: {  	[hbm4b:s31+s3] =	stream.linear.scatter [tilespmem:s14], [sflag:$0x9], $0x80, $0x38;
	[tilespmem:$0x16C00] =	vst v63  }
.Ltmp19:
0x36c: {  	_ = 	snop;
	(pc) =	sbr.rel @p0 .LBB2_32-.Ltmp19, $4  }
0x36d: {  	s7 =	sadd.s32 $0x14D30, s0;
	s12 =	sadd.s32 $0x60, s1  }
0x36e: {  	[hbm4b:s12+s3] =	stream.linear.scatter [tilespmem:s7], [sflag:$0x9], $0x80, $0x38;
	[tilespmem:$0x16C00] =	vst v63  }
0x36f: {  	s14 =	sadd.s32 $0x14DB8, s0;
	s31 =	sadd.s32 $0x70, s1  }
0x370: {  	[hbm4b:s31+s3] =	stream.linear.scatter [tilespmem:s14], [sflag:$0x9], $0x80, $0x38;
	[tilespmem:$0x16C00] =	vst v63  }
0x371: {  	v20 =	vld [tilespmem:$0x1FF10]  }
0x372: {  	v5 =	vld [tilespmem:$0x1FE60]  }
0x373: {  	v24 =	vld [tilespmem:$0x1FF20]  }
0x374: {  	v16 =	vld [tilespmem:$0x1FF30]  }
0x375: {  	v13 =	vld [tilespmem:$0x1FF40]  }
0x376: {  	v3 =	vld [tilespmem:$0x1FF50]  }
0x377: {  	v17 =	vld [tilespmem:$0x1FF60]  }
0x378: {  	v54 =	vld [tilespmem:$0x1FF70]  }
0x379: {  	v12 =	vld [tilespmem:$0x1FEC0]  }
0x37a: {  	v28 =	vld [tilespmem:$0x1FF80]  }
.Ltmp20:
0x37b: {  	v57 =	vld [tilespmem:$0x1FF90];
	(pc) =	sbr.rel .LBB2_2-.Ltmp20, $4  }
0x37c: {  	s0 =	sshll.u32 s30, $0x9;
	v27 =	vld [tilespmem:$0x1FFA0]  }
0x37d: {  	v23 =	vld [tilespmem:$0x1FFB0];
	s0 =	sand.u32 $0x3FFFFE00, s0  }
0x37e: {  	s30 =	sadd.s32 $0x1, s30;
	v19 =	vld [tilespmem:$0x1FFC0];
	s0 =	sadd.s32 $0x380, s0  }
0x37f: {  	v15 =	vld [tilespmem:$0x1FFD0];
	[tilespmem:s15], [sflag:$0x5] =	stream.indirect.gather [hbm4b:s4+s9], $0x40, s0, s9, $0xb8  }
.LBB2_33:
0x380: {  	_ =	sfence.sel $0x180000  }
0x381: {  	[bflag:$0x0] =	sbarrier.arrive $0xFFFF  }
0x382: {  	_ =	strace $0x90000047  }
0x383: {  	s0 =	stileid.u32;
	[bflag:$0x2] =	sbarrier.arrive $0xFFFF  }
0x384: {  	p0 =	sne.s32 s0, $0x0;
	s0 =	rddreg [dreg:$0x2]  }
0x385: {  	s0 =	sadd.s32 @!p0 $0x100000, s0  }
0x386: {  	[sflag:s0] =	ssyncadd.tile.s32 @!p0 $0x1;
	_ =	shalt  }
.Lfunc_end2:
_tile_overlayer_lowered:
.L_overlay_start_2:
0x387: {  	(tag) =	ssettag $0x2  }
0x388: {  	s0 =	rddreg [dreg:$0x0];
	s2 =	stileid.u32  }
0x389: {  	s1 =	rddreg [dreg:$0x1];
	p0 =	sne.s32 s2, $0x0  }
0x38a: {  	s3 =	rddreg [dreg:$0x2];
	[bflag:$0x3] =	sbarrier.arrive $0xFFFF;
	s2 =	simm.s32 @!p0 $0x1C0A  }
0x38b: {  	[timem:s3], [sflag:s2] =	dma.local @!p0 [hbm:s0], s1  }
0x38c: {  	s0 =	simm.s32 @!p0 $0xA  }
0x38d: {  	_ =	swait.ge @!p0 [sflag:s0], s1  }
0x38e: {  	s1 =	ssub.s32 @!p0 $0x0, s1;
	[sflag:s0] =	ssyncset.done @!p0 $0x0  }
0x38f: {  	[sflag:s0] =	ssyncadd.s32 @!p0 s1  }
0x390: {  	[bflag:$0x3] =	sbarrier.arrive $0xFFFF  }
0x391: {  	_ =	shalt  }

</sc_bundles>
